<compile_context>
chip_gen: v7x
topology: tpu7x:2x2x1
jax: 0.10.2.dev20260603
libtpu: 0.0.44.dev20260713+nightly
codegen_flags: <defaults>
</compile_context>

<pallas_src>
import functools

import jax
import jax.numpy as jnp
from jax import lax
from jax.experimental import pallas as pl
from jax.experimental.pallas import tpu as pltpu
from jax.experimental.pallas import tpu_sc as plsc

N = 10000
E = 320000
D = 128
H = 128
C = 40
EPS = 1e-5

NC = 2
NS = 16
NW = NC * NS
K = 128
T = 80
E_PAD = NW * T * K
OROWS = 632
OPAD = NS * OROWS
ACC_ROWS = OPAD
ZROWS = OROWS

@functools.lru_cache(maxsize=None)
def _sc_kernels():
    mesh = plsc.VectorSubcoreMesh(core_axis_name="c", subcore_axis_name="s",
                                  num_cores=NC, num_subcores=NS)

    @functools.partial(
        pl.kernel,
        out_type=jax.ShapeDtypeStruct((NC, OPAD, H), jnp.float32),
        mesh=mesh,
        scratch_types=[
            pltpu.VMEM((T, K), jnp.int32),
            pltpu.VMEM((K, H), jnp.float32),
            pltpu.VMEM_SHARED((ACC_ROWS, H), jnp.float32),
            pltpu.SemaphoreType.DMA,
        ],
    )
    def deg_kernel(dst_hbm, ones_hbm, zeros_hbm, out_hbm, dst_all, ones_v,
                   acc, sem):
        cid = lax.axis_index("c")
        sid = lax.axis_index("s")
        wid = sid * NC + cid
        pltpu.sync_copy(zeros_hbm, acc.at[pl.ds(sid * ZROWS, ZROWS)])
        pltpu.sync_copy(ones_hbm, ones_v)
        pltpu.sync_copy(dst_hbm.at[pl.ds(wid * T, T)], dst_all)
        plsc.subcore_barrier()

        def chunk(c, carry):
            pltpu.async_copy(ones_v, acc.at[dst_all.at[c]], sem, add=True)
            return carry

        lax.fori_loop(0, T, chunk, 0)

        def drain(c, carry):
            pltpu.make_async_copy(ones_v, acc.at[dst_all.at[c]], sem).wait()
            return carry

        lax.fori_loop(0, T, drain, 0)
        plsc.subcore_barrier()
        pltpu.sync_copy(acc.at[pl.ds(sid * OROWS, OROWS)],
                        out_hbm.at[cid].at[pl.ds(sid * OROWS, OROWS)])

    NBUF = 2
    IB = 4
    G2 = T // IB

    @functools.partial(
        pl.kernel,
        out_type=jax.ShapeDtypeStruct((NC, OPAD, H), jnp.float32),
        mesh=mesh,
        scratch_types=[
            pltpu.VMEM((IB, K), jnp.int32),
            pltpu.VMEM((IB, K), jnp.int32),
            pltpu.VMEM((NBUF, K, H), jnp.float32),
            pltpu.VMEM_SHARED((ACC_ROWS, H), jnp.float32),
            pltpu.SemaphoreType.DMA((NBUF,)),
            pltpu.SemaphoreType.DMA((NBUF,)),
            pltpu.SemaphoreType.DMA((IB,)),
        ],
    )
    def agg_kernel(h_hbm, src_hbm, dst_hbm, zeros_hbm, out_hbm,
                   sidx, didx, rows, acc, gsem, ssem, isem):
        cid = lax.axis_index("c")
        sid = lax.axis_index("s")
        wid = sid * NC + cid
        base = wid * T
        pltpu.sync_copy(zeros_hbm, acc.at[pl.ds(sid * ZROWS, ZROWS)])
        for b in range(NBUF):
            pltpu.async_copy(src_hbm.at[base + b], sidx.at[b], isem.at[b])
            pltpu.async_copy(dst_hbm.at[base + b], didx.at[b], isem.at[b])
        plsc.subcore_barrier()

        def do_chunk(g, u, drain_only):
            b = u % NBUF
            c = g * IB + u
            pu = (u - NBUF) % IB

            def wait_scatter():
                pltpu.make_async_copy(rows.at[b], acc.at[didx.at[pu]],
                                      ssem.at[b]).wait()

            if u < NBUF:
                pl.when(g > 0)(wait_scatter)
            else:
                wait_scatter()
            if drain_only:
                return
            pf = (u + NBUF) % IB

            def prefetch():
                pltpu.async_copy(src_hbm.at[base + c + NBUF], sidx.at[pf],
                                 isem.at[pf])
                pltpu.async_copy(dst_hbm.at[base + c + NBUF], didx.at[pf],
                                 isem.at[pf])

            if u < NBUF:
                prefetch()
            else:
                pl.when(g < G2 - 1)(prefetch)
            pltpu.make_async_copy(src_hbm.at[base + c], sidx.at[u],
                                  isem.at[u]).wait()
            pltpu.make_async_copy(dst_hbm.at[base + c], didx.at[u],
                                  isem.at[u]).wait()
            pltpu.async_copy(h_hbm.at[sidx.at[u]], rows.at[b], gsem.at[b])
            pltpu.make_async_copy(h_hbm.at[sidx.at[u]], rows.at[b],
                                  gsem.at[b]).wait()
            pltpu.async_copy(rows.at[b], acc.at[didx.at[u]], ssem.at[b],
                             add=True)

        def group(g, carry):
            for u in range(IB):
                do_chunk(g, u, False)
            return carry

        lax.fori_loop(0, G2, group, 0)
        for u in range(NBUF, IB):
            pltpu.make_async_copy(rows.at[u % NBUF], acc.at[didx.at[u]],
                                  ssem.at[u % NBUF]).wait()
        plsc.subcore_barrier()
        pltpu.sync_copy(acc.at[pl.ds(sid * OROWS, OROWS)],
                        out_hbm.at[cid].at[pl.ds(sid * OROWS, OROWS)])

    return deg_kernel, agg_kernel


BR = 1000


def _dinv(d0_ref, d1_ref):
    deg = d0_ref[:, 0:1] + d1_ref[:, 0:1] + 1.0
    return lax.rsqrt(deg)


def _a1_body(x_ref, w_ref, d0_ref, d1_ref, o_ref):
    h = jnp.dot(x_ref[...], w_ref[...], preferred_element_type=jnp.float32)
    o_ref[...] = h * _dinv(d0_ref, d1_ref)


def _bn_relu(p0, p1, hp, dinv, b, g, beta, rm, rv):
    agg = (p0[...] + p1[...] + hp[...]) * dinv + b[...]
    y = (agg - rm[...]) * lax.rsqrt(rv[...] + EPS) * g[...] + beta[...]
    return jnp.maximum(y, 0.0)


def _b1a2_body(p0, p1, hp, d0, d1, b, g, beta, rm, rv, w2, o_ref):
    dinv = _dinv(d0, d1)
    y = _bn_relu(p0, p1, hp, dinv, b, g, beta, rm, rv)
    o_ref[...] = jnp.dot(y, w2[...], preferred_element_type=jnp.float32) * dinv


def _b2fc_body(p0, p1, hp, d0, d1, b, g, beta, rm, rv, fw, fb, o_ref):
    dinv = _dinv(d0, d1)
    y = _bn_relu(p0, p1, hp, dinv, b, g, beta, rm, rv)
    logits = jnp.dot(y, fw[...], preferred_element_type=jnp.float32) + fb[...]
    col = lax.broadcasted_iota(jnp.int32, logits.shape, 1)
    logits = jnp.where(col < C, logits, -1e30)
    m = jnp.max(logits, axis=1, keepdims=True)
    s = jnp.sum(jnp.exp(logits - m), axis=1, keepdims=True)
    o_ref[...] = logits - m - jnp.log(s)


def _row_spec(w):
    return pl.BlockSpec((BR, w), lambda i: (i, 0))


def _full_spec(r, c):
    return pl.BlockSpec((r, c), lambda i: (0, 0))


_NH = jax.ShapeDtypeStruct((N, H), jnp.float32)

_a1_call = pl.pallas_call(
    _a1_body, grid=(N // BR,),
    in_specs=[_row_spec(D), _full_spec(D, H), _row_spec(16), _row_spec(16)],
    out_specs=_row_spec(H), out_shape=_NH)

_b1a2_call = pl.pallas_call(
    _b1a2_body, grid=(N // BR,),
    in_specs=[_row_spec(H), _row_spec(H), _row_spec(H), _row_spec(16),
              _row_spec(16)] + [_full_spec(1, H)] * 5 + [_full_spec(H, H)],
    out_specs=_row_spec(H), out_shape=_NH)

_b2fc_call = pl.pallas_call(
    _b2fc_body, grid=(N // BR,),
    in_specs=[_row_spec(H), _row_spec(H), _row_spec(H), _row_spec(16),
              _row_spec(16)] + [_full_spec(1, H)] * 5
             + [_full_spec(H, H), _full_spec(1, H)],
    out_specs=_row_spec(H), out_shape=_NH)


def kernel(x, edge_index, W1, b1, g1, beta1, rm1, rv1,
           W2, b2, g2, beta2, rm2, rv2, fcW, fcb):
    src = edge_index[0].astype(jnp.int32)
    dst = edge_index[1].astype(jnp.int32)
    pad = E_PAD - E
    src_p = jnp.concatenate([src, jnp.zeros((pad,), jnp.int32)]).reshape(-1, K)
    dst_p = jnp.concatenate([dst, jnp.full((pad,), N, jnp.int32)]).reshape(-1, K)

    onesH = jnp.ones((K, H), jnp.float32)
    zerosH = jnp.zeros((ZROWS, H), jnp.float32)

    deg_kernel, agg_kernel = _sc_kernels()
    degp = deg_kernel(dst_p, onesH, zerosH)
    d0, d1 = degp[0, :N, :16], degp[1, :N, :16]

    b1r, g1r, be1r = b1.reshape(1, H), g1.reshape(1, H), beta1.reshape(1, H)
    rm1r, rv1r = rm1.reshape(1, H), rv1.reshape(1, H)
    b2r, g2r, be2r = b2.reshape(1, H), g2.reshape(1, H), beta2.reshape(1, H)
    rm2r, rv2r = rm2.reshape(1, H), rv2.reshape(1, H)
    fw = jnp.pad(fcW, ((0, 0), (0, H - C)))
    fb = jnp.pad(fcb, (0, H - C)).reshape(1, H)

    h1p = _a1_call(x, W1, d0, d1)
    p1 = agg_kernel(h1p, src_p, dst_p, zerosH)
    h2p = _b1a2_call(p1[0, :N], p1[1, :N], h1p, d0, d1,
                     b1r, g1r, be1r, rm1r, rv1r, W2)
    p2 = agg_kernel(h2p, src_p, dst_p, zerosH)
    out = _b2fc_call(p2[0, :N], p2[1, :N], h2p, d0, d1,
                     b2r, g2r, be2r, rm2r, rv2r, fw, fb)
    return out[:, :C]

# --- scband reference (transcript-rebuilt; emitter-appended) ---
"""Pipeline reference for scband-gnnclassifier-24945170055619 (READ-ONLY COPY).

The authoritative reference and input builder live on the scoring server;
editing this copy changes nothing except your own understanding.
"""

import jax, jax.numpy as jnp
import numpy as np

N = 10000
E = 320000
D = 128
H = 128
C = 40
EPS = 1e-5


def setup_inputs(seed: int = 0) -> dict:
    key = jax.random.key(seed)
    ks = jax.random.split(key, 10)
    x = jax.random.normal(ks[0], (N, D), dtype=jnp.float32)
    edge_index = jax.random.randint(ks[1], (2, E), 0, N, dtype=jnp.int64)
    W1 = jax.random.normal(ks[2], (D, H), dtype=jnp.float32) * (1.0 / np.sqrt(D))
    b1 = jnp.zeros((H,), dtype=jnp.float32)
    g1 = jnp.ones((H,), dtype=jnp.float32)
    beta1 = jnp.zeros((H,), dtype=jnp.float32)
    rm1 = jnp.zeros((H,), dtype=jnp.float32)
    rv1 = jnp.ones((H,), dtype=jnp.float32)
    W2 = jax.random.normal(ks[3], (H, H), dtype=jnp.float32) * (1.0 / np.sqrt(H))
    b2 = jnp.zeros((H,), dtype=jnp.float32)
    g2 = jnp.ones((H,), dtype=jnp.float32)
    beta2 = jnp.zeros((H,), dtype=jnp.float32)
    rm2 = jnp.zeros((H,), dtype=jnp.float32)
    rv2 = jnp.ones((H,), dtype=jnp.float32)
    fcW = jax.random.normal(ks[4], (H, C), dtype=jnp.float32) * (1.0 / np.sqrt(H))
    fcb = jnp.zeros((C,), dtype=jnp.float32)
    return {"x": x, "edge_index": edge_index, "W1": W1, "b1": b1, "g1": g1,
            "beta1": beta1, "rm1": rm1, "rv1": rv1, "W2": W2, "b2": b2,
            "g2": g2, "beta2": beta2, "rm2": rm2, "rv2": rv2,
            "fcW": fcW, "fcb": fcb}


def _gcn_conv(x, edge_index, W, b):
    # GCNConv with added self-loops and symmetric normalization (PyG semantics)
    loop = jnp.arange(N, dtype=edge_index.dtype)
    src = jnp.concatenate([edge_index[0], loop])
    dst = jnp.concatenate([edge_index[1], loop])
    ones = jnp.ones(src.shape[0], dtype=x.dtype)
    deg = jnp.zeros((N,), dtype=x.dtype).at[dst].add(ones)
    dinv = jnp.where(deg > 0, deg ** -0.5, 0.0)
    norm = dinv[src] * dinv[dst]
    h = x @ W
    msg = h[src] * norm[:, None]
    out = jnp.zeros((N, W.shape[1]), dtype=x.dtype).at[dst].add(msg)
    return out + b


def _bn_eval(x, g, beta, rm, rv):
    return (x - rm) / jnp.sqrt(rv + EPS) * g + beta


def reference(x, edge_index, W1, b1, g1, beta1, rm1, rv1,
              W2, b2, g2, beta2, rm2, rv2, fcW, fcb):
    h = _gcn_conv(x, edge_index, W1, b1)
    h = jax.nn.relu(_bn_eval(h, g1, beta1, rm1, rv1))
    # dropout is identity in eval mode
    h = _gcn_conv(h, edge_index, W2, b2)
    h = jax.nn.relu(_bn_eval(h, g2, beta2, rm2, rv2))
    logits = h @ fcW + fcb
    return jax.nn.log_softmax(logits, axis=1)

if __name__ == "__main__":
    import jax
    _d = setup_inputs()
    print(jax.jit(kernel)(*tuple(_d.values())))

</pallas_src>

<mosaic_0001>
#map = affine_map<(d0, d1) -> (0, 0)>
#map1 = affine_map<(d0, d1) -> (0, 0, 0)>
module attributes {stable_mosaic.version = 14 : i64} {
  func.func @deg_kernel(%arg0: i32, %arg1: i32, %arg2: memref<2560x128xi32, #tpu.memory_space<hbm>>, %arg3: memref<128x128xf32, #tpu.memory_space<hbm>>, %arg4: memref<632x128xf32, #tpu.memory_space<hbm>>, %arg5: memref<2x10112x128xf32, #tpu.memory_space<hbm>>, %arg6: memref<80x128xi32, #tpu.memory_space<vmem>>, %arg7: memref<128x128xf32, #tpu.memory_space<vmem>>, %arg8: memref<10112x128xf32, #tpu.memory_space<vmem_shared>>, %arg9: memref<!tpu.dma_semaphore, #tpu.memory_space<semaphore_mem>>) attributes {dimension_semantics = [#tpu.dimension_semantics<core_parallel>, #tpu.dimension_semantics<subcore_parallel>], iteration_bounds = array<i64: 2, 16>, scalar_prefetch = 0 : i64, scratch_operands = 4 : i64, tpu.core_type = #tpu.core_type<sc_vector_subcore>, window_params = [{transform_indices = #map}, {transform_indices = #map}, {transform_indices = #map}, {transform_indices = #map1}]} {
    %mul3A = arith.constant 2 : i32
    %mul3A_0 = arith.muli %arg1, %mul3A : i32
    %add3A = arith.addi %mul3A_0, %arg0 : i32
    %mul3A_1 = arith.constant 632 : i32
    %mul3A_2 = arith.muli %arg1, %mul3A_1 : i32
    "tpu.region"() ({
      %run_scoped3A = tpu.sem_alloc : memref<!tpu.dma_semaphore, #tpu.memory_space<semaphore_mem>>
      %dma_start3A = arith.constant 0 : i32
      %dma_start3A_21 = tpu.memref_slice %arg8[%mul3A_2, %dma_start3A] : memref<10112x128xf32, #tpu.memory_space<vmem_shared>> -> memref<632x128xf32, #tpu.memory_space<vmem_shared>>
      tpu.enqueue_dma source(%arg4 : memref<632x128xf32, #tpu.memory_space<hbm>>) target(%dma_start3A_21 : memref<632x128xf32, #tpu.memory_space<vmem_shared>>) target_semaphore(%run_scoped3A : memref<!tpu.dma_semaphore, #tpu.memory_space<semaphore_mem>>)
      %dma_wait3A = arith.constant 0 : i32
      %dma_wait3A_22 = tpu.memref_slice %arg8[%mul3A_2, %dma_wait3A] : memref<10112x128xf32, #tpu.memory_space<vmem_shared>> -> memref<632x128xf32, #tpu.memory_space<vmem_shared>>
      tpu.wait_dma2 semaphore(%run_scoped3A : memref<!tpu.dma_semaphore, #tpu.memory_space<semaphore_mem>>) src(%arg4 : memref<632x128xf32, #tpu.memory_space<hbm>>) dst(%dma_wait3A_22 : memref<632x128xf32, #tpu.memory_space<vmem_shared>>)
      tpu.yield
    }) : () -> ()
    "tpu.region"() ({
      %run_scoped3A = tpu.sem_alloc : memref<!tpu.dma_semaphore, #tpu.memory_space<semaphore_mem>>
      tpu.enqueue_dma source(%arg3 : memref<128x128xf32, #tpu.memory_space<hbm>>) target(%arg7 : memref<128x128xf32, #tpu.memory_space<vmem>>) target_semaphore(%run_scoped3A : memref<!tpu.dma_semaphore, #tpu.memory_space<semaphore_mem>>)
      tpu.wait_dma2 semaphore(%run_scoped3A : memref<!tpu.dma_semaphore, #tpu.memory_space<semaphore_mem>>) src(%arg3 : memref<128x128xf32, #tpu.memory_space<hbm>>) dst(%arg7 : memref<128x128xf32, #tpu.memory_space<vmem>>)
      tpu.yield
    }) : () -> ()
    %mul3A_3 = arith.constant 80 : i32
    %mul3A_4 = arith.muli %add3A, %mul3A_3 : i32
    "tpu.region"() ({
      %run_scoped3A = tpu.sem_alloc : memref<!tpu.dma_semaphore, #tpu.memory_space<semaphore_mem>>
      %dma_start3A = arith.constant 0 : i32
      %dma_start3A_21 = tpu.memref_slice %arg2[%mul3A_4, %dma_start3A] : memref<2560x128xi32, #tpu.memory_space<hbm>> -> memref<80x128xi32, #tpu.memory_space<hbm>>
      %dma_start3A_22 = arith.constant 0 : i32
      %dma_start3A_23 = tpu.memref_slice %arg2[%mul3A_4, %dma_start3A_22] : memref<2560x128xi32, #tpu.memory_space<hbm>> -> memref<80x128xi32, #tpu.memory_space<hbm>>
      tpu.enqueue_dma source(%dma_start3A_23 : memref<80x128xi32, #tpu.memory_space<hbm>>) target(%arg6 : memref<80x128xi32, #tpu.memory_space<vmem>>) target_semaphore(%run_scoped3A : memref<!tpu.dma_semaphore, #tpu.memory_space<semaphore_mem>>)
      %dma_wait3A = arith.constant 0 : i32
      %dma_wait3A_24 = tpu.memref_slice %arg2[%mul3A_4, %dma_wait3A] : memref<2560x128xi32, #tpu.memory_space<hbm>> -> memref<80x128xi32, #tpu.memory_space<hbm>>
      %dma_wait3A_25 = arith.constant 0 : i32
      %dma_wait3A_26 = tpu.memref_slice %arg2[%mul3A_4, %dma_wait3A_25] : memref<2560x128xi32, #tpu.memory_space<hbm>> -> memref<80x128xi32, #tpu.memory_space<hbm>>
      tpu.wait_dma2 semaphore(%run_scoped3A : memref<!tpu.dma_semaphore, #tpu.memory_space<semaphore_mem>>) src(%dma_wait3A_26 : memref<80x128xi32, #tpu.memory_space<hbm>>) dst(%arg6 : memref<80x128xi32, #tpu.memory_space<vmem>>)
      tpu.yield
    }) : () -> ()
    %barrier3A = arith.constant 0 : index
    tpu.barrier barrier_id(%barrier3A)
    %scan3A = arith.constant 0 : i32
    %scan3A_5 = arith.constant 0 : i32
    %scan3A_6 = arith.constant 80 : i32
    %scan3A_7 = arith.addi %scan3A_5, %scan3A_6 : i32
    %scan3A_8 = arith.constant 1 : i32
    scf.for %scan3A_21 = %scan3A_5 to %scan3A_7 step %scan3A_8  : i32 {
      %dma_start3A = arith.constant 0 : i32
      %dma_start3A_22 = tpu.memref_slice %arg6[%scan3A_21, %dma_start3A] : memref<80x128xi32, #tpu.memory_space<vmem>> -> memref<1x128xi32, #tpu.memory_space<vmem>>
      %dma_start3A_23 = tpu.memref_squeeze %dma_start3A_22 : memref<1x128xi32, #tpu.memory_space<vmem>> -> memref<128xi32, #tpu.memory_space<vmem>>
      %dma_start3A_24 = arith.constant 0 : i32
      %dma_start3A_25 = arith.constant 0 : i32
      %dma_start3A_26 = tpu.memref_slice %arg8[%dma_start3A_24, %dma_start3A_25] : memref<10112x128xf32, #tpu.memory_space<vmem_shared>> -> memref<10112x128xf32, #tpu.memory_space<vmem_shared>>
      tpu.enqueue_indirect_dma source(%arg7 : memref<128x128xf32, #tpu.memory_space<vmem>>) target(%dma_start3A_26 : memref<10112x128xf32, #tpu.memory_space<vmem_shared>>) offsets(%dma_start3A_23 : memref<128xi32, #tpu.memory_space<vmem>>) semaphore(%arg9 : memref<!tpu.dma_semaphore, #tpu.memory_space<semaphore_mem>>) {add = true}
    }
    %scan3A_9 = arith.constant 80 : i32
    %scan3A_10 = arith.constant 0 : i32
    %scan3A_11 = arith.constant 0 : i32
    %scan3A_12 = arith.constant 80 : i32
    %scan3A_13 = arith.addi %scan3A_11, %scan3A_12 : i32
    %scan3A_14 = arith.constant 1 : i32
    scf.for %scan3A_21 = %scan3A_11 to %scan3A_13 step %scan3A_14  : i32 {
      %dma_wait3A = arith.constant 0 : i32
      %dma_wait3A_22 = tpu.memref_slice %arg6[%scan3A_21, %dma_wait3A] : memref<80x128xi32, #tpu.memory_space<vmem>> -> memref<1x128xi32, #tpu.memory_space<vmem>>
      %dma_wait3A_23 = tpu.memref_squeeze %dma_wait3A_22 : memref<1x128xi32, #tpu.memory_space<vmem>> -> memref<128xi32, #tpu.memory_space<vmem>>
      %dma_wait3A_24 = arith.constant 0 : i32
      %dma_wait3A_25 = arith.constant 0 : i32
      %dma_wait3A_26 = tpu.memref_slice %arg8[%dma_wait3A_24, %dma_wait3A_25] : memref<10112x128xf32, #tpu.memory_space<vmem_shared>> -> memref<10112x128xf32, #tpu.memory_space<vmem_shared>>
      tpu.wait_indirect_dma semaphore(%arg9 : memref<!tpu.dma_semaphore, #tpu.memory_space<semaphore_mem>>) src(%arg7 : memref<128x128xf32, #tpu.memory_space<vmem>>) dst(%dma_wait3A_26 : memref<10112x128xf32, #tpu.memory_space<vmem_shared>>)
    }
    %scan3A_15 = arith.constant 80 : i32
    %barrier3A_16 = arith.constant 0 : index
    tpu.barrier barrier_id(%barrier3A_16)
    %mul3A_17 = arith.constant 632 : i32
    %mul3A_18 = arith.muli %arg1, %mul3A_17 : i32
    %mul3A_19 = arith.constant 632 : i32
    %mul3A_20 = arith.muli %arg1, %mul3A_19 : i32
    "tpu.region"() ({
      %run_scoped3A = tpu.sem_alloc : memref<!tpu.dma_semaphore, #tpu.memory_space<semaphore_mem>>
      %dma_start3A = arith.constant 0 : i32
      %dma_start3A_21 = arith.constant 0 : i32
      %dma_start3A_22 = tpu.memref_slice %arg5[%arg0, %dma_start3A, %dma_start3A_21] : memref<2x10112x128xf32, #tpu.memory_space<hbm>> -> memref<1x10112x128xf32, #tpu.memory_space<hbm>>
      %dma_start3A_23 = tpu.memref_squeeze %dma_start3A_22 : memref<1x10112x128xf32, #tpu.memory_space<hbm>> -> memref<10112x128xf32, #tpu.memory_space<hbm>>
      %dma_start3A_24 = arith.constant 0 : i32
      %dma_start3A_25 = tpu.memref_slice %dma_start3A_23[%mul3A_20, %dma_start3A_24] : memref<10112x128xf32, #tpu.memory_space<hbm>> -> memref<632x128xf32, #tpu.memory_space<hbm>>
      %dma_start3A_26 = arith.constant 0 : i32
      %dma_start3A_27 = tpu.memref_slice %arg8[%mul3A_18, %dma_start3A_26] : memref<10112x128xf32, #tpu.memory_space<vmem_shared>> -> memref<632x128xf32, #tpu.memory_space<vmem_shared>>
      tpu.enqueue_dma source(%dma_start3A_27 : memref<632x128xf32, #tpu.memory_space<vmem_shared>>) target(%dma_start3A_25 : memref<632x128xf32, #tpu.memory_space<hbm>>) target_semaphore(%run_scoped3A : memref<!tpu.dma_semaphore, #tpu.memory_space<semaphore_mem>>)
      %dma_wait3A = arith.constant 0 : i32
      %dma_wait3A_28 = arith.constant 0 : i32
      %dma_wait3A_29 = tpu.memref_slice %arg5[%arg0, %dma_wait3A, %dma_wait3A_28] : memref<2x10112x128xf32, #tpu.memory_space<hbm>> -> memref<1x10112x128xf32, #tpu.memory_space<hbm>>
      %dma_wait3A_30 = tpu.memref_squeeze %dma_wait3A_29 : memref<1x10112x128xf32, #tpu.memory_space<hbm>> -> memref<10112x128xf32, #tpu.memory_space<hbm>>
      %dma_wait3A_31 = arith.constant 0 : i32
      %dma_wait3A_32 = tpu.memref_slice %dma_wait3A_30[%mul3A_20, %dma_wait3A_31] : memref<10112x128xf32, #tpu.memory_space<hbm>> -> memref<632x128xf32, #tpu.memory_space<hbm>>
      %dma_wait3A_33 = arith.constant 0 : i32
      %dma_wait3A_34 = tpu.memref_slice %arg8[%mul3A_18, %dma_wait3A_33] : memref<10112x128xf32, #tpu.memory_space<vmem_shared>> -> memref<632x128xf32, #tpu.memory_space<vmem_shared>>
      tpu.wait_dma2 semaphore(%run_scoped3A : memref<!tpu.dma_semaphore, #tpu.memory_space<semaphore_mem>>) src(%dma_wait3A_34 : memref<632x128xf32, #tpu.memory_space<vmem_shared>>) dst(%dma_wait3A_32 : memref<632x128xf32, #tpu.memory_space<hbm>>)
      tpu.yield
    }) : () -> ()
    return
  }
}

#map = affine_map<(d0, d1) -> (0, 0)>
#map1 = affine_map<(d0, d1) -> (0, 0, 0)>
module attributes {stable_mosaic.version = 14 : i64} {
  func.func @agg_kernel(%arg0: i32, %arg1: i32, %arg2: memref<10000x128xf32, #tpu.memory_space<hbm>>, %arg3: memref<2560x128xi32, #tpu.memory_space<hbm>>, %arg4: memref<2560x128xi32, #tpu.memory_space<hbm>>, %arg5: memref<632x128xf32, #tpu.memory_space<hbm>>, %arg6: memref<2x10112x128xf32, #tpu.memory_space<hbm>>, %arg7: memref<4x128xi32, #tpu.memory_space<vmem>>, %arg8: memref<4x128xi32, #tpu.memory_space<vmem>>, %arg9: memref<2x128x128xf32, #tpu.memory_space<vmem>>, %arg10: memref<10112x128xf32, #tpu.memory_space<vmem_shared>>, %arg11: memref<2x!tpu.dma_semaphore, #tpu.memory_space<semaphore_mem>>, %arg12: memref<2x!tpu.dma_semaphore, #tpu.memory_space<semaphore_mem>>, %arg13: memref<4x!tpu.dma_semaphore, #tpu.memory_space<semaphore_mem>>) attributes {dimension_semantics = [#tpu.dimension_semantics<core_parallel>, #tpu.dimension_semantics<subcore_parallel>], iteration_bounds = array<i64: 2, 16>, scalar_prefetch = 0 : i64, scratch_operands = 7 : i64, tpu.core_type = #tpu.core_type<sc_vector_subcore>, window_params = [{transform_indices = #map}, {transform_indices = #map}, {transform_indices = #map}, {transform_indices = #map}, {transform_indices = #map1}]} {
    %mul3A = arith.constant 2 : i32
    %mul3A_0 = arith.muli %arg1, %mul3A : i32
    %add3A = arith.addi %mul3A_0, %arg0 : i32
    %mul3A_1 = arith.constant 80 : i32
    %mul3A_2 = arith.muli %add3A, %mul3A_1 : i32
    %mul3A_3 = arith.constant 632 : i32
    %mul3A_4 = arith.muli %arg1, %mul3A_3 : i32
    "tpu.region"() ({
      %run_scoped3A = tpu.sem_alloc : memref<!tpu.dma_semaphore, #tpu.memory_space<semaphore_mem>>
      %dma_start3A_115 = arith.constant 0 : i32
      %dma_start3A_116 = tpu.memref_slice %arg10[%mul3A_4, %dma_start3A_115] : memref<10112x128xf32, #tpu.memory_space<vmem_shared>> -> memref<632x128xf32, #tpu.memory_space<vmem_shared>>
      tpu.enqueue_dma source(%arg5 : memref<632x128xf32, #tpu.memory_space<hbm>>) target(%dma_start3A_116 : memref<632x128xf32, #tpu.memory_space<vmem_shared>>) target_semaphore(%run_scoped3A : memref<!tpu.dma_semaphore, #tpu.memory_space<semaphore_mem>>)
      %dma_wait3A_117 = arith.constant 0 : i32
      %dma_wait3A_118 = tpu.memref_slice %arg10[%mul3A_4, %dma_wait3A_117] : memref<10112x128xf32, #tpu.memory_space<vmem_shared>> -> memref<632x128xf32, #tpu.memory_space<vmem_shared>>
      tpu.wait_dma2 semaphore(%run_scoped3A : memref<!tpu.dma_semaphore, #tpu.memory_space<semaphore_mem>>) src(%arg5 : memref<632x128xf32, #tpu.memory_space<hbm>>) dst(%dma_wait3A_118 : memref<632x128xf32, #tpu.memory_space<vmem_shared>>)
      tpu.yield
    }) : () -> ()
    %add3A_5 = arith.constant 0 : i32
    %add3A_6 = arith.addi %mul3A_2, %add3A_5 : i32
    %dma_start3A = arith.constant 0 : i32
    %dma_start3A_7 = arith.constant 0 : i32
    %dma_start3A_8 = arith.constant 0 : i32
    %dma_start3A_9 = tpu.memref_slice %arg7[%dma_start3A, %dma_start3A_8] : memref<4x128xi32, #tpu.memory_space<vmem>> -> memref<1x128xi32, #tpu.memory_space<vmem>>
    %dma_start3A_10 = tpu.memref_squeeze %dma_start3A_9 : memref<1x128xi32, #tpu.memory_space<vmem>> -> memref<128xi32, #tpu.memory_space<vmem>>
    %dma_start3A_11 = arith.constant 0 : i32
    %dma_start3A_12 = tpu.memref_slice %arg3[%add3A_6, %dma_start3A_11] : memref<2560x128xi32, #tpu.memory_space<hbm>> -> memref<1x128xi32, #tpu.memory_space<hbm>>
    %dma_start3A_13 = tpu.memref_squeeze %dma_start3A_12 : memref<1x128xi32, #tpu.memory_space<hbm>> -> memref<128xi32, #tpu.memory_space<hbm>>
    %dma_start3A_14 = tpu.memref_slice %arg13[%dma_start3A_7] : memref<4x!tpu.dma_semaphore, #tpu.memory_space<semaphore_mem>> -> memref<1x!tpu.dma_semaphore, #tpu.memory_space<semaphore_mem>>
    %dma_start3A_15 = tpu.memref_squeeze %dma_start3A_14 : memref<1x!tpu.dma_semaphore, #tpu.memory_space<semaphore_mem>> -> memref<!tpu.dma_semaphore, #tpu.memory_space<semaphore_mem>>
    %dma_start3A_16 = arith.constant 0 : i32
    %dma_start3A_17 = tpu.memref_slice %arg7[%dma_start3A, %dma_start3A_16] : memref<4x128xi32, #tpu.memory_space<vmem>> -> memref<1x128xi32, #tpu.memory_space<vmem>>
    %dma_start3A_18 = tpu.memref_squeeze %dma_start3A_17 : memref<1x128xi32, #tpu.memory_space<vmem>> -> memref<128xi32, #tpu.memory_space<vmem>>
    %dma_start3A_19 = arith.constant 0 : i32
    %dma_start3A_20 = tpu.memref_slice %arg3[%add3A_6, %dma_start3A_19] : memref<2560x128xi32, #tpu.memory_space<hbm>> -> memref<1x128xi32, #tpu.memory_space<hbm>>
    %dma_start3A_21 = tpu.memref_squeeze %dma_start3A_20 : memref<1x128xi32, #tpu.memory_space<hbm>> -> memref<128xi32, #tpu.memory_space<hbm>>
    tpu.enqueue_dma source(%dma_start3A_21 : memref<128xi32, #tpu.memory_space<hbm>>) target(%dma_start3A_18 : memref<128xi32, #tpu.memory_space<vmem>>) target_semaphore(%dma_start3A_15 : memref<!tpu.dma_semaphore, #tpu.memory_space<semaphore_mem>>)
    %add3A_22 = arith.constant 0 : i32
    %add3A_23 = arith.addi %mul3A_2, %add3A_22 : i32
    %dma_start3A_24 = arith.constant 0 : i32
    %dma_start3A_25 = arith.constant 0 : i32
    %dma_start3A_26 = arith.constant 0 : i32
    %dma_start3A_27 = tpu.memref_slice %arg8[%dma_start3A_24, %dma_start3A_26] : memref<4x128xi32, #tpu.memory_space<vmem>> -> memref<1x128xi32, #tpu.memory_space<vmem>>
    %dma_start3A_28 = tpu.memref_squeeze %dma_start3A_27 : memref<1x128xi32, #tpu.memory_space<vmem>> -> memref<128xi32, #tpu.memory_space<vmem>>
    %dma_start3A_29 = arith.constant 0 : i32
    %dma_start3A_30 = tpu.memref_slice %arg4[%add3A_23, %dma_start3A_29] : memref<2560x128xi32, #tpu.memory_space<hbm>> -> memref<1x128xi32, #tpu.memory_space<hbm>>
    %dma_start3A_31 = tpu.memref_squeeze %dma_start3A_30 : memref<1x128xi32, #tpu.memory_space<hbm>> -> memref<128xi32, #tpu.memory_space<hbm>>
    %dma_start3A_32 = tpu.memref_slice %arg13[%dma_start3A_25] : memref<4x!tpu.dma_semaphore, #tpu.memory_space<semaphore_mem>> -> memref<1x!tpu.dma_semaphore, #tpu.memory_space<semaphore_mem>>
    %dma_start3A_33 = tpu.memref_squeeze %dma_start3A_32 : memref<1x!tpu.dma_semaphore, #tpu.memory_space<semaphore_mem>> -> memref<!tpu.dma_semaphore, #tpu.memory_space<semaphore_mem>>
    %dma_start3A_34 = arith.constant 0 : i32
    %dma_start3A_35 = tpu.memref_slice %arg8[%dma_start3A_24, %dma_start3A_34] : memref<4x128xi32, #tpu.memory_space<vmem>> -> memref<1x128xi32, #tpu.memory_space<vmem>>
    %dma_start3A_36 = tpu.memref_squeeze %dma_start3A_35 : memref<1x128xi32, #tpu.memory_space<vmem>> -> memref<128xi32, #tpu.memory_space<vmem>>
    %dma_start3A_37 = arith.constant 0 : i32
    %dma_start3A_38 = tpu.memref_slice %arg4[%add3A_23, %dma_start3A_37] : memref<2560x128xi32, #tpu.memory_space<hbm>> -> memref<1x128xi32, #tpu.memory_space<hbm>>
    %dma_start3A_39 = tpu.memref_squeeze %dma_start3A_38 : memref<1x128xi32, #tpu.memory_space<hbm>> -> memref<128xi32, #tpu.memory_space<hbm>>
    tpu.enqueue_dma source(%dma_start3A_39 : memref<128xi32, #tpu.memory_space<hbm>>) target(%dma_start3A_36 : memref<128xi32, #tpu.memory_space<vmem>>) target_semaphore(%dma_start3A_33 : memref<!tpu.dma_semaphore, #tpu.memory_space<semaphore_mem>>)
    %add3A_40 = arith.constant 1 : i32
    %add3A_41 = arith.addi %mul3A_2, %add3A_40 : i32
    %dma_start3A_42 = arith.constant 1 : i32
    %dma_start3A_43 = arith.constant 1 : i32
    %dma_start3A_44 = arith.constant 0 : i32
    %dma_start3A_45 = tpu.memref_slice %arg7[%dma_start3A_42, %dma_start3A_44] : memref<4x128xi32, #tpu.memory_space<vmem>> -> memref<1x128xi32, #tpu.memory_space<vmem>>
    %dma_start3A_46 = tpu.memref_squeeze %dma_start3A_45 : memref<1x128xi32, #tpu.memory_space<vmem>> -> memref<128xi32, #tpu.memory_space<vmem>>
    %dma_start3A_47 = arith.constant 0 : i32
    %dma_start3A_48 = tpu.memref_slice %arg3[%add3A_41, %dma_start3A_47] : memref<2560x128xi32, #tpu.memory_space<hbm>> -> memref<1x128xi32, #tpu.memory_space<hbm>>
    %dma_start3A_49 = tpu.memref_squeeze %dma_start3A_48 : memref<1x128xi32, #tpu.memory_space<hbm>> -> memref<128xi32, #tpu.memory_space<hbm>>
    %dma_start3A_50 = tpu.memref_slice %arg13[%dma_start3A_43] : memref<4x!tpu.dma_semaphore, #tpu.memory_space<semaphore_mem>> -> memref<1x!tpu.dma_semaphore, #tpu.memory_space<semaphore_mem>>
    %dma_start3A_51 = tpu.memref_squeeze %dma_start3A_50 : memref<1x!tpu.dma_semaphore, #tpu.memory_space<semaphore_mem>> -> memref<!tpu.dma_semaphore, #tpu.memory_space<semaphore_mem>>
    %dma_start3A_52 = arith.constant 0 : i32
    %dma_start3A_53 = tpu.memref_slice %arg7[%dma_start3A_42, %dma_start3A_52] : memref<4x128xi32, #tpu.memory_space<vmem>> -> memref<1x128xi32, #tpu.memory_space<vmem>>
    %dma_start3A_54 = tpu.memref_squeeze %dma_start3A_53 : memref<1x128xi32, #tpu.memory_space<vmem>> -> memref<128xi32, #tpu.memory_space<vmem>>
    %dma_start3A_55 = arith.constant 0 : i32
    %dma_start3A_56 = tpu.memref_slice %arg3[%add3A_41, %dma_start3A_55] : memref<2560x128xi32, #tpu.memory_space<hbm>> -> memref<1x128xi32, #tpu.memory_space<hbm>>
    %dma_start3A_57 = tpu.memref_squeeze %dma_start3A_56 : memref<1x128xi32, #tpu.memory_space<hbm>> -> memref<128xi32, #tpu.memory_space<hbm>>
    tpu.enqueue_dma source(%dma_start3A_57 : memref<128xi32, #tpu.memory_space<hbm>>) target(%dma_start3A_54 : memref<128xi32, #tpu.memory_space<vmem>>) target_semaphore(%dma_start3A_51 : memref<!tpu.dma_semaphore, #tpu.memory_space<semaphore_mem>>)
    %add3A_58 = arith.constant 1 : i32
    %add3A_59 = arith.addi %mul3A_2, %add3A_58 : i32
    %dma_start3A_60 = arith.constant 1 : i32
    %dma_start3A_61 = arith.constant 1 : i32
    %dma_start3A_62 = arith.constant 0 : i32
    %dma_start3A_63 = tpu.memref_slice %arg8[%dma_start3A_60, %dma_start3A_62] : memref<4x128xi32, #tpu.memory_space<vmem>> -> memref<1x128xi32, #tpu.memory_space<vmem>>
    %dma_start3A_64 = tpu.memref_squeeze %dma_start3A_63 : memref<1x128xi32, #tpu.memory_space<vmem>> -> memref<128xi32, #tpu.memory_space<vmem>>
    %dma_start3A_65 = arith.constant 0 : i32
    %dma_start3A_66 = tpu.memref_slice %arg4[%add3A_59, %dma_start3A_65] : memref<2560x128xi32, #tpu.memory_space<hbm>> -> memref<1x128xi32, #tpu.memory_space<hbm>>
    %dma_start3A_67 = tpu.memref_squeeze %dma_start3A_66 : memref<1x128xi32, #tpu.memory_space<hbm>> -> memref<128xi32, #tpu.memory_space<hbm>>
    %dma_start3A_68 = tpu.memref_slice %arg13[%dma_start3A_61] : memref<4x!tpu.dma_semaphore, #tpu.memory_space<semaphore_mem>> -> memref<1x!tpu.dma_semaphore, #tpu.memory_space<semaphore_mem>>
    %dma_start3A_69 = tpu.memref_squeeze %dma_start3A_68 : memref<1x!tpu.dma_semaphore, #tpu.memory_space<semaphore_mem>> -> memref<!tpu.dma_semaphore, #tpu.memory_space<semaphore_mem>>
    %dma_start3A_70 = arith.constant 0 : i32
    %dma_start3A_71 = tpu.memref_slice %arg8[%dma_start3A_60, %dma_start3A_70] : memref<4x128xi32, #tpu.memory_space<vmem>> -> memref<1x128xi32, #tpu.memory_space<vmem>>
    %dma_start3A_72 = tpu.memref_squeeze %dma_start3A_71 : memref<1x128xi32, #tpu.memory_space<vmem>> -> memref<128xi32, #tpu.memory_space<vmem>>
    %dma_start3A_73 = arith.constant 0 : i32
    %dma_start3A_74 = tpu.memref_slice %arg4[%add3A_59, %dma_start3A_73] : memref<2560x128xi32, #tpu.memory_space<hbm>> -> memref<1x128xi32, #tpu.memory_space<hbm>>
    %dma_start3A_75 = tpu.memref_squeeze %dma_start3A_74 : memref<1x128xi32, #tpu.memory_space<hbm>> -> memref<128xi32, #tpu.memory_space<hbm>>
    tpu.enqueue_dma source(%dma_start3A_75 : memref<128xi32, #tpu.memory_space<hbm>>) target(%dma_start3A_72 : memref<128xi32, #tpu.memory_space<vmem>>) target_semaphore(%dma_start3A_69 : memref<!tpu.dma_semaphore, #tpu.memory_space<semaphore_mem>>)
    %barrier3A = arith.constant 0 : index
    tpu.barrier barrier_id(%barrier3A)
    %scan3A = arith.constant 0 : i32
    %scan3A_76 = arith.constant 0 : i32
    %scan3A_77 = arith.constant 20 : i32
    %scan3A_78 = arith.addi %scan3A_76, %scan3A_77 : i32
    %scan3A_79 = arith.constant 1 : i32
    scf.for %scan3A_115 = %scan3A_76 to %scan3A_78 step %scan3A_79  : i32 {
      %mul3A_116 = arith.constant 4 : i32
      %mul3A_117 = arith.muli %scan3A_115, %mul3A_116 : i32
      %add3A_118 = arith.constant 0 : i32
      %add3A_119 = arith.addi %mul3A_117, %add3A_118 : i32
      %gt3A = arith.constant 0 : i32
      %gt3A_120 = arith.cmpi sgt, %scan3A_115, %gt3A : i32
      %convert_element_type3A = arith.extui %gt3A_120 : i1 to i32
      %cond3A = arith.constant 0 : i32
      %cond3A_121 = arith.cmpi ne, %convert_element_type3A, %cond3A : i32
      scf.if %cond3A_121 {
        %dma_wait3A_570 = arith.constant 0 : i32
        %dma_wait3A_571 = arith.constant 2 : i32
        %dma_wait3A_572 = arith.constant 0 : i32
        %dma_wait3A_573 = arith.constant 0 : i32
        %dma_wait3A_574 = arith.constant 0 : i32
        %dma_wait3A_575 = tpu.memref_slice %arg9[%dma_wait3A_570, %dma_wait3A_573, %dma_wait3A_574] : memref<2x128x128xf32, #tpu.memory_space<vmem>> -> memref<1x128x128xf32, #tpu.memory_space<vmem>>
        %dma_wait3A_576 = tpu.memref_squeeze %dma_wait3A_575 : memref<1x128x128xf32, #tpu.memory_space<vmem>> -> memref<128x128xf32, #tpu.memory_space<vmem>>
        %dma_wait3A_577 = arith.constant 0 : i32
        %dma_wait3A_578 = tpu.memref_slice %arg8[%dma_wait3A_571, %dma_wait3A_577] : memref<4x128xi32, #tpu.memory_space<vmem>> -> memref<1x128xi32, #tpu.memory_space<vmem>>
        %dma_wait3A_579 = tpu.memref_squeeze %dma_wait3A_578 : memref<1x128xi32, #tpu.memory_space<vmem>> -> memref<128xi32, #tpu.memory_space<vmem>>
        %dma_wait3A_580 = arith.constant 0 : i32
        %dma_wait3A_581 = arith.constant 0 : i32
        %dma_wait3A_582 = tpu.memref_slice %arg10[%dma_wait3A_580, %dma_wait3A_581] : memref<10112x128xf32, #tpu.memory_space<vmem_shared>> -> memref<10112x128xf32, #tpu.memory_space<vmem_shared>>
        %dma_wait3A_583 = tpu.memref_slice %arg12[%dma_wait3A_572] : memref<2x!tpu.dma_semaphore, #tpu.memory_space<semaphore_mem>> -> memref<1x!tpu.dma_semaphore, #tpu.memory_space<semaphore_mem>>
        %dma_wait3A_584 = tpu.memref_squeeze %dma_wait3A_583 : memref<1x!tpu.dma_semaphore, #tpu.memory_space<semaphore_mem>> -> memref<!tpu.dma_semaphore, #tpu.memory_space<semaphore_mem>>
        tpu.wait_indirect_dma semaphore(%dma_wait3A_584 : memref<!tpu.dma_semaphore, #tpu.memory_space<semaphore_mem>>) src(%dma_wait3A_576 : memref<128x128xf32, #tpu.memory_space<vmem>>) dst(%dma_wait3A_582 : memref<10112x128xf32, #tpu.memory_space<vmem_shared>>)
      } else {
      }
      %add3A_122 = arith.addi %mul3A_2, %add3A_119 : i32
      %add3A_123 = arith.constant 2 : i32
      %add3A_124 = arith.addi %add3A_122, %add3A_123 : i32
      %dma_start3A_125 = arith.constant 2 : i32
      %dma_start3A_126 = arith.constant 2 : i32
      %dma_start3A_127 = arith.constant 0 : i32
      %dma_start3A_128 = tpu.memref_slice %arg7[%dma_start3A_125, %dma_start3A_127] : memref<4x128xi32, #tpu.memory_space<vmem>> -> memref<1x128xi32, #tpu.memory_space<vmem>>
      %dma_start3A_129 = tpu.memref_squeeze %dma_start3A_128 : memref<1x128xi32, #tpu.memory_space<vmem>> -> memref<128xi32, #tpu.memory_space<vmem>>
      %dma_start3A_130 = arith.constant 0 : i32
      %dma_start3A_131 = tpu.memref_slice %arg3[%add3A_124, %dma_start3A_130] : memref<2560x128xi32, #tpu.memory_space<hbm>> -> memref<1x128xi32, #tpu.memory_space<hbm>>
      %dma_start3A_132 = tpu.memref_squeeze %dma_start3A_131 : memref<1x128xi32, #tpu.memory_space<hbm>> -> memref<128xi32, #tpu.memory_space<hbm>>
      %dma_start3A_133 = tpu.memref_slice %arg13[%dma_start3A_126] : memref<4x!tpu.dma_semaphore, #tpu.memory_space<semaphore_mem>> -> memref<1x!tpu.dma_semaphore, #tpu.memory_space<semaphore_mem>>
      %dma_start3A_134 = tpu.memref_squeeze %dma_start3A_133 : memref<1x!tpu.dma_semaphore, #tpu.memory_space<semaphore_mem>> -> memref<!tpu.dma_semaphore, #tpu.memory_space<semaphore_mem>>
      %dma_start3A_135 = arith.constant 0 : i32
      %dma_start3A_136 = tpu.memref_slice %arg7[%dma_start3A_125, %dma_start3A_135] : memref<4x128xi32, #tpu.memory_space<vmem>> -> memref<1x128xi32, #tpu.memory_space<vmem>>
      %dma_start3A_137 = tpu.memref_squeeze %dma_start3A_136 : memref<1x128xi32, #tpu.memory_space<vmem>> -> memref<128xi32, #tpu.memory_space<vmem>>
      %dma_start3A_138 = arith.constant 0 : i32
      %dma_start3A_139 = tpu.memref_slice %arg3[%add3A_124, %dma_start3A_138] : memref<2560x128xi32, #tpu.memory_space<hbm>> -> memref<1x128xi32, #tpu.memory_space<hbm>>
      %dma_start3A_140 = tpu.memref_squeeze %dma_start3A_139 : memref<1x128xi32, #tpu.memory_space<hbm>> -> memref<128xi32, #tpu.memory_space<hbm>>
      tpu.enqueue_dma source(%dma_start3A_140 : memref<128xi32, #tpu.memory_space<hbm>>) target(%dma_start3A_137 : memref<128xi32, #tpu.memory_space<vmem>>) target_semaphore(%dma_start3A_134 : memref<!tpu.dma_semaphore, #tpu.memory_space<semaphore_mem>>)
      %add3A_141 = arith.addi %mul3A_2, %add3A_119 : i32
      %add3A_142 = arith.constant 2 : i32
      %add3A_143 = arith.addi %add3A_141, %add3A_142 : i32
      %dma_start3A_144 = arith.constant 2 : i32
      %dma_start3A_145 = arith.constant 2 : i32
      %dma_start3A_146 = arith.constant 0 : i32
      %dma_start3A_147 = tpu.memref_slice %arg8[%dma_start3A_144, %dma_start3A_146] : memref<4x128xi32, #tpu.memory_space<vmem>> -> memref<1x128xi32, #tpu.memory_space<vmem>>
      %dma_start3A_148 = tpu.memref_squeeze %dma_start3A_147 : memref<1x128xi32, #tpu.memory_space<vmem>> -> memref<128xi32, #tpu.memory_space<vmem>>
      %dma_start3A_149 = arith.constant 0 : i32
      %dma_start3A_150 = tpu.memref_slice %arg4[%add3A_143, %dma_start3A_149] : memref<2560x128xi32, #tpu.memory_space<hbm>> -> memref<1x128xi32, #tpu.memory_space<hbm>>
      %dma_start3A_151 = tpu.memref_squeeze %dma_start3A_150 : memref<1x128xi32, #tpu.memory_space<hbm>> -> memref<128xi32, #tpu.memory_space<hbm>>
      %dma_start3A_152 = tpu.memref_slice %arg13[%dma_start3A_145] : memref<4x!tpu.dma_semaphore, #tpu.memory_space<semaphore_mem>> -> memref<1x!tpu.dma_semaphore, #tpu.memory_space<semaphore_mem>>
      %dma_start3A_153 = tpu.memref_squeeze %dma_start3A_152 : memref<1x!tpu.dma_semaphore, #tpu.memory_space<semaphore_mem>> -> memref<!tpu.dma_semaphore, #tpu.memory_space<semaphore_mem>>
      %dma_start3A_154 = arith.constant 0 : i32
      %dma_start3A_155 = tpu.memref_slice %arg8[%dma_start3A_144, %dma_start3A_154] : memref<4x128xi32, #tpu.memory_space<vmem>> -> memref<1x128xi32, #tpu.memory_space<vmem>>
      %dma_start3A_156 = tpu.memref_squeeze %dma_start3A_155 : memref<1x128xi32, #tpu.memory_space<vmem>> -> memref<128xi32, #tpu.memory_space<vmem>>
      %dma_start3A_157 = arith.constant 0 : i32
      %dma_start3A_158 = tpu.memref_slice %arg4[%add3A_143, %dma_start3A_157] : memref<2560x128xi32, #tpu.memory_space<hbm>> -> memref<1x128xi32, #tpu.memory_space<hbm>>
      %dma_start3A_159 = tpu.memref_squeeze %dma_start3A_158 : memref<1x128xi32, #tpu.memory_space<hbm>> -> memref<128xi32, #tpu.memory_space<hbm>>
      tpu.enqueue_dma source(%dma_start3A_159 : memref<128xi32, #tpu.memory_space<hbm>>) target(%dma_start3A_156 : memref<128xi32, #tpu.memory_space<vmem>>) target_semaphore(%dma_start3A_153 : memref<!tpu.dma_semaphore, #tpu.memory_space<semaphore_mem>>)
      %add3A_160 = arith.addi %mul3A_2, %add3A_119 : i32
      %dma_wait3A_161 = arith.constant 0 : i32
      %dma_wait3A_162 = arith.constant 0 : i32
      %dma_wait3A_163 = arith.constant 0 : i32
      %dma_wait3A_164 = tpu.memref_slice %arg7[%dma_wait3A_161, %dma_wait3A_163] : memref<4x128xi32, #tpu.memory_space<vmem>> -> memref<1x128xi32, #tpu.memory_space<vmem>>
      %dma_wait3A_165 = tpu.memref_squeeze %dma_wait3A_164 : memref<1x128xi32, #tpu.memory_space<vmem>> -> memref<128xi32, #tpu.memory_space<vmem>>
      %dma_wait3A_166 = arith.constant 0 : i32
      %dma_wait3A_167 = tpu.memref_slice %arg3[%add3A_160, %dma_wait3A_166] : memref<2560x128xi32, #tpu.memory_space<hbm>> -> memref<1x128xi32, #tpu.memory_space<hbm>>
      %dma_wait3A_168 = tpu.memref_squeeze %dma_wait3A_167 : memref<1x128xi32, #tpu.memory_space<hbm>> -> memref<128xi32, #tpu.memory_space<hbm>>
      %dma_wait3A_169 = tpu.memref_slice %arg13[%dma_wait3A_162] : memref<4x!tpu.dma_semaphore, #tpu.memory_space<semaphore_mem>> -> memref<1x!tpu.dma_semaphore, #tpu.memory_space<semaphore_mem>>
      %dma_wait3A_170 = tpu.memref_squeeze %dma_wait3A_169 : memref<1x!tpu.dma_semaphore, #tpu.memory_space<semaphore_mem>> -> memref<!tpu.dma_semaphore, #tpu.memory_space<semaphore_mem>>
      %dma_wait3A_171 = arith.constant 0 : i32
      %dma_wait3A_172 = tpu.memref_slice %arg7[%dma_wait3A_161, %dma_wait3A_171] : memref<4x128xi32, #tpu.memory_space<vmem>> -> memref<1x128xi32, #tpu.memory_space<vmem>>
      %dma_wait3A_173 = tpu.memref_squeeze %dma_wait3A_172 : memref<1x128xi32, #tpu.memory_space<vmem>> -> memref<128xi32, #tpu.memory_space<vmem>>
      %dma_wait3A_174 = arith.constant 0 : i32
      %dma_wait3A_175 = tpu.memref_slice %arg3[%add3A_160, %dma_wait3A_174] : memref<2560x128xi32, #tpu.memory_space<hbm>> -> memref<1x128xi32, #tpu.memory_space<hbm>>
      %dma_wait3A_176 = tpu.memref_squeeze %dma_wait3A_175 : memref<1x128xi32, #tpu.memory_space<hbm>> -> memref<128xi32, #tpu.memory_space<hbm>>
      tpu.wait_dma2 semaphore(%dma_wait3A_170 : memref<!tpu.dma_semaphore, #tpu.memory_space<semaphore_mem>>) src(%dma_wait3A_176 : memref<128xi32, #tpu.memory_space<hbm>>) dst(%dma_wait3A_173 : memref<128xi32, #tpu.memory_space<vmem>>)
      %add3A_177 = arith.addi %mul3A_2, %add3A_119 : i32
      %dma_wait3A_178 = arith.constant 0 : i32
      %dma_wait3A_179 = arith.constant 0 : i32
      %dma_wait3A_180 = arith.constant 0 : i32
      %dma_wait3A_181 = tpu.memref_slice %arg8[%dma_wait3A_178, %dma_wait3A_180] : memref<4x128xi32, #tpu.memory_space<vmem>> -> memref<1x128xi32, #tpu.memory_space<vmem>>
      %dma_wait3A_182 = tpu.memref_squeeze %dma_wait3A_181 : memref<1x128xi32, #tpu.memory_space<vmem>> -> memref<128xi32, #tpu.memory_space<vmem>>
      %dma_wait3A_183 = arith.constant 0 : i32
      %dma_wait3A_184 = tpu.memref_slice %arg4[%add3A_177, %dma_wait3A_183] : memref<2560x128xi32, #tpu.memory_space<hbm>> -> memref<1x128xi32, #tpu.memory_space<hbm>>
      %dma_wait3A_185 = tpu.memref_squeeze %dma_wait3A_184 : memref<1x128xi32, #tpu.memory_space<hbm>> -> memref<128xi32, #tpu.memory_space<hbm>>
      %dma_wait3A_186 = tpu.memref_slice %arg13[%dma_wait3A_179] : memref<4x!tpu.dma_semaphore, #tpu.memory_space<semaphore_mem>> -> memref<1x!tpu.dma_semaphore, #tpu.memory_space<semaphore_mem>>
      %dma_wait3A_187 = tpu.memref_squeeze %dma_wait3A_186 : memref<1x!tpu.dma_semaphore, #tpu.memory_space<semaphore_mem>> -> memref<!tpu.dma_semaphore, #tpu.memory_space<semaphore_mem>>
      %dma_wait3A_188 = arith.constant 0 : i32
      %dma_wait3A_189 = tpu.memref_slice %arg8[%dma_wait3A_178, %dma_wait3A_188] : memref<4x128xi32, #tpu.memory_space<vmem>> -> memref<1x128xi32, #tpu.memory_space<vmem>>
      %dma_wait3A_190 = tpu.memref_squeeze %dma_wait3A_189 : memref<1x128xi32, #tpu.memory_space<vmem>> -> memref<128xi32, #tpu.memory_space<vmem>>
      %dma_wait3A_191 = arith.constant 0 : i32
      %dma_wait3A_192 = tpu.memref_slice %arg4[%add3A_177, %dma_wait3A_191] : memref<2560x128xi32, #tpu.memory_space<hbm>> -> memref<1x128xi32, #tpu.memory_space<hbm>>
      %dma_wait3A_193 = tpu.memref_squeeze %dma_wait3A_192 : memref<1x128xi32, #tpu.memory_space<hbm>> -> memref<128xi32, #tpu.memory_space<hbm>>
      tpu.wait_dma2 semaphore(%dma_wait3A_187 : memref<!tpu.dma_semaphore, #tpu.memory_space<semaphore_mem>>) src(%dma_wait3A_193 : memref<128xi32, #tpu.memory_space<hbm>>) dst(%dma_wait3A_190 : memref<128xi32, #tpu.memory_space<vmem>>)
      %dma_start3A_194 = arith.constant 0 : i32
      %dma_start3A_195 = arith.constant 0 : i32
      %dma_start3A_196 = arith.constant 0 : i32
      %dma_start3A_197 = arith.constant 0 : i32
      %dma_start3A_198 = arith.constant 0 : i32
      %dma_start3A_199 = tpu.memref_slice %arg9[%dma_start3A_195, %dma_start3A_197, %dma_start3A_198] : memref<2x128x128xf32, #tpu.memory_space<vmem>> -> memref<1x128x128xf32, #tpu.memory_space<vmem>>
      %dma_start3A_200 = tpu.memref_squeeze %dma_start3A_199 : memref<1x128x128xf32, #tpu.memory_space<vmem>> -> memref<128x128xf32, #tpu.memory_space<vmem>>
      %dma_start3A_201 = arith.constant 0 : i32
      %dma_start3A_202 = tpu.memref_slice %arg7[%dma_start3A_194, %dma_start3A_201] : memref<4x128xi32, #tpu.memory_space<vmem>> -> memref<1x128xi32, #tpu.memory_space<vmem>>
      %dma_start3A_203 = tpu.memref_squeeze %dma_start3A_202 : memref<1x128xi32, #tpu.memory_space<vmem>> -> memref<128xi32, #tpu.memory_space<vmem>>
      %dma_start3A_204 = arith.constant 0 : i32
      %dma_start3A_205 = arith.constant 0 : i32
      %dma_start3A_206 = tpu.memref_slice %arg2[%dma_start3A_204, %dma_start3A_205] : memref<10000x128xf32, #tpu.memory_space<hbm>> -> memref<10000x128xf32, #tpu.memory_space<hbm>>
      %dma_start3A_207 = tpu.memref_slice %arg11[%dma_start3A_196] : memref<2x!tpu.dma_semaphore, #tpu.memory_space<semaphore_mem>> -> memref<1x!tpu.dma_semaphore, #tpu.memory_space<semaphore_mem>>
      %dma_start3A_208 = tpu.memref_squeeze %dma_start3A_207 : memref<1x!tpu.dma_semaphore, #tpu.memory_space<semaphore_mem>> -> memref<!tpu.dma_semaphore, #tpu.memory_space<semaphore_mem>>
      tpu.enqueue_indirect_dma source(%dma_start3A_206 : memref<10000x128xf32, #tpu.memory_space<hbm>>) target(%dma_start3A_200 : memref<128x128xf32, #tpu.memory_space<vmem>>) offsets(%dma_start3A_203 : memref<128xi32, #tpu.memory_space<vmem>>) semaphore(%dma_start3A_208 : memref<!tpu.dma_semaphore, #tpu.memory_space<semaphore_mem>>)
      %dma_wait3A_209 = arith.constant 0 : i32
      %dma_wait3A_210 = arith.constant 0 : i32
      %dma_wait3A_211 = arith.constant 0 : i32
      %dma_wait3A_212 = arith.constant 0 : i32
      %dma_wait3A_213 = arith.constant 0 : i32
      %dma_wait3A_214 = tpu.memref_slice %arg9[%dma_wait3A_210, %dma_wait3A_212, %dma_wait3A_213] : memref<2x128x128xf32, #tpu.memory_space<vmem>> -> memref<1x128x128xf32, #tpu.memory_space<vmem>>
      %dma_wait3A_215 = tpu.memref_squeeze %dma_wait3A_214 : memref<1x128x128xf32, #tpu.memory_space<vmem>> -> memref<128x128xf32, #tpu.memory_space<vmem>>
      %dma_wait3A_216 = arith.constant 0 : i32
      %dma_wait3A_217 = tpu.memref_slice %arg7[%dma_wait3A_209, %dma_wait3A_216] : memref<4x128xi32, #tpu.memory_space<vmem>> -> memref<1x128xi32, #tpu.memory_space<vmem>>
      %dma_wait3A_218 = tpu.memref_squeeze %dma_wait3A_217 : memref<1x128xi32, #tpu.memory_space<vmem>> -> memref<128xi32, #tpu.memory_space<vmem>>
      %dma_wait3A_219 = arith.constant 0 : i32
      %dma_wait3A_220 = arith.constant 0 : i32
      %dma_wait3A_221 = tpu.memref_slice %arg2[%dma_wait3A_219, %dma_wait3A_220] : memref<10000x128xf32, #tpu.memory_space<hbm>> -> memref<10000x128xf32, #tpu.memory_space<hbm>>
      %dma_wait3A_222 = tpu.memref_slice %arg11[%dma_wait3A_211] : memref<2x!tpu.dma_semaphore, #tpu.memory_space<semaphore_mem>> -> memref<1x!tpu.dma_semaphore, #tpu.memory_space<semaphore_mem>>
      %dma_wait3A_223 = tpu.memref_squeeze %dma_wait3A_222 : memref<1x!tpu.dma_semaphore, #tpu.memory_space<semaphore_mem>> -> memref<!tpu.dma_semaphore, #tpu.memory_space<semaphore_mem>>
      tpu.wait_indirect_dma semaphore(%dma_wait3A_223 : memref<!tpu.dma_semaphore, #tpu.memory_space<semaphore_mem>>) src(%dma_wait3A_221 : memref<10000x128xf32, #tpu.memory_space<hbm>>) dst(%dma_wait3A_215 : memref<128x128xf32, #tpu.memory_space<vmem>>)
      %dma_start3A_224 = arith.constant 0 : i32
      %dma_start3A_225 = arith.constant 0 : i32
      %dma_start3A_226 = arith.constant 0 : i32
      %dma_start3A_227 = arith.constant 0 : i32
      %dma_start3A_228 = arith.constant 0 : i32
      %dma_start3A_229 = tpu.memref_slice %arg9[%dma_start3A_224, %dma_start3A_227, %dma_start3A_228] : memref<2x128x128xf32, #tpu.memory_space<vmem>> -> memref<1x128x128xf32, #tpu.memory_space<vmem>>
      %dma_start3A_230 = tpu.memref_squeeze %dma_start3A_229 : memref<1x128x128xf32, #tpu.memory_space<vmem>> -> memref<128x128xf32, #tpu.memory_space<vmem>>
      %dma_start3A_231 = arith.constant 0 : i32
      %dma_start3A_232 = tpu.memref_slice %arg8[%dma_start3A_225, %dma_start3A_231] : memref<4x128xi32, #tpu.memory_space<vmem>> -> memref<1x128xi32, #tpu.memory_space<vmem>>
      %dma_start3A_233 = tpu.memref_squeeze %dma_start3A_232 : memref<1x128xi32, #tpu.memory_space<vmem>> -> memref<128xi32, #tpu.memory_space<vmem>>
      %dma_start3A_234 = arith.constant 0 : i32
      %dma_start3A_235 = arith.constant 0 : i32
      %dma_start3A_236 = tpu.memref_slice %arg10[%dma_start3A_234, %dma_start3A_235] : memref<10112x128xf32, #tpu.memory_space<vmem_shared>> -> memref<10112x128xf32, #tpu.memory_space<vmem_shared>>
      %dma_start3A_237 = tpu.memref_slice %arg12[%dma_start3A_226] : memref<2x!tpu.dma_semaphore, #tpu.memory_space<semaphore_mem>> -> memref<1x!tpu.dma_semaphore, #tpu.memory_space<semaphore_mem>>
      %dma_start3A_238 = tpu.memref_squeeze %dma_start3A_237 : memref<1x!tpu.dma_semaphore, #tpu.memory_space<semaphore_mem>> -> memref<!tpu.dma_semaphore, #tpu.memory_space<semaphore_mem>>
      tpu.enqueue_indirect_dma source(%dma_start3A_230 : memref<128x128xf32, #tpu.memory_space<vmem>>) target(%dma_start3A_236 : memref<10112x128xf32, #tpu.memory_space<vmem_shared>>) offsets(%dma_start3A_233 : memref<128xi32, #tpu.memory_space<vmem>>) semaphore(%dma_start3A_238 : memref<!tpu.dma_semaphore, #tpu.memory_space<semaphore_mem>>) {add = true}
      %mul3A_239 = arith.constant 4 : i32
      %mul3A_240 = arith.muli %scan3A_115, %mul3A_239 : i32
      %add3A_241 = arith.constant 1 : i32
      %add3A_242 = arith.addi %mul3A_240, %add3A_241 : i32
      %gt3A_243 = arith.constant 0 : i32
      %gt3A_244 = arith.cmpi sgt, %scan3A_115, %gt3A_243 : i32
      %convert_element_type3A_245 = arith.extui %gt3A_244 : i1 to i32
      %cond3A_246 = arith.constant 0 : i32
      %cond3A_247 = arith.cmpi ne, %convert_element_type3A_245, %cond3A_246 : i32
      scf.if %cond3A_247 {
        %dma_wait3A_570 = arith.constant 1 : i32
        %dma_wait3A_571 = arith.constant 3 : i32
        %dma_wait3A_572 = arith.constant 1 : i32
        %dma_wait3A_573 = arith.constant 0 : i32
        %dma_wait3A_574 = arith.constant 0 : i32
        %dma_wait3A_575 = tpu.memref_slice %arg9[%dma_wait3A_570, %dma_wait3A_573, %dma_wait3A_574] : memref<2x128x128xf32, #tpu.memory_space<vmem>> -> memref<1x128x128xf32, #tpu.memory_space<vmem>>
        %dma_wait3A_576 = tpu.memref_squeeze %dma_wait3A_575 : memref<1x128x128xf32, #tpu.memory_space<vmem>> -> memref<128x128xf32, #tpu.memory_space<vmem>>
        %dma_wait3A_577 = arith.constant 0 : i32
        %dma_wait3A_578 = tpu.memref_slice %arg8[%dma_wait3A_571, %dma_wait3A_577] : memref<4x128xi32, #tpu.memory_space<vmem>> -> memref<1x128xi32, #tpu.memory_space<vmem>>
        %dma_wait3A_579 = tpu.memref_squeeze %dma_wait3A_578 : memref<1x128xi32, #tpu.memory_space<vmem>> -> memref<128xi32, #tpu.memory_space<vmem>>
        %dma_wait3A_580 = arith.constant 0 : i32
        %dma_wait3A_581 = arith.constant 0 : i32
        %dma_wait3A_582 = tpu.memref_slice %arg10[%dma_wait3A_580, %dma_wait3A_581] : memref<10112x128xf32, #tpu.memory_space<vmem_shared>> -> memref<10112x128xf32, #tpu.memory_space<vmem_shared>>
        %dma_wait3A_583 = tpu.memref_slice %arg12[%dma_wait3A_572] : memref<2x!tpu.dma_semaphore, #tpu.memory_space<semaphore_mem>> -> memref<1x!tpu.dma_semaphore, #tpu.memory_space<semaphore_mem>>
        %dma_wait3A_584 = tpu.memref_squeeze %dma_wait3A_583 : memref<1x!tpu.dma_semaphore, #tpu.memory_space<semaphore_mem>> -> memref<!tpu.dma_semaphore, #tpu.memory_space<semaphore_mem>>
        tpu.wait_indirect_dma semaphore(%dma_wait3A_584 : memref<!tpu.dma_semaphore, #tpu.memory_space<semaphore_mem>>) src(%dma_wait3A_576 : memref<128x128xf32, #tpu.memory_space<vmem>>) dst(%dma_wait3A_582 : memref<10112x128xf32, #tpu.memory_space<vmem_shared>>)
      } else {
      }
      %add3A_248 = arith.addi %mul3A_2, %add3A_242 : i32
      %add3A_249 = arith.constant 2 : i32
      %add3A_250 = arith.addi %add3A_248, %add3A_249 : i32
      %dma_start3A_251 = arith.constant 3 : i32
      %dma_start3A_252 = arith.constant 3 : i32
      %dma_start3A_253 = arith.constant 0 : i32
      %dma_start3A_254 = tpu.memref_slice %arg7[%dma_start3A_251, %dma_start3A_253] : memref<4x128xi32, #tpu.memory_space<vmem>> -> memref<1x128xi32, #tpu.memory_space<vmem>>
      %dma_start3A_255 = tpu.memref_squeeze %dma_start3A_254 : memref<1x128xi32, #tpu.memory_space<vmem>> -> memref<128xi32, #tpu.memory_space<vmem>>
      %dma_start3A_256 = arith.constant 0 : i32
      %dma_start3A_257 = tpu.memref_slice %arg3[%add3A_250, %dma_start3A_256] : memref<2560x128xi32, #tpu.memory_space<hbm>> -> memref<1x128xi32, #tpu.memory_space<hbm>>
      %dma_start3A_258 = tpu.memref_squeeze %dma_start3A_257 : memref<1x128xi32, #tpu.memory_space<hbm>> -> memref<128xi32, #tpu.memory_space<hbm>>
      %dma_start3A_259 = tpu.memref_slice %arg13[%dma_start3A_252] : memref<4x!tpu.dma_semaphore, #tpu.memory_space<semaphore_mem>> -> memref<1x!tpu.dma_semaphore, #tpu.memory_space<semaphore_mem>>
      %dma_start3A_260 = tpu.memref_squeeze %dma_start3A_259 : memref<1x!tpu.dma_semaphore, #tpu.memory_space<semaphore_mem>> -> memref<!tpu.dma_semaphore, #tpu.memory_space<semaphore_mem>>
      %dma_start3A_261 = arith.constant 0 : i32
      %dma_start3A_262 = tpu.memref_slice %arg7[%dma_start3A_251, %dma_start3A_261] : memref<4x128xi32, #tpu.memory_space<vmem>> -> memref<1x128xi32, #tpu.memory_space<vmem>>
      %dma_start3A_263 = tpu.memref_squeeze %dma_start3A_262 : memref<1x128xi32, #tpu.memory_space<vmem>> -> memref<128xi32, #tpu.memory_space<vmem>>
      %dma_start3A_264 = arith.constant 0 : i32
      %dma_start3A_265 = tpu.memref_slice %arg3[%add3A_250, %dma_start3A_264] : memref<2560x128xi32, #tpu.memory_space<hbm>> -> memref<1x128xi32, #tpu.memory_space<hbm>>
      %dma_start3A_266 = tpu.memref_squeeze %dma_start3A_265 : memref<1x128xi32, #tpu.memory_space<hbm>> -> memref<128xi32, #tpu.memory_space<hbm>>
      tpu.enqueue_dma source(%dma_start3A_266 : memref<128xi32, #tpu.memory_space<hbm>>) target(%dma_start3A_263 : memref<128xi32, #tpu.memory_space<vmem>>) target_semaphore(%dma_start3A_260 : memref<!tpu.dma_semaphore, #tpu.memory_space<semaphore_mem>>)
      %add3A_267 = arith.addi %mul3A_2, %add3A_242 : i32
      %add3A_268 = arith.constant 2 : i32
      %add3A_269 = arith.addi %add3A_267, %add3A_268 : i32
      %dma_start3A_270 = arith.constant 3 : i32
      %dma_start3A_271 = arith.constant 3 : i32
      %dma_start3A_272 = arith.constant 0 : i32
      %dma_start3A_273 = tpu.memref_slice %arg8[%dma_start3A_270, %dma_start3A_272] : memref<4x128xi32, #tpu.memory_space<vmem>> -> memref<1x128xi32, #tpu.memory_space<vmem>>
      %dma_start3A_274 = tpu.memref_squeeze %dma_start3A_273 : memref<1x128xi32, #tpu.memory_space<vmem>> -> memref<128xi32, #tpu.memory_space<vmem>>
      %dma_start3A_275 = arith.constant 0 : i32
      %dma_start3A_276 = tpu.memref_slice %arg4[%add3A_269, %dma_start3A_275] : memref<2560x128xi32, #tpu.memory_space<hbm>> -> memref<1x128xi32, #tpu.memory_space<hbm>>
      %dma_start3A_277 = tpu.memref_squeeze %dma_start3A_276 : memref<1x128xi32, #tpu.memory_space<hbm>> -> memref<128xi32, #tpu.memory_space<hbm>>
      %dma_start3A_278 = tpu.memref_slice %arg13[%dma_start3A_271] : memref<4x!tpu.dma_semaphore, #tpu.memory_space<semaphore_mem>> -> memref<1x!tpu.dma_semaphore, #tpu.memory_space<semaphore_mem>>
      %dma_start3A_279 = tpu.memref_squeeze %dma_start3A_278 : memref<1x!tpu.dma_semaphore, #tpu.memory_space<semaphore_mem>> -> memref<!tpu.dma_semaphore, #tpu.memory_space<semaphore_mem>>
      %dma_start3A_280 = arith.constant 0 : i32
      %dma_start3A_281 = tpu.memref_slice %arg8[%dma_start3A_270, %dma_start3A_280] : memref<4x128xi32, #tpu.memory_space<vmem>> -> memref<1x128xi32, #tpu.memory_space<vmem>>
      %dma_start3A_282 = tpu.memref_squeeze %dma_start3A_281 : memref<1x128xi32, #tpu.memory_space<vmem>> -> memref<128xi32, #tpu.memory_space<vmem>>
      %dma_start3A_283 = arith.constant 0 : i32
      %dma_start3A_284 = tpu.memref_slice %arg4[%add3A_269, %dma_start3A_283] : memref<2560x128xi32, #tpu.memory_space<hbm>> -> memref<1x128xi32, #tpu.memory_space<hbm>>
      %dma_start3A_285 = tpu.memref_squeeze %dma_start3A_284 : memref<1x128xi32, #tpu.memory_space<hbm>> -> memref<128xi32, #tpu.memory_space<hbm>>
      tpu.enqueue_dma source(%dma_start3A_285 : memref<128xi32, #tpu.memory_space<hbm>>) target(%dma_start3A_282 : memref<128xi32, #tpu.memory_space<vmem>>) target_semaphore(%dma_start3A_279 : memref<!tpu.dma_semaphore, #tpu.memory_space<semaphore_mem>>)
      %add3A_286 = arith.addi %mul3A_2, %add3A_242 : i32
      %dma_wait3A_287 = arith.constant 1 : i32
      %dma_wait3A_288 = arith.constant 1 : i32
      %dma_wait3A_289 = arith.constant 0 : i32
      %dma_wait3A_290 = tpu.memref_slice %arg7[%dma_wait3A_287, %dma_wait3A_289] : memref<4x128xi32, #tpu.memory_space<vmem>> -> memref<1x128xi32, #tpu.memory_space<vmem>>
      %dma_wait3A_291 = tpu.memref_squeeze %dma_wait3A_290 : memref<1x128xi32, #tpu.memory_space<vmem>> -> memref<128xi32, #tpu.memory_space<vmem>>
      %dma_wait3A_292 = arith.constant 0 : i32
      %dma_wait3A_293 = tpu.memref_slice %arg3[%add3A_286, %dma_wait3A_292] : memref<2560x128xi32, #tpu.memory_space<hbm>> -> memref<1x128xi32, #tpu.memory_space<hbm>>
      %dma_wait3A_294 = tpu.memref_squeeze %dma_wait3A_293 : memref<1x128xi32, #tpu.memory_space<hbm>> -> memref<128xi32, #tpu.memory_space<hbm>>
      %dma_wait3A_295 = tpu.memref_slice %arg13[%dma_wait3A_288] : memref<4x!tpu.dma_semaphore, #tpu.memory_space<semaphore_mem>> -> memref<1x!tpu.dma_semaphore, #tpu.memory_space<semaphore_mem>>
      %dma_wait3A_296 = tpu.memref_squeeze %dma_wait3A_295 : memref<1x!tpu.dma_semaphore, #tpu.memory_space<semaphore_mem>> -> memref<!tpu.dma_semaphore, #tpu.memory_space<semaphore_mem>>
      %dma_wait3A_297 = arith.constant 0 : i32
      %dma_wait3A_298 = tpu.memref_slice %arg7[%dma_wait3A_287, %dma_wait3A_297] : memref<4x128xi32, #tpu.memory_space<vmem>> -> memref<1x128xi32, #tpu.memory_space<vmem>>
      %dma_wait3A_299 = tpu.memref_squeeze %dma_wait3A_298 : memref<1x128xi32, #tpu.memory_space<vmem>> -> memref<128xi32, #tpu.memory_space<vmem>>
      %dma_wait3A_300 = arith.constant 0 : i32
      %dma_wait3A_301 = tpu.memref_slice %arg3[%add3A_286, %dma_wait3A_300] : memref<2560x128xi32, #tpu.memory_space<hbm>> -> memref<1x128xi32, #tpu.memory_space<hbm>>
      %dma_wait3A_302 = tpu.memref_squeeze %dma_wait3A_301 : memref<1x128xi32, #tpu.memory_space<hbm>> -> memref<128xi32, #tpu.memory_space<hbm>>
      tpu.wait_dma2 semaphore(%dma_wait3A_296 : memref<!tpu.dma_semaphore, #tpu.memory_space<semaphore_mem>>) src(%dma_wait3A_302 : memref<128xi32, #tpu.memory_space<hbm>>) dst(%dma_wait3A_299 : memref<128xi32, #tpu.memory_space<vmem>>)
      %add3A_303 = arith.addi %mul3A_2, %add3A_242 : i32
      %dma_wait3A_304 = arith.constant 1 : i32
      %dma_wait3A_305 = arith.constant 1 : i32
      %dma_wait3A_306 = arith.constant 0 : i32
      %dma_wait3A_307 = tpu.memref_slice %arg8[%dma_wait3A_304, %dma_wait3A_306] : memref<4x128xi32, #tpu.memory_space<vmem>> -> memref<1x128xi32, #tpu.memory_space<vmem>>
      %dma_wait3A_308 = tpu.memref_squeeze %dma_wait3A_307 : memref<1x128xi32, #tpu.memory_space<vmem>> -> memref<128xi32, #tpu.memory_space<vmem>>
      %dma_wait3A_309 = arith.constant 0 : i32
      %dma_wait3A_310 = tpu.memref_slice %arg4[%add3A_303, %dma_wait3A_309] : memref<2560x128xi32, #tpu.memory_space<hbm>> -> memref<1x128xi32, #tpu.memory_space<hbm>>
      %dma_wait3A_311 = tpu.memref_squeeze %dma_wait3A_310 : memref<1x128xi32, #tpu.memory_space<hbm>> -> memref<128xi32, #tpu.memory_space<hbm>>
      %dma_wait3A_312 = tpu.memref_slice %arg13[%dma_wait3A_305] : memref<4x!tpu.dma_semaphore, #tpu.memory_space<semaphore_mem>> -> memref<1x!tpu.dma_semaphore, #tpu.memory_space<semaphore_mem>>
      %dma_wait3A_313 = tpu.memref_squeeze %dma_wait3A_312 : memref<1x!tpu.dma_semaphore, #tpu.memory_space<semaphore_mem>> -> memref<!tpu.dma_semaphore, #tpu.memory_space<semaphore_mem>>
      %dma_wait3A_314 = arith.constant 0 : i32
      %dma_wait3A_315 = tpu.memref_slice %arg8[%dma_wait3A_304, %dma_wait3A_314] : memref<4x128xi32, #tpu.memory_space<vmem>> -> memref<1x128xi32, #tpu.memory_space<vmem>>
      %dma_wait3A_316 = tpu.memref_squeeze %dma_wait3A_315 : memref<1x128xi32, #tpu.memory_space<vmem>> -> memref<128xi32, #tpu.memory_space<vmem>>
      %dma_wait3A_317 = arith.constant 0 : i32
      %dma_wait3A_318 = tpu.memref_slice %arg4[%add3A_303, %dma_wait3A_317] : memref<2560x128xi32, #tpu.memory_space<hbm>> -> memref<1x128xi32, #tpu.memory_space<hbm>>
      %dma_wait3A_319 = tpu.memref_squeeze %dma_wait3A_318 : memref<1x128xi32, #tpu.memory_space<hbm>> -> memref<128xi32, #tpu.memory_space<hbm>>
      tpu.wait_dma2 semaphore(%dma_wait3A_313 : memref<!tpu.dma_semaphore, #tpu.memory_space<semaphore_mem>>) src(%dma_wait3A_319 : memref<128xi32, #tpu.memory_space<hbm>>) dst(%dma_wait3A_316 : memref<128xi32, #tpu.memory_space<vmem>>)
      %dma_start3A_320 = arith.constant 1 : i32
      %dma_start3A_321 = arith.constant 1 : i32
      %dma_start3A_322 = arith.constant 1 : i32
      %dma_start3A_323 = arith.constant 0 : i32
      %dma_start3A_324 = arith.constant 0 : i32
      %dma_start3A_325 = tpu.memref_slice %arg9[%dma_start3A_321, %dma_start3A_323, %dma_start3A_324] : memref<2x128x128xf32, #tpu.memory_space<vmem>> -> memref<1x128x128xf32, #tpu.memory_space<vmem>>
      %dma_start3A_326 = tpu.memref_squeeze %dma_start3A_325 : memref<1x128x128xf32, #tpu.memory_space<vmem>> -> memref<128x128xf32, #tpu.memory_space<vmem>>
      %dma_start3A_327 = arith.constant 0 : i32
      %dma_start3A_328 = tpu.memref_slice %arg7[%dma_start3A_320, %dma_start3A_327] : memref<4x128xi32, #tpu.memory_space<vmem>> -> memref<1x128xi32, #tpu.memory_space<vmem>>
      %dma_start3A_329 = tpu.memref_squeeze %dma_start3A_328 : memref<1x128xi32, #tpu.memory_space<vmem>> -> memref<128xi32, #tpu.memory_space<vmem>>
      %dma_start3A_330 = arith.constant 0 : i32
      %dma_start3A_331 = arith.constant 0 : i32
      %dma_start3A_332 = tpu.memref_slice %arg2[%dma_start3A_330, %dma_start3A_331] : memref<10000x128xf32, #tpu.memory_space<hbm>> -> memref<10000x128xf32, #tpu.memory_space<hbm>>
      %dma_start3A_333 = tpu.memref_slice %arg11[%dma_start3A_322] : memref<2x!tpu.dma_semaphore, #tpu.memory_space<semaphore_mem>> -> memref<1x!tpu.dma_semaphore, #tpu.memory_space<semaphore_mem>>
      %dma_start3A_334 = tpu.memref_squeeze %dma_start3A_333 : memref<1x!tpu.dma_semaphore, #tpu.memory_space<semaphore_mem>> -> memref<!tpu.dma_semaphore, #tpu.memory_space<semaphore_mem>>
      tpu.enqueue_indirect_dma source(%dma_start3A_332 : memref<10000x128xf32, #tpu.memory_space<hbm>>) target(%dma_start3A_326 : memref<128x128xf32, #tpu.memory_space<vmem>>) offsets(%dma_start3A_329 : memref<128xi32, #tpu.memory_space<vmem>>) semaphore(%dma_start3A_334 : memref<!tpu.dma_semaphore, #tpu.memory_space<semaphore_mem>>)
      %dma_wait3A_335 = arith.constant 1 : i32
      %dma_wait3A_336 = arith.constant 1 : i32
      %dma_wait3A_337 = arith.constant 1 : i32
      %dma_wait3A_338 = arith.constant 0 : i32
      %dma_wait3A_339 = arith.constant 0 : i32
      %dma_wait3A_340 = tpu.memref_slice %arg9[%dma_wait3A_336, %dma_wait3A_338, %dma_wait3A_339] : memref<2x128x128xf32, #tpu.memory_space<vmem>> -> memref<1x128x128xf32, #tpu.memory_space<vmem>>
      %dma_wait3A_341 = tpu.memref_squeeze %dma_wait3A_340 : memref<1x128x128xf32, #tpu.memory_space<vmem>> -> memref<128x128xf32, #tpu.memory_space<vmem>>
      %dma_wait3A_342 = arith.constant 0 : i32
      %dma_wait3A_343 = tpu.memref_slice %arg7[%dma_wait3A_335, %dma_wait3A_342] : memref<4x128xi32, #tpu.memory_space<vmem>> -> memref<1x128xi32, #tpu.memory_space<vmem>>
      %dma_wait3A_344 = tpu.memref_squeeze %dma_wait3A_343 : memref<1x128xi32, #tpu.memory_space<vmem>> -> memref<128xi32, #tpu.memory_space<vmem>>
      %dma_wait3A_345 = arith.constant 0 : i32
      %dma_wait3A_346 = arith.constant 0 : i32
      %dma_wait3A_347 = tpu.memref_slice %arg2[%dma_wait3A_345, %dma_wait3A_346] : memref<10000x128xf32, #tpu.memory_space<hbm>> -> memref<10000x128xf32, #tpu.memory_space<hbm>>
      %dma_wait3A_348 = tpu.memref_slice %arg11[%dma_wait3A_337] : memref<2x!tpu.dma_semaphore, #tpu.memory_space<semaphore_mem>> -> memref<1x!tpu.dma_semaphore, #tpu.memory_space<semaphore_mem>>
      %dma_wait3A_349 = tpu.memref_squeeze %dma_wait3A_348 : memref<1x!tpu.dma_semaphore, #tpu.memory_space<semaphore_mem>> -> memref<!tpu.dma_semaphore, #tpu.memory_space<semaphore_mem>>
      tpu.wait_indirect_dma semaphore(%dma_wait3A_349 : memref<!tpu.dma_semaphore, #tpu.memory_space<semaphore_mem>>) src(%dma_wait3A_347 : memref<10000x128xf32, #tpu.memory_space<hbm>>) dst(%dma_wait3A_341 : memref<128x128xf32, #tpu.memory_space<vmem>>)
      %dma_start3A_350 = arith.constant 1 : i32
      %dma_start3A_351 = arith.constant 1 : i32
      %dma_start3A_352 = arith.constant 1 : i32
      %dma_start3A_353 = arith.constant 0 : i32
      %dma_start3A_354 = arith.constant 0 : i32
      %dma_start3A_355 = tpu.memref_slice %arg9[%dma_start3A_350, %dma_start3A_353, %dma_start3A_354] : memref<2x128x128xf32, #tpu.memory_space<vmem>> -> memref<1x128x128xf32, #tpu.memory_space<vmem>>
      %dma_start3A_356 = tpu.memref_squeeze %dma_start3A_355 : memref<1x128x128xf32, #tpu.memory_space<vmem>> -> memref<128x128xf32, #tpu.memory_space<vmem>>
      %dma_start3A_357 = arith.constant 0 : i32
      %dma_start3A_358 = tpu.memref_slice %arg8[%dma_start3A_351, %dma_start3A_357] : memref<4x128xi32, #tpu.memory_space<vmem>> -> memref<1x128xi32, #tpu.memory_space<vmem>>
      %dma_start3A_359 = tpu.memref_squeeze %dma_start3A_358 : memref<1x128xi32, #tpu.memory_space<vmem>> -> memref<128xi32, #tpu.memory_space<vmem>>
      %dma_start3A_360 = arith.constant 0 : i32
      %dma_start3A_361 = arith.constant 0 : i32
      %dma_start3A_362 = tpu.memref_slice %arg10[%dma_start3A_360, %dma_start3A_361] : memref<10112x128xf32, #tpu.memory_space<vmem_shared>> -> memref<10112x128xf32, #tpu.memory_space<vmem_shared>>
      %dma_start3A_363 = tpu.memref_slice %arg12[%dma_start3A_352] : memref<2x!tpu.dma_semaphore, #tpu.memory_space<semaphore_mem>> -> memref<1x!tpu.dma_semaphore, #tpu.memory_space<semaphore_mem>>
      %dma_start3A_364 = tpu.memref_squeeze %dma_start3A_363 : memref<1x!tpu.dma_semaphore, #tpu.memory_space<semaphore_mem>> -> memref<!tpu.dma_semaphore, #tpu.memory_space<semaphore_mem>>
      tpu.enqueue_indirect_dma source(%dma_start3A_356 : memref<128x128xf32, #tpu.memory_space<vmem>>) target(%dma_start3A_362 : memref<10112x128xf32, #tpu.memory_space<vmem_shared>>) offsets(%dma_start3A_359 : memref<128xi32, #tpu.memory_space<vmem>>) semaphore(%dma_start3A_364 : memref<!tpu.dma_semaphore, #tpu.memory_space<semaphore_mem>>) {add = true}
      %mul3A_365 = arith.constant 4 : i32
      %mul3A_366 = arith.muli %scan3A_115, %mul3A_365 : i32
      %add3A_367 = arith.constant 2 : i32
      %add3A_368 = arith.addi %mul3A_366, %add3A_367 : i32
      %dma_wait3A_369 = arith.constant 0 : i32
      %dma_wait3A_370 = arith.constant 0 : i32
      %dma_wait3A_371 = arith.constant 0 : i32
      %dma_wait3A_372 = arith.constant 0 : i32
      %dma_wait3A_373 = arith.constant 0 : i32
      %dma_wait3A_374 = tpu.memref_slice %arg9[%dma_wait3A_369, %dma_wait3A_372, %dma_wait3A_373] : memref<2x128x128xf32, #tpu.memory_space<vmem>> -> memref<1x128x128xf32, #tpu.memory_space<vmem>>
      %dma_wait3A_375 = tpu.memref_squeeze %dma_wait3A_374 : memref<1x128x128xf32, #tpu.memory_space<vmem>> -> memref<128x128xf32, #tpu.memory_space<vmem>>
      %dma_wait3A_376 = arith.constant 0 : i32
      %dma_wait3A_377 = tpu.memref_slice %arg8[%dma_wait3A_370, %dma_wait3A_376] : memref<4x128xi32, #tpu.memory_space<vmem>> -> memref<1x128xi32, #tpu.memory_space<vmem>>
      %dma_wait3A_378 = tpu.memref_squeeze %dma_wait3A_377 : memref<1x128xi32, #tpu.memory_space<vmem>> -> memref<128xi32, #tpu.memory_space<vmem>>
      %dma_wait3A_379 = arith.constant 0 : i32
      %dma_wait3A_380 = arith.constant 0 : i32
      %dma_wait3A_381 = tpu.memref_slice %arg10[%dma_wait3A_379, %dma_wait3A_380] : memref<10112x128xf32, #tpu.memory_space<vmem_shared>> -> memref<10112x128xf32, #tpu.memory_space<vmem_shared>>
      %dma_wait3A_382 = tpu.memref_slice %arg12[%dma_wait3A_371] : memref<2x!tpu.dma_semaphore, #tpu.memory_space<semaphore_mem>> -> memref<1x!tpu.dma_semaphore, #tpu.memory_space<semaphore_mem>>
      %dma_wait3A_383 = tpu.memref_squeeze %dma_wait3A_382 : memref<1x!tpu.dma_semaphore, #tpu.memory_space<semaphore_mem>> -> memref<!tpu.dma_semaphore, #tpu.memory_space<semaphore_mem>>
      tpu.wait_indirect_dma semaphore(%dma_wait3A_383 : memref<!tpu.dma_semaphore, #tpu.memory_space<semaphore_mem>>) src(%dma_wait3A_375 : memref<128x128xf32, #tpu.memory_space<vmem>>) dst(%dma_wait3A_381 : memref<10112x128xf32, #tpu.memory_space<vmem_shared>>)
      %lt3A = arith.constant 19 : i32
      %lt3A_384 = arith.cmpi slt, %scan3A_115, %lt3A : i32
      %convert_element_type3A_385 = arith.extui %lt3A_384 : i1 to i32
      %cond3A_386 = arith.constant 0 : i32
      %cond3A_387 = arith.cmpi ne, %convert_element_type3A_385, %cond3A_386 : i32
      scf.if %cond3A_387 {
        %add3A_570 = arith.addi %mul3A_2, %add3A_368 : i32
        %add3A_571 = arith.constant 2 : i32
        %add3A_572 = arith.addi %add3A_570, %add3A_571 : i32
        %dma_start3A_573 = arith.constant 0 : i32
        %dma_start3A_574 = arith.constant 0 : i32
        %dma_start3A_575 = arith.constant 0 : i32
        %dma_start3A_576 = tpu.memref_slice %arg7[%dma_start3A_573, %dma_start3A_575] : memref<4x128xi32, #tpu.memory_space<vmem>> -> memref<1x128xi32, #tpu.memory_space<vmem>>
        %dma_start3A_577 = tpu.memref_squeeze %dma_start3A_576 : memref<1x128xi32, #tpu.memory_space<vmem>> -> memref<128xi32, #tpu.memory_space<vmem>>
        %dma_start3A_578 = arith.constant 0 : i32
        %dma_start3A_579 = tpu.memref_slice %arg3[%add3A_572, %dma_start3A_578] : memref<2560x128xi32, #tpu.memory_space<hbm>> -> memref<1x128xi32, #tpu.memory_space<hbm>>
        %dma_start3A_580 = tpu.memref_squeeze %dma_start3A_579 : memref<1x128xi32, #tpu.memory_space<hbm>> -> memref<128xi32, #tpu.memory_space<hbm>>
        %dma_start3A_581 = tpu.memref_slice %arg13[%dma_start3A_574] : memref<4x!tpu.dma_semaphore, #tpu.memory_space<semaphore_mem>> -> memref<1x!tpu.dma_semaphore, #tpu.memory_space<semaphore_mem>>
        %dma_start3A_582 = tpu.memref_squeeze %dma_start3A_581 : memref<1x!tpu.dma_semaphore, #tpu.memory_space<semaphore_mem>> -> memref<!tpu.dma_semaphore, #tpu.memory_space<semaphore_mem>>
        %dma_start3A_583 = arith.constant 0 : i32
        %dma_start3A_584 = tpu.memref_slice %arg7[%dma_start3A_573, %dma_start3A_583] : memref<4x128xi32, #tpu.memory_space<vmem>> -> memref<1x128xi32, #tpu.memory_space<vmem>>
        %dma_start3A_585 = tpu.memref_squeeze %dma_start3A_584 : memref<1x128xi32, #tpu.memory_space<vmem>> -> memref<128xi32, #tpu.memory_space<vmem>>
        %dma_start3A_586 = arith.constant 0 : i32
        %dma_start3A_587 = tpu.memref_slice %arg3[%add3A_572, %dma_start3A_586] : memref<2560x128xi32, #tpu.memory_space<hbm>> -> memref<1x128xi32, #tpu.memory_space<hbm>>
        %dma_start3A_588 = tpu.memref_squeeze %dma_start3A_587 : memref<1x128xi32, #tpu.memory_space<hbm>> -> memref<128xi32, #tpu.memory_space<hbm>>
        tpu.enqueue_dma source(%dma_start3A_588 : memref<128xi32, #tpu.memory_space<hbm>>) target(%dma_start3A_585 : memref<128xi32, #tpu.memory_space<vmem>>) target_semaphore(%dma_start3A_582 : memref<!tpu.dma_semaphore, #tpu.memory_space<semaphore_mem>>)
        %add3A_589 = arith.addi %mul3A_2, %add3A_368 : i32
        %add3A_590 = arith.constant 2 : i32
        %add3A_591 = arith.addi %add3A_589, %add3A_590 : i32
        %dma_start3A_592 = arith.constant 0 : i32
        %dma_start3A_593 = arith.constant 0 : i32
        %dma_start3A_594 = arith.constant 0 : i32
        %dma_start3A_595 = tpu.memref_slice %arg8[%dma_start3A_592, %dma_start3A_594] : memref<4x128xi32, #tpu.memory_space<vmem>> -> memref<1x128xi32, #tpu.memory_space<vmem>>
        %dma_start3A_596 = tpu.memref_squeeze %dma_start3A_595 : memref<1x128xi32, #tpu.memory_space<vmem>> -> memref<128xi32, #tpu.memory_space<vmem>>
        %dma_start3A_597 = arith.constant 0 : i32
        %dma_start3A_598 = tpu.memref_slice %arg4[%add3A_591, %dma_start3A_597] : memref<2560x128xi32, #tpu.memory_space<hbm>> -> memref<1x128xi32, #tpu.memory_space<hbm>>
        %dma_start3A_599 = tpu.memref_squeeze %dma_start3A_598 : memref<1x128xi32, #tpu.memory_space<hbm>> -> memref<128xi32, #tpu.memory_space<hbm>>
        %dma_start3A_600 = tpu.memref_slice %arg13[%dma_start3A_593] : memref<4x!tpu.dma_semaphore, #tpu.memory_space<semaphore_mem>> -> memref<1x!tpu.dma_semaphore, #tpu.memory_space<semaphore_mem>>
        %dma_start3A_601 = tpu.memref_squeeze %dma_start3A_600 : memref<1x!tpu.dma_semaphore, #tpu.memory_space<semaphore_mem>> -> memref<!tpu.dma_semaphore, #tpu.memory_space<semaphore_mem>>
        %dma_start3A_602 = arith.constant 0 : i32
        %dma_start3A_603 = tpu.memref_slice %arg8[%dma_start3A_592, %dma_start3A_602] : memref<4x128xi32, #tpu.memory_space<vmem>> -> memref<1x128xi32, #tpu.memory_space<vmem>>
        %dma_start3A_604 = tpu.memref_squeeze %dma_start3A_603 : memref<1x128xi32, #tpu.memory_space<vmem>> -> memref<128xi32, #tpu.memory_space<vmem>>
        %dma_start3A_605 = arith.constant 0 : i32
        %dma_start3A_606 = tpu.memref_slice %arg4[%add3A_591, %dma_start3A_605] : memref<2560x128xi32, #tpu.memory_space<hbm>> -> memref<1x128xi32, #tpu.memory_space<hbm>>
        %dma_start3A_607 = tpu.memref_squeeze %dma_start3A_606 : memref<1x128xi32, #tpu.memory_space<hbm>> -> memref<128xi32, #tpu.memory_space<hbm>>
        tpu.enqueue_dma source(%dma_start3A_607 : memref<128xi32, #tpu.memory_space<hbm>>) target(%dma_start3A_604 : memref<128xi32, #tpu.memory_space<vmem>>) target_semaphore(%dma_start3A_601 : memref<!tpu.dma_semaphore, #tpu.memory_space<semaphore_mem>>)
      } else {
      }
      %add3A_388 = arith.addi %mul3A_2, %add3A_368 : i32
      %dma_wait3A_389 = arith.constant 2 : i32
      %dma_wait3A_390 = arith.constant 2 : i32
      %dma_wait3A_391 = arith.constant 0 : i32
      %dma_wait3A_392 = tpu.memref_slice %arg7[%dma_wait3A_389, %dma_wait3A_391] : memref<4x128xi32, #tpu.memory_space<vmem>> -> memref<1x128xi32, #tpu.memory_space<vmem>>
      %dma_wait3A_393 = tpu.memref_squeeze %dma_wait3A_392 : memref<1x128xi32, #tpu.memory_space<vmem>> -> memref<128xi32, #tpu.memory_space<vmem>>
      %dma_wait3A_394 = arith.constant 0 : i32
      %dma_wait3A_395 = tpu.memref_slice %arg3[%add3A_388, %dma_wait3A_394] : memref<2560x128xi32, #tpu.memory_space<hbm>> -> memref<1x128xi32, #tpu.memory_space<hbm>>
      %dma_wait3A_396 = tpu.memref_squeeze %dma_wait3A_395 : memref<1x128xi32, #tpu.memory_space<hbm>> -> memref<128xi32, #tpu.memory_space<hbm>>
      %dma_wait3A_397 = tpu.memref_slice %arg13[%dma_wait3A_390] : memref<4x!tpu.dma_semaphore, #tpu.memory_space<semaphore_mem>> -> memref<1x!tpu.dma_semaphore, #tpu.memory_space<semaphore_mem>>
      %dma_wait3A_398 = tpu.memref_squeeze %dma_wait3A_397 : memref<1x!tpu.dma_semaphore, #tpu.memory_space<semaphore_mem>> -> memref<!tpu.dma_semaphore, #tpu.memory_space<semaphore_mem>>
      %dma_wait3A_399 = arith.constant 0 : i32
      %dma_wait3A_400 = tpu.memref_slice %arg7[%dma_wait3A_389, %dma_wait3A_399] : memref<4x128xi32, #tpu.memory_space<vmem>> -> memref<1x128xi32, #tpu.memory_space<vmem>>
      %dma_wait3A_401 = tpu.memref_squeeze %dma_wait3A_400 : memref<1x128xi32, #tpu.memory_space<vmem>> -> memref<128xi32, #tpu.memory_space<vmem>>
      %dma_wait3A_402 = arith.constant 0 : i32
      %dma_wait3A_403 = tpu.memref_slice %arg3[%add3A_388, %dma_wait3A_402] : memref<2560x128xi32, #tpu.memory_space<hbm>> -> memref<1x128xi32, #tpu.memory_space<hbm>>
      %dma_wait3A_404 = tpu.memref_squeeze %dma_wait3A_403 : memref<1x128xi32, #tpu.memory_space<hbm>> -> memref<128xi32, #tpu.memory_space<hbm>>
      tpu.wait_dma2 semaphore(%dma_wait3A_398 : memref<!tpu.dma_semaphore, #tpu.memory_space<semaphore_mem>>) src(%dma_wait3A_404 : memref<128xi32, #tpu.memory_space<hbm>>) dst(%dma_wait3A_401 : memref<128xi32, #tpu.memory_space<vmem>>)
      %add3A_405 = arith.addi %mul3A_2, %add3A_368 : i32
      %dma_wait3A_406 = arith.constant 2 : i32
      %dma_wait3A_407 = arith.constant 2 : i32
      %dma_wait3A_408 = arith.constant 0 : i32
      %dma_wait3A_409 = tpu.memref_slice %arg8[%dma_wait3A_406, %dma_wait3A_408] : memref<4x128xi32, #tpu.memory_space<vmem>> -> memref<1x128xi32, #tpu.memory_space<vmem>>
      %dma_wait3A_410 = tpu.memref_squeeze %dma_wait3A_409 : memref<1x128xi32, #tpu.memory_space<vmem>> -> memref<128xi32, #tpu.memory_space<vmem>>
      %dma_wait3A_411 = arith.constant 0 : i32
      %dma_wait3A_412 = tpu.memref_slice %arg4[%add3A_405, %dma_wait3A_411] : memref<2560x128xi32, #tpu.memory_space<hbm>> -> memref<1x128xi32, #tpu.memory_space<hbm>>
      %dma_wait3A_413 = tpu.memref_squeeze %dma_wait3A_412 : memref<1x128xi32, #tpu.memory_space<hbm>> -> memref<128xi32, #tpu.memory_space<hbm>>
      %dma_wait3A_414 = tpu.memref_slice %arg13[%dma_wait3A_407] : memref<4x!tpu.dma_semaphore, #tpu.memory_space<semaphore_mem>> -> memref<1x!tpu.dma_semaphore, #tpu.memory_space<semaphore_mem>>
      %dma_wait3A_415 = tpu.memref_squeeze %dma_wait3A_414 : memref<1x!tpu.dma_semaphore, #tpu.memory_space<semaphore_mem>> -> memref<!tpu.dma_semaphore, #tpu.memory_space<semaphore_mem>>
      %dma_wait3A_416 = arith.constant 0 : i32
      %dma_wait3A_417 = tpu.memref_slice %arg8[%dma_wait3A_406, %dma_wait3A_416] : memref<4x128xi32, #tpu.memory_space<vmem>> -> memref<1x128xi32, #tpu.memory_space<vmem>>
      %dma_wait3A_418 = tpu.memref_squeeze %dma_wait3A_417 : memref<1x128xi32, #tpu.memory_space<vmem>> -> memref<128xi32, #tpu.memory_space<vmem>>
      %dma_wait3A_419 = arith.constant 0 : i32
      %dma_wait3A_420 = tpu.memref_slice %arg4[%add3A_405, %dma_wait3A_419] : memref<2560x128xi32, #tpu.memory_space<hbm>> -> memref<1x128xi32, #tpu.memory_space<hbm>>
      %dma_wait3A_421 = tpu.memref_squeeze %dma_wait3A_420 : memref<1x128xi32, #tpu.memory_space<hbm>> -> memref<128xi32, #tpu.memory_space<hbm>>
      tpu.wait_dma2 semaphore(%dma_wait3A_415 : memref<!tpu.dma_semaphore, #tpu.memory_space<semaphore_mem>>) src(%dma_wait3A_421 : memref<128xi32, #tpu.memory_space<hbm>>) dst(%dma_wait3A_418 : memref<128xi32, #tpu.memory_space<vmem>>)
      %dma_start3A_422 = arith.constant 2 : i32
      %dma_start3A_423 = arith.constant 0 : i32
      %dma_start3A_424 = arith.constant 0 : i32
      %dma_start3A_425 = arith.constant 0 : i32
      %dma_start3A_426 = arith.constant 0 : i32
      %dma_start3A_427 = tpu.memref_slice %arg9[%dma_start3A_423, %dma_start3A_425, %dma_start3A_426] : memref<2x128x128xf32, #tpu.memory_space<vmem>> -> memref<1x128x128xf32, #tpu.memory_space<vmem>>
      %dma_start3A_428 = tpu.memref_squeeze %dma_start3A_427 : memref<1x128x128xf32, #tpu.memory_space<vmem>> -> memref<128x128xf32, #tpu.memory_space<vmem>>
      %dma_start3A_429 = arith.constant 0 : i32
      %dma_start3A_430 = tpu.memref_slice %arg7[%dma_start3A_422, %dma_start3A_429] : memref<4x128xi32, #tpu.memory_space<vmem>> -> memref<1x128xi32, #tpu.memory_space<vmem>>
      %dma_start3A_431 = tpu.memref_squeeze %dma_start3A_430 : memref<1x128xi32, #tpu.memory_space<vmem>> -> memref<128xi32, #tpu.memory_space<vmem>>
      %dma_start3A_432 = arith.constant 0 : i32
      %dma_start3A_433 = arith.constant 0 : i32
      %dma_start3A_434 = tpu.memref_slice %arg2[%dma_start3A_432, %dma_start3A_433] : memref<10000x128xf32, #tpu.memory_space<hbm>> -> memref<10000x128xf32, #tpu.memory_space<hbm>>
      %dma_start3A_435 = tpu.memref_slice %arg11[%dma_start3A_424] : memref<2x!tpu.dma_semaphore, #tpu.memory_space<semaphore_mem>> -> memref<1x!tpu.dma_semaphore, #tpu.memory_space<semaphore_mem>>
      %dma_start3A_436 = tpu.memref_squeeze %dma_start3A_435 : memref<1x!tpu.dma_semaphore, #tpu.memory_space<semaphore_mem>> -> memref<!tpu.dma_semaphore, #tpu.memory_space<semaphore_mem>>
      tpu.enqueue_indirect_dma source(%dma_start3A_434 : memref<10000x128xf32, #tpu.memory_space<hbm>>) target(%dma_start3A_428 : memref<128x128xf32, #tpu.memory_space<vmem>>) offsets(%dma_start3A_431 : memref<128xi32, #tpu.memory_space<vmem>>) semaphore(%dma_start3A_436 : memref<!tpu.dma_semaphore, #tpu.memory_space<semaphore_mem>>)
      %dma_wait3A_437 = arith.constant 2 : i32
      %dma_wait3A_438 = arith.constant 0 : i32
      %dma_wait3A_439 = arith.constant 0 : i32
      %dma_wait3A_440 = arith.constant 0 : i32
      %dma_wait3A_441 = arith.constant 0 : i32
      %dma_wait3A_442 = tpu.memref_slice %arg9[%dma_wait3A_438, %dma_wait3A_440, %dma_wait3A_441] : memref<2x128x128xf32, #tpu.memory_space<vmem>> -> memref<1x128x128xf32, #tpu.memory_space<vmem>>
      %dma_wait3A_443 = tpu.memref_squeeze %dma_wait3A_442 : memref<1x128x128xf32, #tpu.memory_space<vmem>> -> memref<128x128xf32, #tpu.memory_space<vmem>>
      %dma_wait3A_444 = arith.constant 0 : i32
      %dma_wait3A_445 = tpu.memref_slice %arg7[%dma_wait3A_437, %dma_wait3A_444] : memref<4x128xi32, #tpu.memory_space<vmem>> -> memref<1x128xi32, #tpu.memory_space<vmem>>
      %dma_wait3A_446 = tpu.memref_squeeze %dma_wait3A_445 : memref<1x128xi32, #tpu.memory_space<vmem>> -> memref<128xi32, #tpu.memory_space<vmem>>
      %dma_wait3A_447 = arith.constant 0 : i32
      %dma_wait3A_448 = arith.constant 0 : i32
      %dma_wait3A_449 = tpu.memref_slice %arg2[%dma_wait3A_447, %dma_wait3A_448] : memref<10000x128xf32, #tpu.memory_space<hbm>> -> memref<10000x128xf32, #tpu.memory_space<hbm>>
      %dma_wait3A_450 = tpu.memref_slice %arg11[%dma_wait3A_439] : memref<2x!tpu.dma_semaphore, #tpu.memory_space<semaphore_mem>> -> memref<1x!tpu.dma_semaphore, #tpu.memory_space<semaphore_mem>>
      %dma_wait3A_451 = tpu.memref_squeeze %dma_wait3A_450 : memref<1x!tpu.dma_semaphore, #tpu.memory_space<semaphore_mem>> -> memref<!tpu.dma_semaphore, #tpu.memory_space<semaphore_mem>>
      tpu.wait_indirect_dma semaphore(%dma_wait3A_451 : memref<!tpu.dma_semaphore, #tpu.memory_space<semaphore_mem>>) src(%dma_wait3A_449 : memref<10000x128xf32, #tpu.memory_space<hbm>>) dst(%dma_wait3A_443 : memref<128x128xf32, #tpu.memory_space<vmem>>)
      %dma_start3A_452 = arith.constant 0 : i32
      %dma_start3A_453 = arith.constant 2 : i32
      %dma_start3A_454 = arith.constant 0 : i32
      %dma_start3A_455 = arith.constant 0 : i32
      %dma_start3A_456 = arith.constant 0 : i32
      %dma_start3A_457 = tpu.memref_slice %arg9[%dma_start3A_452, %dma_start3A_455, %dma_start3A_456] : memref<2x128x128xf32, #tpu.memory_space<vmem>> -> memref<1x128x128xf32, #tpu.memory_space<vmem>>
      %dma_start3A_458 = tpu.memref_squeeze %dma_start3A_457 : memref<1x128x128xf32, #tpu.memory_space<vmem>> -> memref<128x128xf32, #tpu.memory_space<vmem>>
      %dma_start3A_459 = arith.constant 0 : i32
      %dma_start3A_460 = tpu.memref_slice %arg8[%dma_start3A_453, %dma_start3A_459] : memref<4x128xi32, #tpu.memory_space<vmem>> -> memref<1x128xi32, #tpu.memory_space<vmem>>
      %dma_start3A_461 = tpu.memref_squeeze %dma_start3A_460 : memref<1x128xi32, #tpu.memory_space<vmem>> -> memref<128xi32, #tpu.memory_space<vmem>>
      %dma_start3A_462 = arith.constant 0 : i32
      %dma_start3A_463 = arith.constant 0 : i32
      %dma_start3A_464 = tpu.memref_slice %arg10[%dma_start3A_462, %dma_start3A_463] : memref<10112x128xf32, #tpu.memory_space<vmem_shared>> -> memref<10112x128xf32, #tpu.memory_space<vmem_shared>>
      %dma_start3A_465 = tpu.memref_slice %arg12[%dma_start3A_454] : memref<2x!tpu.dma_semaphore, #tpu.memory_space<semaphore_mem>> -> memref<1x!tpu.dma_semaphore, #tpu.memory_space<semaphore_mem>>
      %dma_start3A_466 = tpu.memref_squeeze %dma_start3A_465 : memref<1x!tpu.dma_semaphore, #tpu.memory_space<semaphore_mem>> -> memref<!tpu.dma_semaphore, #tpu.memory_space<semaphore_mem>>
      tpu.enqueue_indirect_dma source(%dma_start3A_458 : memref<128x128xf32, #tpu.memory_space<vmem>>) target(%dma_start3A_464 : memref<10112x128xf32, #tpu.memory_space<vmem_shared>>) offsets(%dma_start3A_461 : memref<128xi32, #tpu.memory_space<vmem>>) semaphore(%dma_start3A_466 : memref<!tpu.dma_semaphore, #tpu.memory_space<semaphore_mem>>) {add = true}
      %mul3A_467 = arith.constant 4 : i32
      %mul3A_468 = arith.muli %scan3A_115, %mul3A_467 : i32
      %add3A_469 = arith.constant 3 : i32
      %add3A_470 = arith.addi %mul3A_468, %add3A_469 : i32
      %dma_wait3A_471 = arith.constant 1 : i32
      %dma_wait3A_472 = arith.constant 1 : i32
      %dma_wait3A_473 = arith.constant 1 : i32
      %dma_wait3A_474 = arith.constant 0 : i32
      %dma_wait3A_475 = arith.constant 0 : i32
      %dma_wait3A_476 = tpu.memref_slice %arg9[%dma_wait3A_471, %dma_wait3A_474, %dma_wait3A_475] : memref<2x128x128xf32, #tpu.memory_space<vmem>> -> memref<1x128x128xf32, #tpu.memory_space<vmem>>
      %dma_wait3A_477 = tpu.memref_squeeze %dma_wait3A_476 : memref<1x128x128xf32, #tpu.memory_space<vmem>> -> memref<128x128xf32, #tpu.memory_space<vmem>>
      %dma_wait3A_478 = arith.constant 0 : i32
      %dma_wait3A_479 = tpu.memref_slice %arg8[%dma_wait3A_472, %dma_wait3A_478] : memref<4x128xi32, #tpu.memory_space<vmem>> -> memref<1x128xi32, #tpu.memory_space<vmem>>
      %dma_wait3A_480 = tpu.memref_squeeze %dma_wait3A_479 : memref<1x128xi32, #tpu.memory_space<vmem>> -> memref<128xi32, #tpu.memory_space<vmem>>
      %dma_wait3A_481 = arith.constant 0 : i32
      %dma_wait3A_482 = arith.constant 0 : i32
      %dma_wait3A_483 = tpu.memref_slice %arg10[%dma_wait3A_481, %dma_wait3A_482] : memref<10112x128xf32, #tpu.memory_space<vmem_shared>> -> memref<10112x128xf32, #tpu.memory_space<vmem_shared>>
      %dma_wait3A_484 = tpu.memref_slice %arg12[%dma_wait3A_473] : memref<2x!tpu.dma_semaphore, #tpu.memory_space<semaphore_mem>> -> memref<1x!tpu.dma_semaphore, #tpu.memory_space<semaphore_mem>>
      %dma_wait3A_485 = tpu.memref_squeeze %dma_wait3A_484 : memref<1x!tpu.dma_semaphore, #tpu.memory_space<semaphore_mem>> -> memref<!tpu.dma_semaphore, #tpu.memory_space<semaphore_mem>>
      tpu.wait_indirect_dma semaphore(%dma_wait3A_485 : memref<!tpu.dma_semaphore, #tpu.memory_space<semaphore_mem>>) src(%dma_wait3A_477 : memref<128x128xf32, #tpu.memory_space<vmem>>) dst(%dma_wait3A_483 : memref<10112x128xf32, #tpu.memory_space<vmem_shared>>)
      %lt3A_486 = arith.constant 19 : i32
      %lt3A_487 = arith.cmpi slt, %scan3A_115, %lt3A_486 : i32
      %convert_element_type3A_488 = arith.extui %lt3A_487 : i1 to i32
      %cond3A_489 = arith.constant 0 : i32
      %cond3A_490 = arith.cmpi ne, %convert_element_type3A_488, %cond3A_489 : i32
      scf.if %cond3A_490 {
        %add3A_570 = arith.addi %mul3A_2, %add3A_470 : i32
        %add3A_571 = arith.constant 2 : i32
        %add3A_572 = arith.addi %add3A_570, %add3A_571 : i32
        %dma_start3A_573 = arith.constant 1 : i32
        %dma_start3A_574 = arith.constant 1 : i32
        %dma_start3A_575 = arith.constant 0 : i32
        %dma_start3A_576 = tpu.memref_slice %arg7[%dma_start3A_573, %dma_start3A_575] : memref<4x128xi32, #tpu.memory_space<vmem>> -> memref<1x128xi32, #tpu.memory_space<vmem>>
        %dma_start3A_577 = tpu.memref_squeeze %dma_start3A_576 : memref<1x128xi32, #tpu.memory_space<vmem>> -> memref<128xi32, #tpu.memory_space<vmem>>
        %dma_start3A_578 = arith.constant 0 : i32
        %dma_start3A_579 = tpu.memref_slice %arg3[%add3A_572, %dma_start3A_578] : memref<2560x128xi32, #tpu.memory_space<hbm>> -> memref<1x128xi32, #tpu.memory_space<hbm>>
        %dma_start3A_580 = tpu.memref_squeeze %dma_start3A_579 : memref<1x128xi32, #tpu.memory_space<hbm>> -> memref<128xi32, #tpu.memory_space<hbm>>
        %dma_start3A_581 = tpu.memref_slice %arg13[%dma_start3A_574] : memref<4x!tpu.dma_semaphore, #tpu.memory_space<semaphore_mem>> -> memref<1x!tpu.dma_semaphore, #tpu.memory_space<semaphore_mem>>
        %dma_start3A_582 = tpu.memref_squeeze %dma_start3A_581 : memref<1x!tpu.dma_semaphore, #tpu.memory_space<semaphore_mem>> -> memref<!tpu.dma_semaphore, #tpu.memory_space<semaphore_mem>>
        %dma_start3A_583 = arith.constant 0 : i32
        %dma_start3A_584 = tpu.memref_slice %arg7[%dma_start3A_573, %dma_start3A_583] : memref<4x128xi32, #tpu.memory_space<vmem>> -> memref<1x128xi32, #tpu.memory_space<vmem>>
        %dma_start3A_585 = tpu.memref_squeeze %dma_start3A_584 : memref<1x128xi32, #tpu.memory_space<vmem>> -> memref<128xi32, #tpu.memory_space<vmem>>
        %dma_start3A_586 = arith.constant 0 : i32
        %dma_start3A_587 = tpu.memref_slice %arg3[%add3A_572, %dma_start3A_586] : memref<2560x128xi32, #tpu.memory_space<hbm>> -> memref<1x128xi32, #tpu.memory_space<hbm>>
        %dma_start3A_588 = tpu.memref_squeeze %dma_start3A_587 : memref<1x128xi32, #tpu.memory_space<hbm>> -> memref<128xi32, #tpu.memory_space<hbm>>
        tpu.enqueue_dma source(%dma_start3A_588 : memref<128xi32, #tpu.memory_space<hbm>>) target(%dma_start3A_585 : memref<128xi32, #tpu.memory_space<vmem>>) target_semaphore(%dma_start3A_582 : memref<!tpu.dma_semaphore, #tpu.memory_space<semaphore_mem>>)
        %add3A_589 = arith.addi %mul3A_2, %add3A_470 : i32
        %add3A_590 = arith.constant 2 : i32
        %add3A_591 = arith.addi %add3A_589, %add3A_590 : i32
        %dma_start3A_592 = arith.constant 1 : i32
        %dma_start3A_593 = arith.constant 1 : i32
        %dma_start3A_594 = arith.constant 0 : i32
        %dma_start3A_595 = tpu.memref_slice %arg8[%dma_start3A_592, %dma_start3A_594] : memref<4x128xi32, #tpu.memory_space<vmem>> -> memref<1x128xi32, #tpu.memory_space<vmem>>
        %dma_start3A_596 = tpu.memref_squeeze %dma_start3A_595 : memref<1x128xi32, #tpu.memory_space<vmem>> -> memref<128xi32, #tpu.memory_space<vmem>>
        %dma_start3A_597 = arith.constant 0 : i32
        %dma_start3A_598 = tpu.memref_slice %arg4[%add3A_591, %dma_start3A_597] : memref<2560x128xi32, #tpu.memory_space<hbm>> -> memref<1x128xi32, #tpu.memory_space<hbm>>
        %dma_start3A_599 = tpu.memref_squeeze %dma_start3A_598 : memref<1x128xi32, #tpu.memory_space<hbm>> -> memref<128xi32, #tpu.memory_space<hbm>>
        %dma_start3A_600 = tpu.memref_slice %arg13[%dma_start3A_593] : memref<4x!tpu.dma_semaphore, #tpu.memory_space<semaphore_mem>> -> memref<1x!tpu.dma_semaphore, #tpu.memory_space<semaphore_mem>>
        %dma_start3A_601 = tpu.memref_squeeze %dma_start3A_600 : memref<1x!tpu.dma_semaphore, #tpu.memory_space<semaphore_mem>> -> memref<!tpu.dma_semaphore, #tpu.memory_space<semaphore_mem>>
        %dma_start3A_602 = arith.constant 0 : i32
        %dma_start3A_603 = tpu.memref_slice %arg8[%dma_start3A_592, %dma_start3A_602] : memref<4x128xi32, #tpu.memory_space<vmem>> -> memref<1x128xi32, #tpu.memory_space<vmem>>
        %dma_start3A_604 = tpu.memref_squeeze %dma_start3A_603 : memref<1x128xi32, #tpu.memory_space<vmem>> -> memref<128xi32, #tpu.memory_space<vmem>>
        %dma_start3A_605 = arith.constant 0 : i32
        %dma_start3A_606 = tpu.memref_slice %arg4[%add3A_591, %dma_start3A_605] : memref<2560x128xi32, #tpu.memory_space<hbm>> -> memref<1x128xi32, #tpu.memory_space<hbm>>
        %dma_start3A_607 = tpu.memref_squeeze %dma_start3A_606 : memref<1x128xi32, #tpu.memory_space<hbm>> -> memref<128xi32, #tpu.memory_space<hbm>>
        tpu.enqueue_dma source(%dma_start3A_607 : memref<128xi32, #tpu.memory_space<hbm>>) target(%dma_start3A_604 : memref<128xi32, #tpu.memory_space<vmem>>) target_semaphore(%dma_start3A_601 : memref<!tpu.dma_semaphore, #tpu.memory_space<semaphore_mem>>)
      } else {
      }
      %add3A_491 = arith.addi %mul3A_2, %add3A_470 : i32
      %dma_wait3A_492 = arith.constant 3 : i32
      %dma_wait3A_493 = arith.constant 3 : i32
      %dma_wait3A_494 = arith.constant 0 : i32
      %dma_wait3A_495 = tpu.memref_slice %arg7[%dma_wait3A_492, %dma_wait3A_494] : memref<4x128xi32, #tpu.memory_space<vmem>> -> memref<1x128xi32, #tpu.memory_space<vmem>>
      %dma_wait3A_496 = tpu.memref_squeeze %dma_wait3A_495 : memref<1x128xi32, #tpu.memory_space<vmem>> -> memref<128xi32, #tpu.memory_space<vmem>>
      %dma_wait3A_497 = arith.constant 0 : i32
      %dma_wait3A_498 = tpu.memref_slice %arg3[%add3A_491, %dma_wait3A_497] : memref<2560x128xi32, #tpu.memory_space<hbm>> -> memref<1x128xi32, #tpu.memory_space<hbm>>
      %dma_wait3A_499 = tpu.memref_squeeze %dma_wait3A_498 : memref<1x128xi32, #tpu.memory_space<hbm>> -> memref<128xi32, #tpu.memory_space<hbm>>
      %dma_wait3A_500 = tpu.memref_slice %arg13[%dma_wait3A_493] : memref<4x!tpu.dma_semaphore, #tpu.memory_space<semaphore_mem>> -> memref<1x!tpu.dma_semaphore, #tpu.memory_space<semaphore_mem>>
      %dma_wait3A_501 = tpu.memref_squeeze %dma_wait3A_500 : memref<1x!tpu.dma_semaphore, #tpu.memory_space<semaphore_mem>> -> memref<!tpu.dma_semaphore, #tpu.memory_space<semaphore_mem>>
      %dma_wait3A_502 = arith.constant 0 : i32
      %dma_wait3A_503 = tpu.memref_slice %arg7[%dma_wait3A_492, %dma_wait3A_502] : memref<4x128xi32, #tpu.memory_space<vmem>> -> memref<1x128xi32, #tpu.memory_space<vmem>>
      %dma_wait3A_504 = tpu.memref_squeeze %dma_wait3A_503 : memref<1x128xi32, #tpu.memory_space<vmem>> -> memref<128xi32, #tpu.memory_space<vmem>>
      %dma_wait3A_505 = arith.constant 0 : i32
      %dma_wait3A_506 = tpu.memref_slice %arg3[%add3A_491, %dma_wait3A_505] : memref<2560x128xi32, #tpu.memory_space<hbm>> -> memref<1x128xi32, #tpu.memory_space<hbm>>
      %dma_wait3A_507 = tpu.memref_squeeze %dma_wait3A_506 : memref<1x128xi32, #tpu.memory_space<hbm>> -> memref<128xi32, #tpu.memory_space<hbm>>
      tpu.wait_dma2 semaphore(%dma_wait3A_501 : memref<!tpu.dma_semaphore, #tpu.memory_space<semaphore_mem>>) src(%dma_wait3A_507 : memref<128xi32, #tpu.memory_space<hbm>>) dst(%dma_wait3A_504 : memref<128xi32, #tpu.memory_space<vmem>>)
      %add3A_508 = arith.addi %mul3A_2, %add3A_470 : i32
      %dma_wait3A_509 = arith.constant 3 : i32
      %dma_wait3A_510 = arith.constant 3 : i32
      %dma_wait3A_511 = arith.constant 0 : i32
      %dma_wait3A_512 = tpu.memref_slice %arg8[%dma_wait3A_509, %dma_wait3A_511] : memref<4x128xi32, #tpu.memory_space<vmem>> -> memref<1x128xi32, #tpu.memory_space<vmem>>
      %dma_wait3A_513 = tpu.memref_squeeze %dma_wait3A_512 : memref<1x128xi32, #tpu.memory_space<vmem>> -> memref<128xi32, #tpu.memory_space<vmem>>
      %dma_wait3A_514 = arith.constant 0 : i32
      %dma_wait3A_515 = tpu.memref_slice %arg4[%add3A_508, %dma_wait3A_514] : memref<2560x128xi32, #tpu.memory_space<hbm>> -> memref<1x128xi32, #tpu.memory_space<hbm>>
      %dma_wait3A_516 = tpu.memref_squeeze %dma_wait3A_515 : memref<1x128xi32, #tpu.memory_space<hbm>> -> memref<128xi32, #tpu.memory_space<hbm>>
      %dma_wait3A_517 = tpu.memref_slice %arg13[%dma_wait3A_510] : memref<4x!tpu.dma_semaphore, #tpu.memory_space<semaphore_mem>> -> memref<1x!tpu.dma_semaphore, #tpu.memory_space<semaphore_mem>>
      %dma_wait3A_518 = tpu.memref_squeeze %dma_wait3A_517 : memref<1x!tpu.dma_semaphore, #tpu.memory_space<semaphore_mem>> -> memref<!tpu.dma_semaphore, #tpu.memory_space<semaphore_mem>>
      %dma_wait3A_519 = arith.constant 0 : i32
      %dma_wait3A_520 = tpu.memref_slice %arg8[%dma_wait3A_509, %dma_wait3A_519] : memref<4x128xi32, #tpu.memory_space<vmem>> -> memref<1x128xi32, #tpu.memory_space<vmem>>
      %dma_wait3A_521 = tpu.memref_squeeze %dma_wait3A_520 : memref<1x128xi32, #tpu.memory_space<vmem>> -> memref<128xi32, #tpu.memory_space<vmem>>
      %dma_wait3A_522 = arith.constant 0 : i32
      %dma_wait3A_523 = tpu.memref_slice %arg4[%add3A_508, %dma_wait3A_522] : memref<2560x128xi32, #tpu.memory_space<hbm>> -> memref<1x128xi32, #tpu.memory_space<hbm>>
      %dma_wait3A_524 = tpu.memref_squeeze %dma_wait3A_523 : memref<1x128xi32, #tpu.memory_space<hbm>> -> memref<128xi32, #tpu.memory_space<hbm>>
      tpu.wait_dma2 semaphore(%dma_wait3A_518 : memref<!tpu.dma_semaphore, #tpu.memory_space<semaphore_mem>>) src(%dma_wait3A_524 : memref<128xi32, #tpu.memory_space<hbm>>) dst(%dma_wait3A_521 : memref<128xi32, #tpu.memory_space<vmem>>)
      %dma_start3A_525 = arith.constant 3 : i32
      %dma_start3A_526 = arith.constant 1 : i32
      %dma_start3A_527 = arith.constant 1 : i32
      %dma_start3A_528 = arith.constant 0 : i32
      %dma_start3A_529 = arith.constant 0 : i32
      %dma_start3A_530 = tpu.memref_slice %arg9[%dma_start3A_526, %dma_start3A_528, %dma_start3A_529] : memref<2x128x128xf32, #tpu.memory_space<vmem>> -> memref<1x128x128xf32, #tpu.memory_space<vmem>>
      %dma_start3A_531 = tpu.memref_squeeze %dma_start3A_530 : memref<1x128x128xf32, #tpu.memory_space<vmem>> -> memref<128x128xf32, #tpu.memory_space<vmem>>
      %dma_start3A_532 = arith.constant 0 : i32
      %dma_start3A_533 = tpu.memref_slice %arg7[%dma_start3A_525, %dma_start3A_532] : memref<4x128xi32, #tpu.memory_space<vmem>> -> memref<1x128xi32, #tpu.memory_space<vmem>>
      %dma_start3A_534 = tpu.memref_squeeze %dma_start3A_533 : memref<1x128xi32, #tpu.memory_space<vmem>> -> memref<128xi32, #tpu.memory_space<vmem>>
      %dma_start3A_535 = arith.constant 0 : i32
      %dma_start3A_536 = arith.constant 0 : i32
      %dma_start3A_537 = tpu.memref_slice %arg2[%dma_start3A_535, %dma_start3A_536] : memref<10000x128xf32, #tpu.memory_space<hbm>> -> memref<10000x128xf32, #tpu.memory_space<hbm>>
      %dma_start3A_538 = tpu.memref_slice %arg11[%dma_start3A_527] : memref<2x!tpu.dma_semaphore, #tpu.memory_space<semaphore_mem>> -> memref<1x!tpu.dma_semaphore, #tpu.memory_space<semaphore_mem>>
      %dma_start3A_539 = tpu.memref_squeeze %dma_start3A_538 : memref<1x!tpu.dma_semaphore, #tpu.memory_space<semaphore_mem>> -> memref<!tpu.dma_semaphore, #tpu.memory_space<semaphore_mem>>
      tpu.enqueue_indirect_dma source(%dma_start3A_537 : memref<10000x128xf32, #tpu.memory_space<hbm>>) target(%dma_start3A_531 : memref<128x128xf32, #tpu.memory_space<vmem>>) offsets(%dma_start3A_534 : memref<128xi32, #tpu.memory_space<vmem>>) semaphore(%dma_start3A_539 : memref<!tpu.dma_semaphore, #tpu.memory_space<semaphore_mem>>)
      %dma_wait3A_540 = arith.constant 3 : i32
      %dma_wait3A_541 = arith.constant 1 : i32
      %dma_wait3A_542 = arith.constant 1 : i32
      %dma_wait3A_543 = arith.constant 0 : i32
      %dma_wait3A_544 = arith.constant 0 : i32
      %dma_wait3A_545 = tpu.memref_slice %arg9[%dma_wait3A_541, %dma_wait3A_543, %dma_wait3A_544] : memref<2x128x128xf32, #tpu.memory_space<vmem>> -> memref<1x128x128xf32, #tpu.memory_space<vmem>>
      %dma_wait3A_546 = tpu.memref_squeeze %dma_wait3A_545 : memref<1x128x128xf32, #tpu.memory_space<vmem>> -> memref<128x128xf32, #tpu.memory_space<vmem>>
      %dma_wait3A_547 = arith.constant 0 : i32
      %dma_wait3A_548 = tpu.memref_slice %arg7[%dma_wait3A_540, %dma_wait3A_547] : memref<4x128xi32, #tpu.memory_space<vmem>> -> memref<1x128xi32, #tpu.memory_space<vmem>>
      %dma_wait3A_549 = tpu.memref_squeeze %dma_wait3A_548 : memref<1x128xi32, #tpu.memory_space<vmem>> -> memref<128xi32, #tpu.memory_space<vmem>>
      %dma_wait3A_550 = arith.constant 0 : i32
      %dma_wait3A_551 = arith.constant 0 : i32
      %dma_wait3A_552 = tpu.memref_slice %arg2[%dma_wait3A_550, %dma_wait3A_551] : memref<10000x128xf32, #tpu.memory_space<hbm>> -> memref<10000x128xf32, #tpu.memory_space<hbm>>
      %dma_wait3A_553 = tpu.memref_slice %arg11[%dma_wait3A_542] : memref<2x!tpu.dma_semaphore, #tpu.memory_space<semaphore_mem>> -> memref<1x!tpu.dma_semaphore, #tpu.memory_space<semaphore_mem>>
      %dma_wait3A_554 = tpu.memref_squeeze %dma_wait3A_553 : memref<1x!tpu.dma_semaphore, #tpu.memory_space<semaphore_mem>> -> memref<!tpu.dma_semaphore, #tpu.memory_space<semaphore_mem>>
      tpu.wait_indirect_dma semaphore(%dma_wait3A_554 : memref<!tpu.dma_semaphore, #tpu.memory_space<semaphore_mem>>) src(%dma_wait3A_552 : memref<10000x128xf32, #tpu.memory_space<hbm>>) dst(%dma_wait3A_546 : memref<128x128xf32, #tpu.memory_space<vmem>>)
      %dma_start3A_555 = arith.constant 1 : i32
      %dma_start3A_556 = arith.constant 3 : i32
      %dma_start3A_557 = arith.constant 1 : i32
      %dma_start3A_558 = arith.constant 0 : i32
      %dma_start3A_559 = arith.constant 0 : i32
      %dma_start3A_560 = tpu.memref_slice %arg9[%dma_start3A_555, %dma_start3A_558, %dma_start3A_559] : memref<2x128x128xf32, #tpu.memory_space<vmem>> -> memref<1x128x128xf32, #tpu.memory_space<vmem>>
      %dma_start3A_561 = tpu.memref_squeeze %dma_start3A_560 : memref<1x128x128xf32, #tpu.memory_space<vmem>> -> memref<128x128xf32, #tpu.memory_space<vmem>>
      %dma_start3A_562 = arith.constant 0 : i32
      %dma_start3A_563 = tpu.memref_slice %arg8[%dma_start3A_556, %dma_start3A_562] : memref<4x128xi32, #tpu.memory_space<vmem>> -> memref<1x128xi32, #tpu.memory_space<vmem>>
      %dma_start3A_564 = tpu.memref_squeeze %dma_start3A_563 : memref<1x128xi32, #tpu.memory_space<vmem>> -> memref<128xi32, #tpu.memory_space<vmem>>
      %dma_start3A_565 = arith.constant 0 : i32
      %dma_start3A_566 = arith.constant 0 : i32
      %dma_start3A_567 = tpu.memref_slice %arg10[%dma_start3A_565, %dma_start3A_566] : memref<10112x128xf32, #tpu.memory_space<vmem_shared>> -> memref<10112x128xf32, #tpu.memory_space<vmem_shared>>
      %dma_start3A_568 = tpu.memref_slice %arg12[%dma_start3A_557] : memref<2x!tpu.dma_semaphore, #tpu.memory_space<semaphore_mem>> -> memref<1x!tpu.dma_semaphore, #tpu.memory_space<semaphore_mem>>
      %dma_start3A_569 = tpu.memref_squeeze %dma_start3A_568 : memref<1x!tpu.dma_semaphore, #tpu.memory_space<semaphore_mem>> -> memref<!tpu.dma_semaphore, #tpu.memory_space<semaphore_mem>>
      tpu.enqueue_indirect_dma source(%dma_start3A_561 : memref<128x128xf32, #tpu.memory_space<vmem>>) target(%dma_start3A_567 : memref<10112x128xf32, #tpu.memory_space<vmem_shared>>) offsets(%dma_start3A_564 : memref<128xi32, #tpu.memory_space<vmem>>) semaphore(%dma_start3A_569 : memref<!tpu.dma_semaphore, #tpu.memory_space<semaphore_mem>>) {add = true}
    }
    %scan3A_80 = arith.constant 20 : i32
    %dma_wait3A = arith.constant 0 : i32
    %dma_wait3A_81 = arith.constant 2 : i32
    %dma_wait3A_82 = arith.constant 0 : i32
    %dma_wait3A_83 = arith.constant 0 : i32
    %dma_wait3A_84 = arith.constant 0 : i32
    %dma_wait3A_85 = tpu.memref_slice %arg9[%dma_wait3A, %dma_wait3A_83, %dma_wait3A_84] : memref<2x128x128xf32, #tpu.memory_space<vmem>> -> memref<1x128x128xf32, #tpu.memory_space<vmem>>
    %dma_wait3A_86 = tpu.memref_squeeze %dma_wait3A_85 : memref<1x128x128xf32, #tpu.memory_space<vmem>> -> memref<128x128xf32, #tpu.memory_space<vmem>>
    %dma_wait3A_87 = arith.constant 0 : i32
    %dma_wait3A_88 = tpu.memref_slice %arg8[%dma_wait3A_81, %dma_wait3A_87] : memref<4x128xi32, #tpu.memory_space<vmem>> -> memref<1x128xi32, #tpu.memory_space<vmem>>
    %dma_wait3A_89 = tpu.memref_squeeze %dma_wait3A_88 : memref<1x128xi32, #tpu.memory_space<vmem>> -> memref<128xi32, #tpu.memory_space<vmem>>
    %dma_wait3A_90 = arith.constant 0 : i32
    %dma_wait3A_91 = arith.constant 0 : i32
    %dma_wait3A_92 = tpu.memref_slice %arg10[%dma_wait3A_90, %dma_wait3A_91] : memref<10112x128xf32, #tpu.memory_space<vmem_shared>> -> memref<10112x128xf32, #tpu.memory_space<vmem_shared>>
    %dma_wait3A_93 = tpu.memref_slice %arg12[%dma_wait3A_82] : memref<2x!tpu.dma_semaphore, #tpu.memory_space<semaphore_mem>> -> memref<1x!tpu.dma_semaphore, #tpu.memory_space<semaphore_mem>>
    %dma_wait3A_94 = tpu.memref_squeeze %dma_wait3A_93 : memref<1x!tpu.dma_semaphore, #tpu.memory_space<semaphore_mem>> -> memref<!tpu.dma_semaphore, #tpu.memory_space<semaphore_mem>>
    tpu.wait_indirect_dma semaphore(%dma_wait3A_94 : memref<!tpu.dma_semaphore, #tpu.memory_space<semaphore_mem>>) src(%dma_wait3A_86 : memref<128x128xf32, #tpu.memory_space<vmem>>) dst(%dma_wait3A_92 : memref<10112x128xf32, #tpu.memory_space<vmem_shared>>)
    %dma_wait3A_95 = arith.constant 1 : i32
    %dma_wait3A_96 = arith.constant 3 : i32
    %dma_wait3A_97 = arith.constant 1 : i32
    %dma_wait3A_98 = arith.constant 0 : i32
    %dma_wait3A_99 = arith.constant 0 : i32
    %dma_wait3A_100 = tpu.memref_slice %arg9[%dma_wait3A_95, %dma_wait3A_98, %dma_wait3A_99] : memref<2x128x128xf32, #tpu.memory_space<vmem>> -> memref<1x128x128xf32, #tpu.memory_space<vmem>>
    %dma_wait3A_101 = tpu.memref_squeeze %dma_wait3A_100 : memref<1x128x128xf32, #tpu.memory_space<vmem>> -> memref<128x128xf32, #tpu.memory_space<vmem>>
    %dma_wait3A_102 = arith.constant 0 : i32
    %dma_wait3A_103 = tpu.memref_slice %arg8[%dma_wait3A_96, %dma_wait3A_102] : memref<4x128xi32, #tpu.memory_space<vmem>> -> memref<1x128xi32, #tpu.memory_space<vmem>>
    %dma_wait3A_104 = tpu.memref_squeeze %dma_wait3A_103 : memref<1x128xi32, #tpu.memory_space<vmem>> -> memref<128xi32, #tpu.memory_space<vmem>>
    %dma_wait3A_105 = arith.constant 0 : i32
    %dma_wait3A_106 = arith.constant 0 : i32
    %dma_wait3A_107 = tpu.memref_slice %arg10[%dma_wait3A_105, %dma_wait3A_106] : memref<10112x128xf32, #tpu.memory_space<vmem_shared>> -> memref<10112x128xf32, #tpu.memory_space<vmem_shared>>
    %dma_wait3A_108 = tpu.memref_slice %arg12[%dma_wait3A_97] : memref<2x!tpu.dma_semaphore, #tpu.memory_space<semaphore_mem>> -> memref<1x!tpu.dma_semaphore, #tpu.memory_space<semaphore_mem>>
    %dma_wait3A_109 = tpu.memref_squeeze %dma_wait3A_108 : memref<1x!tpu.dma_semaphore, #tpu.memory_space<semaphore_mem>> -> memref<!tpu.dma_semaphore, #tpu.memory_space<semaphore_mem>>
    tpu.wait_indirect_dma semaphore(%dma_wait3A_109 : memref<!tpu.dma_semaphore, #tpu.memory_space<semaphore_mem>>) src(%dma_wait3A_101 : memref<128x128xf32, #tpu.memory_space<vmem>>) dst(%dma_wait3A_107 : memref<10112x128xf32, #tpu.memory_space<vmem_shared>>)
    %barrier3A_110 = arith.constant 0 : index
    tpu.barrier barrier_id(%barrier3A_110)
    %mul3A_111 = arith.constant 632 : i32
    %mul3A_112 = arith.muli %arg1, %mul3A_111 : i32
    %mul3A_113 = arith.constant 632 : i32
    %mul3A_114 = arith.muli %arg1, %mul3A_113 : i32
    "tpu.region"() ({
      %run_scoped3A = tpu.sem_alloc : memref<!tpu.dma_semaphore, #tpu.memory_space<semaphore_mem>>
      %dma_start3A_115 = arith.constant 0 : i32
      %dma_start3A_116 = arith.constant 0 : i32
      %dma_start3A_117 = tpu.memref_slice %arg6[%arg0, %dma_start3A_115, %dma_start3A_116] : memref<2x10112x128xf32, #tpu.memory_space<hbm>> -> memref<1x10112x128xf32, #tpu.memory_space<hbm>>
      %dma_start3A_118 = tpu.memref_squeeze %dma_start3A_117 : memref<1x10112x128xf32, #tpu.memory_space<hbm>> -> memref<10112x128xf32, #tpu.memory_space<hbm>>
      %dma_start3A_119 = arith.constant 0 : i32
      %dma_start3A_120 = tpu.memref_slice %dma_start3A_118[%mul3A_114, %dma_start3A_119] : memref<10112x128xf32, #tpu.memory_space<hbm>> -> memref<632x128xf32, #tpu.memory_space<hbm>>
      %dma_start3A_121 = arith.constant 0 : i32
      %dma_start3A_122 = tpu.memref_slice %arg10[%mul3A_112, %dma_start3A_121] : memref<10112x128xf32, #tpu.memory_space<vmem_shared>> -> memref<632x128xf32, #tpu.memory_space<vmem_shared>>
      tpu.enqueue_dma source(%dma_start3A_122 : memref<632x128xf32, #tpu.memory_space<vmem_shared>>) target(%dma_start3A_120 : memref<632x128xf32, #tpu.memory_space<hbm>>) target_semaphore(%run_scoped3A : memref<!tpu.dma_semaphore, #tpu.memory_space<semaphore_mem>>)
      %dma_wait3A_123 = arith.constant 0 : i32
      %dma_wait3A_124 = arith.constant 0 : i32
      %dma_wait3A_125 = tpu.memref_slice %arg6[%arg0, %dma_wait3A_123, %dma_wait3A_124] : memref<2x10112x128xf32, #tpu.memory_space<hbm>> -> memref<1x10112x128xf32, #tpu.memory_space<hbm>>
      %dma_wait3A_126 = tpu.memref_squeeze %dma_wait3A_125 : memref<1x10112x128xf32, #tpu.memory_space<hbm>> -> memref<10112x128xf32, #tpu.memory_space<hbm>>
      %dma_wait3A_127 = arith.constant 0 : i32
      %dma_wait3A_128 = tpu.memref_slice %dma_wait3A_126[%mul3A_114, %dma_wait3A_127] : memref<10112x128xf32, #tpu.memory_space<hbm>> -> memref<632x128xf32, #tpu.memory_space<hbm>>
      %dma_wait3A_129 = arith.constant 0 : i32
      %dma_wait3A_130 = tpu.memref_slice %arg10[%mul3A_112, %dma_wait3A_129] : memref<10112x128xf32, #tpu.memory_space<vmem_shared>> -> memref<632x128xf32, #tpu.memory_space<vmem_shared>>
      tpu.wait_dma2 semaphore(%run_scoped3A : memref<!tpu.dma_semaphore, #tpu.memory_space<semaphore_mem>>) src(%dma_wait3A_130 : memref<632x128xf32, #tpu.memory_space<vmem_shared>>) dst(%dma_wait3A_128 : memref<632x128xf32, #tpu.memory_space<hbm>>)
      tpu.yield
    }) : () -> ()
    return
  }
}

#map = affine_map<(d0, d1) -> (0, 0)>
#map1 = affine_map<(d0, d1) -> (0, 0, 0)>
module attributes {stable_mosaic.version = 14 : i64} {
  func.func @agg_kernel(%arg0: i32, %arg1: i32, %arg2: memref<10000x128xf32, #tpu.memory_space<hbm>>, %arg3: memref<2560x128xi32, #tpu.memory_space<hbm>>, %arg4: memref<2560x128xi32, #tpu.memory_space<hbm>>, %arg5: memref<632x128xf32, #tpu.memory_space<hbm>>, %arg6: memref<2x10112x128xf32, #tpu.memory_space<hbm>>, %arg7: memref<4x128xi32, #tpu.memory_space<vmem>>, %arg8: memref<4x128xi32, #tpu.memory_space<vmem>>, %arg9: memref<2x128x128xf32, #tpu.memory_space<vmem>>, %arg10: memref<10112x128xf32, #tpu.memory_space<vmem_shared>>, %arg11: memref<2x!tpu.dma_semaphore, #tpu.memory_space<semaphore_mem>>, %arg12: memref<2x!tpu.dma_semaphore, #tpu.memory_space<semaphore_mem>>, %arg13: memref<4x!tpu.dma_semaphore, #tpu.memory_space<semaphore_mem>>) attributes {dimension_semantics = [#tpu.dimension_semantics<core_parallel>, #tpu.dimension_semantics<subcore_parallel>], iteration_bounds = array<i64: 2, 16>, scalar_prefetch = 0 : i64, scratch_operands = 7 : i64, tpu.core_type = #tpu.core_type<sc_vector_subcore>, window_params = [{transform_indices = #map}, {transform_indices = #map}, {transform_indices = #map}, {transform_indices = #map}, {transform_indices = #map1}]} {
    %mul3A = arith.constant 2 : i32
    %mul3A_0 = arith.muli %arg1, %mul3A : i32
    %add3A = arith.addi %mul3A_0, %arg0 : i32
    %mul3A_1 = arith.constant 80 : i32
    %mul3A_2 = arith.muli %add3A, %mul3A_1 : i32
    %mul3A_3 = arith.constant 632 : i32
    %mul3A_4 = arith.muli %arg1, %mul3A_3 : i32
    "tpu.region"() ({
      %run_scoped3A = tpu.sem_alloc : memref<!tpu.dma_semaphore, #tpu.memory_space<semaphore_mem>>
      %dma_start3A_115 = arith.constant 0 : i32
      %dma_start3A_116 = tpu.memref_slice %arg10[%mul3A_4, %dma_start3A_115] : memref<10112x128xf32, #tpu.memory_space<vmem_shared>> -> memref<632x128xf32, #tpu.memory_space<vmem_shared>>
      tpu.enqueue_dma source(%arg5 : memref<632x128xf32, #tpu.memory_space<hbm>>) target(%dma_start3A_116 : memref<632x128xf32, #tpu.memory_space<vmem_shared>>) target_semaphore(%run_scoped3A : memref<!tpu.dma_semaphore, #tpu.memory_space<semaphore_mem>>)
      %dma_wait3A_117 = arith.constant 0 : i32
      %dma_wait3A_118 = tpu.memref_slice %arg10[%mul3A_4, %dma_wait3A_117] : memref<10112x128xf32, #tpu.memory_space<vmem_shared>> -> memref<632x128xf32, #tpu.memory_space<vmem_shared>>
      tpu.wait_dma2 semaphore(%run_scoped3A : memref<!tpu.dma_semaphore, #tpu.memory_space<semaphore_mem>>) src(%arg5 : memref<632x128xf32, #tpu.memory_space<hbm>>) dst(%dma_wait3A_118 : memref<632x128xf32, #tpu.memory_space<vmem_shared>>)
      tpu.yield
    }) : () -> ()
    %add3A_5 = arith.constant 0 : i32
    %add3A_6 = arith.addi %mul3A_2, %add3A_5 : i32
    %dma_start3A = arith.constant 0 : i32
    %dma_start3A_7 = arith.constant 0 : i32
    %dma_start3A_8 = arith.constant 0 : i32
    %dma_start3A_9 = tpu.memref_slice %arg7[%dma_start3A, %dma_start3A_8] : memref<4x128xi32, #tpu.memory_space<vmem>> -> memref<1x128xi32, #tpu.memory_space<vmem>>
    %dma_start3A_10 = tpu.memref_squeeze %dma_start3A_9 : memref<1x128xi32, #tpu.memory_space<vmem>> -> memref<128xi32, #tpu.memory_space<vmem>>
    %dma_start3A_11 = arith.constant 0 : i32
    %dma_start3A_12 = tpu.memref_slice %arg3[%add3A_6, %dma_start3A_11] : memref<2560x128xi32, #tpu.memory_space<hbm>> -> memref<1x128xi32, #tpu.memory_space<hbm>>
    %dma_start3A_13 = tpu.memref_squeeze %dma_start3A_12 : memref<1x128xi32, #tpu.memory_space<hbm>> -> memref<128xi32, #tpu.memory_space<hbm>>
    %dma_start3A_14 = tpu.memref_slice %arg13[%dma_start3A_7] : memref<4x!tpu.dma_semaphore, #tpu.memory_space<semaphore_mem>> -> memref<1x!tpu.dma_semaphore, #tpu.memory_space<semaphore_mem>>
    %dma_start3A_15 = tpu.memref_squeeze %dma_start3A_14 : memref<1x!tpu.dma_semaphore, #tpu.memory_space<semaphore_mem>> -> memref<!tpu.dma_semaphore, #tpu.memory_space<semaphore_mem>>
    %dma_start3A_16 = arith.constant 0 : i32
    %dma_start3A_17 = tpu.memref_slice %arg7[%dma_start3A, %dma_start3A_16] : memref<4x128xi32, #tpu.memory_space<vmem>> -> memref<1x128xi32, #tpu.memory_space<vmem>>
    %dma_start3A_18 = tpu.memref_squeeze %dma_start3A_17 : memref<1x128xi32, #tpu.memory_space<vmem>> -> memref<128xi32, #tpu.memory_space<vmem>>
    %dma_start3A_19 = arith.constant 0 : i32
    %dma_start3A_20 = tpu.memref_slice %arg3[%add3A_6, %dma_start3A_19] : memref<2560x128xi32, #tpu.memory_space<hbm>> -> memref<1x128xi32, #tpu.memory_space<hbm>>
    %dma_start3A_21 = tpu.memref_squeeze %dma_start3A_20 : memref<1x128xi32, #tpu.memory_space<hbm>> -> memref<128xi32, #tpu.memory_space<hbm>>
    tpu.enqueue_dma source(%dma_start3A_21 : memref<128xi32, #tpu.memory_space<hbm>>) target(%dma_start3A_18 : memref<128xi32, #tpu.memory_space<vmem>>) target_semaphore(%dma_start3A_15 : memref<!tpu.dma_semaphore, #tpu.memory_space<semaphore_mem>>)
    %add3A_22 = arith.constant 0 : i32
    %add3A_23 = arith.addi %mul3A_2, %add3A_22 : i32
    %dma_start3A_24 = arith.constant 0 : i32
    %dma_start3A_25 = arith.constant 0 : i32
    %dma_start3A_26 = arith.constant 0 : i32
    %dma_start3A_27 = tpu.memref_slice %arg8[%dma_start3A_24, %dma_start3A_26] : memref<4x128xi32, #tpu.memory_space<vmem>> -> memref<1x128xi32, #tpu.memory_space<vmem>>
    %dma_start3A_28 = tpu.memref_squeeze %dma_start3A_27 : memref<1x128xi32, #tpu.memory_space<vmem>> -> memref<128xi32, #tpu.memory_space<vmem>>
    %dma_start3A_29 = arith.constant 0 : i32
    %dma_start3A_30 = tpu.memref_slice %arg4[%add3A_23, %dma_start3A_29] : memref<2560x128xi32, #tpu.memory_space<hbm>> -> memref<1x128xi32, #tpu.memory_space<hbm>>
    %dma_start3A_31 = tpu.memref_squeeze %dma_start3A_30 : memref<1x128xi32, #tpu.memory_space<hbm>> -> memref<128xi32, #tpu.memory_space<hbm>>
    %dma_start3A_32 = tpu.memref_slice %arg13[%dma_start3A_25] : memref<4x!tpu.dma_semaphore, #tpu.memory_space<semaphore_mem>> -> memref<1x!tpu.dma_semaphore, #tpu.memory_space<semaphore_mem>>
    %dma_start3A_33 = tpu.memref_squeeze %dma_start3A_32 : memref<1x!tpu.dma_semaphore, #tpu.memory_space<semaphore_mem>> -> memref<!tpu.dma_semaphore, #tpu.memory_space<semaphore_mem>>
    %dma_start3A_34 = arith.constant 0 : i32
    %dma_start3A_35 = tpu.memref_slice %arg8[%dma_start3A_24, %dma_start3A_34] : memref<4x128xi32, #tpu.memory_space<vmem>> -> memref<1x128xi32, #tpu.memory_space<vmem>>
    %dma_start3A_36 = tpu.memref_squeeze %dma_start3A_35 : memref<1x128xi32, #tpu.memory_space<vmem>> -> memref<128xi32, #tpu.memory_space<vmem>>
    %dma_start3A_37 = arith.constant 0 : i32
    %dma_start3A_38 = tpu.memref_slice %arg4[%add3A_23, %dma_start3A_37] : memref<2560x128xi32, #tpu.memory_space<hbm>> -> memref<1x128xi32, #tpu.memory_space<hbm>>
    %dma_start3A_39 = tpu.memref_squeeze %dma_start3A_38 : memref<1x128xi32, #tpu.memory_space<hbm>> -> memref<128xi32, #tpu.memory_space<hbm>>
    tpu.enqueue_dma source(%dma_start3A_39 : memref<128xi32, #tpu.memory_space<hbm>>) target(%dma_start3A_36 : memref<128xi32, #tpu.memory_space<vmem>>) target_semaphore(%dma_start3A_33 : memref<!tpu.dma_semaphore, #tpu.memory_space<semaphore_mem>>)
    %add3A_40 = arith.constant 1 : i32
    %add3A_41 = arith.addi %mul3A_2, %add3A_40 : i32
    %dma_start3A_42 = arith.constant 1 : i32
    %dma_start3A_43 = arith.constant 1 : i32
    %dma_start3A_44 = arith.constant 0 : i32
    %dma_start3A_45 = tpu.memref_slice %arg7[%dma_start3A_42, %dma_start3A_44] : memref<4x128xi32, #tpu.memory_space<vmem>> -> memref<1x128xi32, #tpu.memory_space<vmem>>
    %dma_start3A_46 = tpu.memref_squeeze %dma_start3A_45 : memref<1x128xi32, #tpu.memory_space<vmem>> -> memref<128xi32, #tpu.memory_space<vmem>>
    %dma_start3A_47 = arith.constant 0 : i32
    %dma_start3A_48 = tpu.memref_slice %arg3[%add3A_41, %dma_start3A_47] : memref<2560x128xi32, #tpu.memory_space<hbm>> -> memref<1x128xi32, #tpu.memory_space<hbm>>
    %dma_start3A_49 = tpu.memref_squeeze %dma_start3A_48 : memref<1x128xi32, #tpu.memory_space<hbm>> -> memref<128xi32, #tpu.memory_space<hbm>>
    %dma_start3A_50 = tpu.memref_slice %arg13[%dma_start3A_43] : memref<4x!tpu.dma_semaphore, #tpu.memory_space<semaphore_mem>> -> memref<1x!tpu.dma_semaphore, #tpu.memory_space<semaphore_mem>>
    %dma_start3A_51 = tpu.memref_squeeze %dma_start3A_50 : memref<1x!tpu.dma_semaphore, #tpu.memory_space<semaphore_mem>> -> memref<!tpu.dma_semaphore, #tpu.memory_space<semaphore_mem>>
    %dma_start3A_52 = arith.constant 0 : i32
    %dma_start3A_53 = tpu.memref_slice %arg7[%dma_start3A_42, %dma_start3A_52] : memref<4x128xi32, #tpu.memory_space<vmem>> -> memref<1x128xi32, #tpu.memory_space<vmem>>
    %dma_start3A_54 = tpu.memref_squeeze %dma_start3A_53 : memref<1x128xi32, #tpu.memory_space<vmem>> -> memref<128xi32, #tpu.memory_space<vmem>>
    %dma_start3A_55 = arith.constant 0 : i32
    %dma_start3A_56 = tpu.memref_slice %arg3[%add3A_41, %dma_start3A_55] : memref<2560x128xi32, #tpu.memory_space<hbm>> -> memref<1x128xi32, #tpu.memory_space<hbm>>
    %dma_start3A_57 = tpu.memref_squeeze %dma_start3A_56 : memref<1x128xi32, #tpu.memory_space<hbm>> -> memref<128xi32, #tpu.memory_space<hbm>>
    tpu.enqueue_dma source(%dma_start3A_57 : memref<128xi32, #tpu.memory_space<hbm>>) target(%dma_start3A_54 : memref<128xi32, #tpu.memory_space<vmem>>) target_semaphore(%dma_start3A_51 : memref<!tpu.dma_semaphore, #tpu.memory_space<semaphore_mem>>)
    %add3A_58 = arith.constant 1 : i32
    %add3A_59 = arith.addi %mul3A_2, %add3A_58 : i32
    %dma_start3A_60 = arith.constant 1 : i32
    %dma_start3A_61 = arith.constant 1 : i32
    %dma_start3A_62 = arith.constant 0 : i32
    %dma_start3A_63 = tpu.memref_slice %arg8[%dma_start3A_60, %dma_start3A_62] : memref<4x128xi32, #tpu.memory_space<vmem>> -> memref<1x128xi32, #tpu.memory_space<vmem>>
    %dma_start3A_64 = tpu.memref_squeeze %dma_start3A_63 : memref<1x128xi32, #tpu.memory_space<vmem>> -> memref<128xi32, #tpu.memory_space<vmem>>
    %dma_start3A_65 = arith.constant 0 : i32
    %dma_start3A_66 = tpu.memref_slice %arg4[%add3A_59, %dma_start3A_65] : memref<2560x128xi32, #tpu.memory_space<hbm>> -> memref<1x128xi32, #tpu.memory_space<hbm>>
    %dma_start3A_67 = tpu.memref_squeeze %dma_start3A_66 : memref<1x128xi32, #tpu.memory_space<hbm>> -> memref<128xi32, #tpu.memory_space<hbm>>
    %dma_start3A_68 = tpu.memref_slice %arg13[%dma_start3A_61] : memref<4x!tpu.dma_semaphore, #tpu.memory_space<semaphore_mem>> -> memref<1x!tpu.dma_semaphore, #tpu.memory_space<semaphore_mem>>
    %dma_start3A_69 = tpu.memref_squeeze %dma_start3A_68 : memref<1x!tpu.dma_semaphore, #tpu.memory_space<semaphore_mem>> -> memref<!tpu.dma_semaphore, #tpu.memory_space<semaphore_mem>>
    %dma_start3A_70 = arith.constant 0 : i32
    %dma_start3A_71 = tpu.memref_slice %arg8[%dma_start3A_60, %dma_start3A_70] : memref<4x128xi32, #tpu.memory_space<vmem>> -> memref<1x128xi32, #tpu.memory_space<vmem>>
    %dma_start3A_72 = tpu.memref_squeeze %dma_start3A_71 : memref<1x128xi32, #tpu.memory_space<vmem>> -> memref<128xi32, #tpu.memory_space<vmem>>
    %dma_start3A_73 = arith.constant 0 : i32
    %dma_start3A_74 = tpu.memref_slice %arg4[%add3A_59, %dma_start3A_73] : memref<2560x128xi32, #tpu.memory_space<hbm>> -> memref<1x128xi32, #tpu.memory_space<hbm>>
    %dma_start3A_75 = tpu.memref_squeeze %dma_start3A_74 : memref<1x128xi32, #tpu.memory_space<hbm>> -> memref<128xi32, #tpu.memory_space<hbm>>
    tpu.enqueue_dma source(%dma_start3A_75 : memref<128xi32, #tpu.memory_space<hbm>>) target(%dma_start3A_72 : memref<128xi32, #tpu.memory_space<vmem>>) target_semaphore(%dma_start3A_69 : memref<!tpu.dma_semaphore, #tpu.memory_space<semaphore_mem>>)
    %barrier3A = arith.constant 0 : index
    tpu.barrier barrier_id(%barrier3A)
    %scan3A = arith.constant 0 : i32
    %scan3A_76 = arith.constant 0 : i32
    %scan3A_77 = arith.constant 20 : i32
    %scan3A_78 = arith.addi %scan3A_76, %scan3A_77 : i32
    %scan3A_79 = arith.constant 1 : i32
    scf.for %scan3A_115 = %scan3A_76 to %scan3A_78 step %scan3A_79  : i32 {
      %mul3A_116 = arith.constant 4 : i32
      %mul3A_117 = arith.muli %scan3A_115, %mul3A_116 : i32
      %add3A_118 = arith.constant 0 : i32
      %add3A_119 = arith.addi %mul3A_117, %add3A_118 : i32
      %gt3A = arith.constant 0 : i32
      %gt3A_120 = arith.cmpi sgt, %scan3A_115, %gt3A : i32
      %convert_element_type3A = arith.extui %gt3A_120 : i1 to i32
      %cond3A = arith.constant 0 : i32
      %cond3A_121 = arith.cmpi ne, %convert_element_type3A, %cond3A : i32
      scf.if %cond3A_121 {
        %dma_wait3A_570 = arith.constant 0 : i32
        %dma_wait3A_571 = arith.constant 2 : i32
        %dma_wait3A_572 = arith.constant 0 : i32
        %dma_wait3A_573 = arith.constant 0 : i32
        %dma_wait3A_574 = arith.constant 0 : i32
        %dma_wait3A_575 = tpu.memref_slice %arg9[%dma_wait3A_570, %dma_wait3A_573, %dma_wait3A_574] : memref<2x128x128xf32, #tpu.memory_space<vmem>> -> memref<1x128x128xf32, #tpu.memory_space<vmem>>
        %dma_wait3A_576 = tpu.memref_squeeze %dma_wait3A_575 : memref<1x128x128xf32, #tpu.memory_space<vmem>> -> memref<128x128xf32, #tpu.memory_space<vmem>>
        %dma_wait3A_577 = arith.constant 0 : i32
        %dma_wait3A_578 = tpu.memref_slice %arg8[%dma_wait3A_571, %dma_wait3A_577] : memref<4x128xi32, #tpu.memory_space<vmem>> -> memref<1x128xi32, #tpu.memory_space<vmem>>
        %dma_wait3A_579 = tpu.memref_squeeze %dma_wait3A_578 : memref<1x128xi32, #tpu.memory_space<vmem>> -> memref<128xi32, #tpu.memory_space<vmem>>
        %dma_wait3A_580 = arith.constant 0 : i32
        %dma_wait3A_581 = arith.constant 0 : i32
        %dma_wait3A_582 = tpu.memref_slice %arg10[%dma_wait3A_580, %dma_wait3A_581] : memref<10112x128xf32, #tpu.memory_space<vmem_shared>> -> memref<10112x128xf32, #tpu.memory_space<vmem_shared>>
        %dma_wait3A_583 = tpu.memref_slice %arg12[%dma_wait3A_572] : memref<2x!tpu.dma_semaphore, #tpu.memory_space<semaphore_mem>> -> memref<1x!tpu.dma_semaphore, #tpu.memory_space<semaphore_mem>>
        %dma_wait3A_584 = tpu.memref_squeeze %dma_wait3A_583 : memref<1x!tpu.dma_semaphore, #tpu.memory_space<semaphore_mem>> -> memref<!tpu.dma_semaphore, #tpu.memory_space<semaphore_mem>>
        tpu.wait_indirect_dma semaphore(%dma_wait3A_584 : memref<!tpu.dma_semaphore, #tpu.memory_space<semaphore_mem>>) src(%dma_wait3A_576 : memref<128x128xf32, #tpu.memory_space<vmem>>) dst(%dma_wait3A_582 : memref<10112x128xf32, #tpu.memory_space<vmem_shared>>)
      } else {
      }
      %add3A_122 = arith.addi %mul3A_2, %add3A_119 : i32
      %add3A_123 = arith.constant 2 : i32
      %add3A_124 = arith.addi %add3A_122, %add3A_123 : i32
      %dma_start3A_125 = arith.constant 2 : i32
      %dma_start3A_126 = arith.constant 2 : i32
      %dma_start3A_127 = arith.constant 0 : i32
      %dma_start3A_128 = tpu.memref_slice %arg7[%dma_start3A_125, %dma_start3A_127] : memref<4x128xi32, #tpu.memory_space<vmem>> -> memref<1x128xi32, #tpu.memory_space<vmem>>
      %dma_start3A_129 = tpu.memref_squeeze %dma_start3A_128 : memref<1x128xi32, #tpu.memory_space<vmem>> -> memref<128xi32, #tpu.memory_space<vmem>>
      %dma_start3A_130 = arith.constant 0 : i32
      %dma_start3A_131 = tpu.memref_slice %arg3[%add3A_124, %dma_start3A_130] : memref<2560x128xi32, #tpu.memory_space<hbm>> -> memref<1x128xi32, #tpu.memory_space<hbm>>
      %dma_start3A_132 = tpu.memref_squeeze %dma_start3A_131 : memref<1x128xi32, #tpu.memory_space<hbm>> -> memref<128xi32, #tpu.memory_space<hbm>>
      %dma_start3A_133 = tpu.memref_slice %arg13[%dma_start3A_126] : memref<4x!tpu.dma_semaphore, #tpu.memory_space<semaphore_mem>> -> memref<1x!tpu.dma_semaphore, #tpu.memory_space<semaphore_mem>>
      %dma_start3A_134 = tpu.memref_squeeze %dma_start3A_133 : memref<1x!tpu.dma_semaphore, #tpu.memory_space<semaphore_mem>> -> memref<!tpu.dma_semaphore, #tpu.memory_space<semaphore_mem>>
      %dma_start3A_135 = arith.constant 0 : i32
      %dma_start3A_136 = tpu.memref_slice %arg7[%dma_start3A_125, %dma_start3A_135] : memref<4x128xi32, #tpu.memory_space<vmem>> -> memref<1x128xi32, #tpu.memory_space<vmem>>
      %dma_start3A_137 = tpu.memref_squeeze %dma_start3A_136 : memref<1x128xi32, #tpu.memory_space<vmem>> -> memref<128xi32, #tpu.memory_space<vmem>>
      %dma_start3A_138 = arith.constant 0 : i32
      %dma_start3A_139 = tpu.memref_slice %arg3[%add3A_124, %dma_start3A_138] : memref<2560x128xi32, #tpu.memory_space<hbm>> -> memref<1x128xi32, #tpu.memory_space<hbm>>
      %dma_start3A_140 = tpu.memref_squeeze %dma_start3A_139 : memref<1x128xi32, #tpu.memory_space<hbm>> -> memref<128xi32, #tpu.memory_space<hbm>>
      tpu.enqueue_dma source(%dma_start3A_140 : memref<128xi32, #tpu.memory_space<hbm>>) target(%dma_start3A_137 : memref<128xi32, #tpu.memory_space<vmem>>) target_semaphore(%dma_start3A_134 : memref<!tpu.dma_semaphore, #tpu.memory_space<semaphore_mem>>)
      %add3A_141 = arith.addi %mul3A_2, %add3A_119 : i32
      %add3A_142 = arith.constant 2 : i32
      %add3A_143 = arith.addi %add3A_141, %add3A_142 : i32
      %dma_start3A_144 = arith.constant 2 : i32
      %dma_start3A_145 = arith.constant 2 : i32
      %dma_start3A_146 = arith.constant 0 : i32
      %dma_start3A_147 = tpu.memref_slice %arg8[%dma_start3A_144, %dma_start3A_146] : memref<4x128xi32, #tpu.memory_space<vmem>> -> memref<1x128xi32, #tpu.memory_space<vmem>>
      %dma_start3A_148 = tpu.memref_squeeze %dma_start3A_147 : memref<1x128xi32, #tpu.memory_space<vmem>> -> memref<128xi32, #tpu.memory_space<vmem>>
      %dma_start3A_149 = arith.constant 0 : i32
      %dma_start3A_150 = tpu.memref_slice %arg4[%add3A_143, %dma_start3A_149] : memref<2560x128xi32, #tpu.memory_space<hbm>> -> memref<1x128xi32, #tpu.memory_space<hbm>>
      %dma_start3A_151 = tpu.memref_squeeze %dma_start3A_150 : memref<1x128xi32, #tpu.memory_space<hbm>> -> memref<128xi32, #tpu.memory_space<hbm>>
      %dma_start3A_152 = tpu.memref_slice %arg13[%dma_start3A_145] : memref<4x!tpu.dma_semaphore, #tpu.memory_space<semaphore_mem>> -> memref<1x!tpu.dma_semaphore, #tpu.memory_space<semaphore_mem>>
      %dma_start3A_153 = tpu.memref_squeeze %dma_start3A_152 : memref<1x!tpu.dma_semaphore, #tpu.memory_space<semaphore_mem>> -> memref<!tpu.dma_semaphore, #tpu.memory_space<semaphore_mem>>
      %dma_start3A_154 = arith.constant 0 : i32
      %dma_start3A_155 = tpu.memref_slice %arg8[%dma_start3A_144, %dma_start3A_154] : memref<4x128xi32, #tpu.memory_space<vmem>> -> memref<1x128xi32, #tpu.memory_space<vmem>>
      %dma_start3A_156 = tpu.memref_squeeze %dma_start3A_155 : memref<1x128xi32, #tpu.memory_space<vmem>> -> memref<128xi32, #tpu.memory_space<vmem>>
      %dma_start3A_157 = arith.constant 0 : i32
      %dma_start3A_158 = tpu.memref_slice %arg4[%add3A_143, %dma_start3A_157] : memref<2560x128xi32, #tpu.memory_space<hbm>> -> memref<1x128xi32, #tpu.memory_space<hbm>>
      %dma_start3A_159 = tpu.memref_squeeze %dma_start3A_158 : memref<1x128xi32, #tpu.memory_space<hbm>> -> memref<128xi32, #tpu.memory_space<hbm>>
      tpu.enqueue_dma source(%dma_start3A_159 : memref<128xi32, #tpu.memory_space<hbm>>) target(%dma_start3A_156 : memref<128xi32, #tpu.memory_space<vmem>>) target_semaphore(%dma_start3A_153 : memref<!tpu.dma_semaphore, #tpu.memory_space<semaphore_mem>>)
      %add3A_160 = arith.addi %mul3A_2, %add3A_119 : i32
      %dma_wait3A_161 = arith.constant 0 : i32
      %dma_wait3A_162 = arith.constant 0 : i32
      %dma_wait3A_163 = arith.constant 0 : i32
      %dma_wait3A_164 = tpu.memref_slice %arg7[%dma_wait3A_161, %dma_wait3A_163] : memref<4x128xi32, #tpu.memory_space<vmem>> -> memref<1x128xi32, #tpu.memory_space<vmem>>
      %dma_wait3A_165 = tpu.memref_squeeze %dma_wait3A_164 : memref<1x128xi32, #tpu.memory_space<vmem>> -> memref<128xi32, #tpu.memory_space<vmem>>
      %dma_wait3A_166 = arith.constant 0 : i32
      %dma_wait3A_167 = tpu.memref_slice %arg3[%add3A_160, %dma_wait3A_166] : memref<2560x128xi32, #tpu.memory_space<hbm>> -> memref<1x128xi32, #tpu.memory_space<hbm>>
      %dma_wait3A_168 = tpu.memref_squeeze %dma_wait3A_167 : memref<1x128xi32, #tpu.memory_space<hbm>> -> memref<128xi32, #tpu.memory_space<hbm>>
      %dma_wait3A_169 = tpu.memref_slice %arg13[%dma_wait3A_162] : memref<4x!tpu.dma_semaphore, #tpu.memory_space<semaphore_mem>> -> memref<1x!tpu.dma_semaphore, #tpu.memory_space<semaphore_mem>>
      %dma_wait3A_170 = tpu.memref_squeeze %dma_wait3A_169 : memref<1x!tpu.dma_semaphore, #tpu.memory_space<semaphore_mem>> -> memref<!tpu.dma_semaphore, #tpu.memory_space<semaphore_mem>>
      %dma_wait3A_171 = arith.constant 0 : i32
      %dma_wait3A_172 = tpu.memref_slice %arg7[%dma_wait3A_161, %dma_wait3A_171] : memref<4x128xi32, #tpu.memory_space<vmem>> -> memref<1x128xi32, #tpu.memory_space<vmem>>
      %dma_wait3A_173 = tpu.memref_squeeze %dma_wait3A_172 : memref<1x128xi32, #tpu.memory_space<vmem>> -> memref<128xi32, #tpu.memory_space<vmem>>
      %dma_wait3A_174 = arith.constant 0 : i32
      %dma_wait3A_175 = tpu.memref_slice %arg3[%add3A_160, %dma_wait3A_174] : memref<2560x128xi32, #tpu.memory_space<hbm>> -> memref<1x128xi32, #tpu.memory_space<hbm>>
      %dma_wait3A_176 = tpu.memref_squeeze %dma_wait3A_175 : memref<1x128xi32, #tpu.memory_space<hbm>> -> memref<128xi32, #tpu.memory_space<hbm>>
      tpu.wait_dma2 semaphore(%dma_wait3A_170 : memref<!tpu.dma_semaphore, #tpu.memory_space<semaphore_mem>>) src(%dma_wait3A_176 : memref<128xi32, #tpu.memory_space<hbm>>) dst(%dma_wait3A_173 : memref<128xi32, #tpu.memory_space<vmem>>)
      %add3A_177 = arith.addi %mul3A_2, %add3A_119 : i32
      %dma_wait3A_178 = arith.constant 0 : i32
      %dma_wait3A_179 = arith.constant 0 : i32
      %dma_wait3A_180 = arith.constant 0 : i32
      %dma_wait3A_181 = tpu.memref_slice %arg8[%dma_wait3A_178, %dma_wait3A_180] : memref<4x128xi32, #tpu.memory_space<vmem>> -> memref<1x128xi32, #tpu.memory_space<vmem>>
      %dma_wait3A_182 = tpu.memref_squeeze %dma_wait3A_181 : memref<1x128xi32, #tpu.memory_space<vmem>> -> memref<128xi32, #tpu.memory_space<vmem>>
      %dma_wait3A_183 = arith.constant 0 : i32
      %dma_wait3A_184 = tpu.memref_slice %arg4[%add3A_177, %dma_wait3A_183] : memref<2560x128xi32, #tpu.memory_space<hbm>> -> memref<1x128xi32, #tpu.memory_space<hbm>>
      %dma_wait3A_185 = tpu.memref_squeeze %dma_wait3A_184 : memref<1x128xi32, #tpu.memory_space<hbm>> -> memref<128xi32, #tpu.memory_space<hbm>>
      %dma_wait3A_186 = tpu.memref_slice %arg13[%dma_wait3A_179] : memref<4x!tpu.dma_semaphore, #tpu.memory_space<semaphore_mem>> -> memref<1x!tpu.dma_semaphore, #tpu.memory_space<semaphore_mem>>
      %dma_wait3A_187 = tpu.memref_squeeze %dma_wait3A_186 : memref<1x!tpu.dma_semaphore, #tpu.memory_space<semaphore_mem>> -> memref<!tpu.dma_semaphore, #tpu.memory_space<semaphore_mem>>
      %dma_wait3A_188 = arith.constant 0 : i32
      %dma_wait3A_189 = tpu.memref_slice %arg8[%dma_wait3A_178, %dma_wait3A_188] : memref<4x128xi32, #tpu.memory_space<vmem>> -> memref<1x128xi32, #tpu.memory_space<vmem>>
      %dma_wait3A_190 = tpu.memref_squeeze %dma_wait3A_189 : memref<1x128xi32, #tpu.memory_space<vmem>> -> memref<128xi32, #tpu.memory_space<vmem>>
      %dma_wait3A_191 = arith.constant 0 : i32
      %dma_wait3A_192 = tpu.memref_slice %arg4[%add3A_177, %dma_wait3A_191] : memref<2560x128xi32, #tpu.memory_space<hbm>> -> memref<1x128xi32, #tpu.memory_space<hbm>>
      %dma_wait3A_193 = tpu.memref_squeeze %dma_wait3A_192 : memref<1x128xi32, #tpu.memory_space<hbm>> -> memref<128xi32, #tpu.memory_space<hbm>>
      tpu.wait_dma2 semaphore(%dma_wait3A_187 : memref<!tpu.dma_semaphore, #tpu.memory_space<semaphore_mem>>) src(%dma_wait3A_193 : memref<128xi32, #tpu.memory_space<hbm>>) dst(%dma_wait3A_190 : memref<128xi32, #tpu.memory_space<vmem>>)
      %dma_start3A_194 = arith.constant 0 : i32
      %dma_start3A_195 = arith.constant 0 : i32
      %dma_start3A_196 = arith.constant 0 : i32
      %dma_start3A_197 = arith.constant 0 : i32
      %dma_start3A_198 = arith.constant 0 : i32
      %dma_start3A_199 = tpu.memref_slice %arg9[%dma_start3A_195, %dma_start3A_197, %dma_start3A_198] : memref<2x128x128xf32, #tpu.memory_space<vmem>> -> memref<1x128x128xf32, #tpu.memory_space<vmem>>
      %dma_start3A_200 = tpu.memref_squeeze %dma_start3A_199 : memref<1x128x128xf32, #tpu.memory_space<vmem>> -> memref<128x128xf32, #tpu.memory_space<vmem>>
      %dma_start3A_201 = arith.constant 0 : i32
      %dma_start3A_202 = tpu.memref_slice %arg7[%dma_start3A_194, %dma_start3A_201] : memref<4x128xi32, #tpu.memory_space<vmem>> -> memref<1x128xi32, #tpu.memory_space<vmem>>
      %dma_start3A_203 = tpu.memref_squeeze %dma_start3A_202 : memref<1x128xi32, #tpu.memory_space<vmem>> -> memref<128xi32, #tpu.memory_space<vmem>>
      %dma_start3A_204 = arith.constant 0 : i32
      %dma_start3A_205 = arith.constant 0 : i32
      %dma_start3A_206 = tpu.memref_slice %arg2[%dma_start3A_204, %dma_start3A_205] : memref<10000x128xf32, #tpu.memory_space<hbm>> -> memref<10000x128xf32, #tpu.memory_space<hbm>>
      %dma_start3A_207 = tpu.memref_slice %arg11[%dma_start3A_196] : memref<2x!tpu.dma_semaphore, #tpu.memory_space<semaphore_mem>> -> memref<1x!tpu.dma_semaphore, #tpu.memory_space<semaphore_mem>>
      %dma_start3A_208 = tpu.memref_squeeze %dma_start3A_207 : memref<1x!tpu.dma_semaphore, #tpu.memory_space<semaphore_mem>> -> memref<!tpu.dma_semaphore, #tpu.memory_space<semaphore_mem>>
      tpu.enqueue_indirect_dma source(%dma_start3A_206 : memref<10000x128xf32, #tpu.memory_space<hbm>>) target(%dma_start3A_200 : memref<128x128xf32, #tpu.memory_space<vmem>>) offsets(%dma_start3A_203 : memref<128xi32, #tpu.memory_space<vmem>>) semaphore(%dma_start3A_208 : memref<!tpu.dma_semaphore, #tpu.memory_space<semaphore_mem>>)
      %dma_wait3A_209 = arith.constant 0 : i32
      %dma_wait3A_210 = arith.constant 0 : i32
      %dma_wait3A_211 = arith.constant 0 : i32
      %dma_wait3A_212 = arith.constant 0 : i32
      %dma_wait3A_213 = arith.constant 0 : i32
      %dma_wait3A_214 = tpu.memref_slice %arg9[%dma_wait3A_210, %dma_wait3A_212, %dma_wait3A_213] : memref<2x128x128xf32, #tpu.memory_space<vmem>> -> memref<1x128x128xf32, #tpu.memory_space<vmem>>
      %dma_wait3A_215 = tpu.memref_squeeze %dma_wait3A_214 : memref<1x128x128xf32, #tpu.memory_space<vmem>> -> memref<128x128xf32, #tpu.memory_space<vmem>>
      %dma_wait3A_216 = arith.constant 0 : i32
      %dma_wait3A_217 = tpu.memref_slice %arg7[%dma_wait3A_209, %dma_wait3A_216] : memref<4x128xi32, #tpu.memory_space<vmem>> -> memref<1x128xi32, #tpu.memory_space<vmem>>
      %dma_wait3A_218 = tpu.memref_squeeze %dma_wait3A_217 : memref<1x128xi32, #tpu.memory_space<vmem>> -> memref<128xi32, #tpu.memory_space<vmem>>
      %dma_wait3A_219 = arith.constant 0 : i32
      %dma_wait3A_220 = arith.constant 0 : i32
      %dma_wait3A_221 = tpu.memref_slice %arg2[%dma_wait3A_219, %dma_wait3A_220] : memref<10000x128xf32, #tpu.memory_space<hbm>> -> memref<10000x128xf32, #tpu.memory_space<hbm>>
      %dma_wait3A_222 = tpu.memref_slice %arg11[%dma_wait3A_211] : memref<2x!tpu.dma_semaphore, #tpu.memory_space<semaphore_mem>> -> memref<1x!tpu.dma_semaphore, #tpu.memory_space<semaphore_mem>>
      %dma_wait3A_223 = tpu.memref_squeeze %dma_wait3A_222 : memref<1x!tpu.dma_semaphore, #tpu.memory_space<semaphore_mem>> -> memref<!tpu.dma_semaphore, #tpu.memory_space<semaphore_mem>>
      tpu.wait_indirect_dma semaphore(%dma_wait3A_223 : memref<!tpu.dma_semaphore, #tpu.memory_space<semaphore_mem>>) src(%dma_wait3A_221 : memref<10000x128xf32, #tpu.memory_space<hbm>>) dst(%dma_wait3A_215 : memref<128x128xf32, #tpu.memory_space<vmem>>)
      %dma_start3A_224 = arith.constant 0 : i32
      %dma_start3A_225 = arith.constant 0 : i32
      %dma_start3A_226 = arith.constant 0 : i32
      %dma_start3A_227 = arith.constant 0 : i32
      %dma_start3A_228 = arith.constant 0 : i32
      %dma_start3A_229 = tpu.memref_slice %arg9[%dma_start3A_224, %dma_start3A_227, %dma_start3A_228] : memref<2x128x128xf32, #tpu.memory_space<vmem>> -> memref<1x128x128xf32, #tpu.memory_space<vmem>>
      %dma_start3A_230 = tpu.memref_squeeze %dma_start3A_229 : memref<1x128x128xf32, #tpu.memory_space<vmem>> -> memref<128x128xf32, #tpu.memory_space<vmem>>
      %dma_start3A_231 = arith.constant 0 : i32
      %dma_start3A_232 = tpu.memref_slice %arg8[%dma_start3A_225, %dma_start3A_231] : memref<4x128xi32, #tpu.memory_space<vmem>> -> memref<1x128xi32, #tpu.memory_space<vmem>>
      %dma_start3A_233 = tpu.memref_squeeze %dma_start3A_232 : memref<1x128xi32, #tpu.memory_space<vmem>> -> memref<128xi32, #tpu.memory_space<vmem>>
      %dma_start3A_234 = arith.constant 0 : i32
      %dma_start3A_235 = arith.constant 0 : i32
      %dma_start3A_236 = tpu.memref_slice %arg10[%dma_start3A_234, %dma_start3A_235] : memref<10112x128xf32, #tpu.memory_space<vmem_shared>> -> memref<10112x128xf32, #tpu.memory_space<vmem_shared>>
      %dma_start3A_237 = tpu.memref_slice %arg12[%dma_start3A_226] : memref<2x!tpu.dma_semaphore, #tpu.memory_space<semaphore_mem>> -> memref<1x!tpu.dma_semaphore, #tpu.memory_space<semaphore_mem>>
      %dma_start3A_238 = tpu.memref_squeeze %dma_start3A_237 : memref<1x!tpu.dma_semaphore, #tpu.memory_space<semaphore_mem>> -> memref<!tpu.dma_semaphore, #tpu.memory_space<semaphore_mem>>
      tpu.enqueue_indirect_dma source(%dma_start3A_230 : memref<128x128xf32, #tpu.memory_space<vmem>>) target(%dma_start3A_236 : memref<10112x128xf32, #tpu.memory_space<vmem_shared>>) offsets(%dma_start3A_233 : memref<128xi32, #tpu.memory_space<vmem>>) semaphore(%dma_start3A_238 : memref<!tpu.dma_semaphore, #tpu.memory_space<semaphore_mem>>) {add = true}
      %mul3A_239 = arith.constant 4 : i32
      %mul3A_240 = arith.muli %scan3A_115, %mul3A_239 : i32
      %add3A_241 = arith.constant 1 : i32
      %add3A_242 = arith.addi %mul3A_240, %add3A_241 : i32
      %gt3A_243 = arith.constant 0 : i32
      %gt3A_244 = arith.cmpi sgt, %scan3A_115, %gt3A_243 : i32
      %convert_element_type3A_245 = arith.extui %gt3A_244 : i1 to i32
      %cond3A_246 = arith.constant 0 : i32
      %cond3A_247 = arith.cmpi ne, %convert_element_type3A_245, %cond3A_246 : i32
      scf.if %cond3A_247 {
        %dma_wait3A_570 = arith.constant 1 : i32
        %dma_wait3A_571 = arith.constant 3 : i32
        %dma_wait3A_572 = arith.constant 1 : i32
        %dma_wait3A_573 = arith.constant 0 : i32
        %dma_wait3A_574 = arith.constant 0 : i32
        %dma_wait3A_575 = tpu.memref_slice %arg9[%dma_wait3A_570, %dma_wait3A_573, %dma_wait3A_574] : memref<2x128x128xf32, #tpu.memory_space<vmem>> -> memref<1x128x128xf32, #tpu.memory_space<vmem>>
        %dma_wait3A_576 = tpu.memref_squeeze %dma_wait3A_575 : memref<1x128x128xf32, #tpu.memory_space<vmem>> -> memref<128x128xf32, #tpu.memory_space<vmem>>
        %dma_wait3A_577 = arith.constant 0 : i32
        %dma_wait3A_578 = tpu.memref_slice %arg8[%dma_wait3A_571, %dma_wait3A_577] : memref<4x128xi32, #tpu.memory_space<vmem>> -> memref<1x128xi32, #tpu.memory_space<vmem>>
        %dma_wait3A_579 = tpu.memref_squeeze %dma_wait3A_578 : memref<1x128xi32, #tpu.memory_space<vmem>> -> memref<128xi32, #tpu.memory_space<vmem>>
        %dma_wait3A_580 = arith.constant 0 : i32
        %dma_wait3A_581 = arith.constant 0 : i32
        %dma_wait3A_582 = tpu.memref_slice %arg10[%dma_wait3A_580, %dma_wait3A_581] : memref<10112x128xf32, #tpu.memory_space<vmem_shared>> -> memref<10112x128xf32, #tpu.memory_space<vmem_shared>>
        %dma_wait3A_583 = tpu.memref_slice %arg12[%dma_wait3A_572] : memref<2x!tpu.dma_semaphore, #tpu.memory_space<semaphore_mem>> -> memref<1x!tpu.dma_semaphore, #tpu.memory_space<semaphore_mem>>
        %dma_wait3A_584 = tpu.memref_squeeze %dma_wait3A_583 : memref<1x!tpu.dma_semaphore, #tpu.memory_space<semaphore_mem>> -> memref<!tpu.dma_semaphore, #tpu.memory_space<semaphore_mem>>
        tpu.wait_indirect_dma semaphore(%dma_wait3A_584 : memref<!tpu.dma_semaphore, #tpu.memory_space<semaphore_mem>>) src(%dma_wait3A_576 : memref<128x128xf32, #tpu.memory_space<vmem>>) dst(%dma_wait3A_582 : memref<10112x128xf32, #tpu.memory_space<vmem_shared>>)
      } else {
      }
      %add3A_248 = arith.addi %mul3A_2, %add3A_242 : i32
      %add3A_249 = arith.constant 2 : i32
      %add3A_250 = arith.addi %add3A_248, %add3A_249 : i32
      %dma_start3A_251 = arith.constant 3 : i32
      %dma_start3A_252 = arith.constant 3 : i32
      %dma_start3A_253 = arith.constant 0 : i32
      %dma_start3A_254 = tpu.memref_slice %arg7[%dma_start3A_251, %dma_start3A_253] : memref<4x128xi32, #tpu.memory_space<vmem>> -> memref<1x128xi32, #tpu.memory_space<vmem>>
      %dma_start3A_255 = tpu.memref_squeeze %dma_start3A_254 : memref<1x128xi32, #tpu.memory_space<vmem>> -> memref<128xi32, #tpu.memory_space<vmem>>
      %dma_start3A_256 = arith.constant 0 : i32
      %dma_start3A_257 = tpu.memref_slice %arg3[%add3A_250, %dma_start3A_256] : memref<2560x128xi32, #tpu.memory_space<hbm>> -> memref<1x128xi32, #tpu.memory_space<hbm>>
      %dma_start3A_258 = tpu.memref_squeeze %dma_start3A_257 : memref<1x128xi32, #tpu.memory_space<hbm>> -> memref<128xi32, #tpu.memory_space<hbm>>
      %dma_start3A_259 = tpu.memref_slice %arg13[%dma_start3A_252] : memref<4x!tpu.dma_semaphore, #tpu.memory_space<semaphore_mem>> -> memref<1x!tpu.dma_semaphore, #tpu.memory_space<semaphore_mem>>
      %dma_start3A_260 = tpu.memref_squeeze %dma_start3A_259 : memref<1x!tpu.dma_semaphore, #tpu.memory_space<semaphore_mem>> -> memref<!tpu.dma_semaphore, #tpu.memory_space<semaphore_mem>>
      %dma_start3A_261 = arith.constant 0 : i32
      %dma_start3A_262 = tpu.memref_slice %arg7[%dma_start3A_251, %dma_start3A_261] : memref<4x128xi32, #tpu.memory_space<vmem>> -> memref<1x128xi32, #tpu.memory_space<vmem>>
      %dma_start3A_263 = tpu.memref_squeeze %dma_start3A_262 : memref<1x128xi32, #tpu.memory_space<vmem>> -> memref<128xi32, #tpu.memory_space<vmem>>
      %dma_start3A_264 = arith.constant 0 : i32
      %dma_start3A_265 = tpu.memref_slice %arg3[%add3A_250, %dma_start3A_264] : memref<2560x128xi32, #tpu.memory_space<hbm>> -> memref<1x128xi32, #tpu.memory_space<hbm>>
      %dma_start3A_266 = tpu.memref_squeeze %dma_start3A_265 : memref<1x128xi32, #tpu.memory_space<hbm>> -> memref<128xi32, #tpu.memory_space<hbm>>
      tpu.enqueue_dma source(%dma_start3A_266 : memref<128xi32, #tpu.memory_space<hbm>>) target(%dma_start3A_263 : memref<128xi32, #tpu.memory_space<vmem>>) target_semaphore(%dma_start3A_260 : memref<!tpu.dma_semaphore, #tpu.memory_space<semaphore_mem>>)
      %add3A_267 = arith.addi %mul3A_2, %add3A_242 : i32
      %add3A_268 = arith.constant 2 : i32
      %add3A_269 = arith.addi %add3A_267, %add3A_268 : i32
      %dma_start3A_270 = arith.constant 3 : i32
      %dma_start3A_271 = arith.constant 3 : i32
      %dma_start3A_272 = arith.constant 0 : i32
      %dma_start3A_273 = tpu.memref_slice %arg8[%dma_start3A_270, %dma_start3A_272] : memref<4x128xi32, #tpu.memory_space<vmem>> -> memref<1x128xi32, #tpu.memory_space<vmem>>
      %dma_start3A_274 = tpu.memref_squeeze %dma_start3A_273 : memref<1x128xi32, #tpu.memory_space<vmem>> -> memref<128xi32, #tpu.memory_space<vmem>>
      %dma_start3A_275 = arith.constant 0 : i32
      %dma_start3A_276 = tpu.memref_slice %arg4[%add3A_269, %dma_start3A_275] : memref<2560x128xi32, #tpu.memory_space<hbm>> -> memref<1x128xi32, #tpu.memory_space<hbm>>
      %dma_start3A_277 = tpu.memref_squeeze %dma_start3A_276 : memref<1x128xi32, #tpu.memory_space<hbm>> -> memref<128xi32, #tpu.memory_space<hbm>>
      %dma_start3A_278 = tpu.memref_slice %arg13[%dma_start3A_271] : memref<4x!tpu.dma_semaphore, #tpu.memory_space<semaphore_mem>> -> memref<1x!tpu.dma_semaphore, #tpu.memory_space<semaphore_mem>>
      %dma_start3A_279 = tpu.memref_squeeze %dma_start3A_278 : memref<1x!tpu.dma_semaphore, #tpu.memory_space<semaphore_mem>> -> memref<!tpu.dma_semaphore, #tpu.memory_space<semaphore_mem>>
      %dma_start3A_280 = arith.constant 0 : i32
      %dma_start3A_281 = tpu.memref_slice %arg8[%dma_start3A_270, %dma_start3A_280] : memref<4x128xi32, #tpu.memory_space<vmem>> -> memref<1x128xi32, #tpu.memory_space<vmem>>
      %dma_start3A_282 = tpu.memref_squeeze %dma_start3A_281 : memref<1x128xi32, #tpu.memory_space<vmem>> -> memref<128xi32, #tpu.memory_space<vmem>>
      %dma_start3A_283 = arith.constant 0 : i32
      %dma_start3A_284 = tpu.memref_slice %arg4[%add3A_269, %dma_start3A_283] : memref<2560x128xi32, #tpu.memory_space<hbm>> -> memref<1x128xi32, #tpu.memory_space<hbm>>
      %dma_start3A_285 = tpu.memref_squeeze %dma_start3A_284 : memref<1x128xi32, #tpu.memory_space<hbm>> -> memref<128xi32, #tpu.memory_space<hbm>>
      tpu.enqueue_dma source(%dma_start3A_285 : memref<128xi32, #tpu.memory_space<hbm>>) target(%dma_start3A_282 : memref<128xi32, #tpu.memory_space<vmem>>) target_semaphore(%dma_start3A_279 : memref<!tpu.dma_semaphore, #tpu.memory_space<semaphore_mem>>)
      %add3A_286 = arith.addi %mul3A_2, %add3A_242 : i32
      %dma_wait3A_287 = arith.constant 1 : i32
      %dma_wait3A_288 = arith.constant 1 : i32
      %dma_wait3A_289 = arith.constant 0 : i32
      %dma_wait3A_290 = tpu.memref_slice %arg7[%dma_wait3A_287, %dma_wait3A_289] : memref<4x128xi32, #tpu.memory_space<vmem>> -> memref<1x128xi32, #tpu.memory_space<vmem>>
      %dma_wait3A_291 = tpu.memref_squeeze %dma_wait3A_290 : memref<1x128xi32, #tpu.memory_space<vmem>> -> memref<128xi32, #tpu.memory_space<vmem>>
      %dma_wait3A_292 = arith.constant 0 : i32
      %dma_wait3A_293 = tpu.memref_slice %arg3[%add3A_286, %dma_wait3A_292] : memref<2560x128xi32, #tpu.memory_space<hbm>> -> memref<1x128xi32, #tpu.memory_space<hbm>>
      %dma_wait3A_294 = tpu.memref_squeeze %dma_wait3A_293 : memref<1x128xi32, #tpu.memory_space<hbm>> -> memref<128xi32, #tpu.memory_space<hbm>>
      %dma_wait3A_295 = tpu.memref_slice %arg13[%dma_wait3A_288] : memref<4x!tpu.dma_semaphore, #tpu.memory_space<semaphore_mem>> -> memref<1x!tpu.dma_semaphore, #tpu.memory_space<semaphore_mem>>
      %dma_wait3A_296 = tpu.memref_squeeze %dma_wait3A_295 : memref<1x!tpu.dma_semaphore, #tpu.memory_space<semaphore_mem>> -> memref<!tpu.dma_semaphore, #tpu.memory_space<semaphore_mem>>
      %dma_wait3A_297 = arith.constant 0 : i32
      %dma_wait3A_298 = tpu.memref_slice %arg7[%dma_wait3A_287, %dma_wait3A_297] : memref<4x128xi32, #tpu.memory_space<vmem>> -> memref<1x128xi32, #tpu.memory_space<vmem>>
      %dma_wait3A_299 = tpu.memref_squeeze %dma_wait3A_298 : memref<1x128xi32, #tpu.memory_space<vmem>> -> memref<128xi32, #tpu.memory_space<vmem>>
      %dma_wait3A_300 = arith.constant 0 : i32
      %dma_wait3A_301 = tpu.memref_slice %arg3[%add3A_286, %dma_wait3A_300] : memref<2560x128xi32, #tpu.memory_space<hbm>> -> memref<1x128xi32, #tpu.memory_space<hbm>>
      %dma_wait3A_302 = tpu.memref_squeeze %dma_wait3A_301 : memref<1x128xi32, #tpu.memory_space<hbm>> -> memref<128xi32, #tpu.memory_space<hbm>>
      tpu.wait_dma2 semaphore(%dma_wait3A_296 : memref<!tpu.dma_semaphore, #tpu.memory_space<semaphore_mem>>) src(%dma_wait3A_302 : memref<128xi32, #tpu.memory_space<hbm>>) dst(%dma_wait3A_299 : memref<128xi32, #tpu.memory_space<vmem>>)
      %add3A_303 = arith.addi %mul3A_2, %add3A_242 : i32
      %dma_wait3A_304 = arith.constant 1 : i32
      %dma_wait3A_305 = arith.constant 1 : i32
      %dma_wait3A_306 = arith.constant 0 : i32
      %dma_wait3A_307 = tpu.memref_slice %arg8[%dma_wait3A_304, %dma_wait3A_306] : memref<4x128xi32, #tpu.memory_space<vmem>> -> memref<1x128xi32, #tpu.memory_space<vmem>>
      %dma_wait3A_308 = tpu.memref_squeeze %dma_wait3A_307 : memref<1x128xi32, #tpu.memory_space<vmem>> -> memref<128xi32, #tpu.memory_space<vmem>>
      %dma_wait3A_309 = arith.constant 0 : i32
      %dma_wait3A_310 = tpu.memref_slice %arg4[%add3A_303, %dma_wait3A_309] : memref<2560x128xi32, #tpu.memory_space<hbm>> -> memref<1x128xi32, #tpu.memory_space<hbm>>
      %dma_wait3A_311 = tpu.memref_squeeze %dma_wait3A_310 : memref<1x128xi32, #tpu.memory_space<hbm>> -> memref<128xi32, #tpu.memory_space<hbm>>
      %dma_wait3A_312 = tpu.memref_slice %arg13[%dma_wait3A_305] : memref<4x!tpu.dma_semaphore, #tpu.memory_space<semaphore_mem>> -> memref<1x!tpu.dma_semaphore, #tpu.memory_space<semaphore_mem>>
      %dma_wait3A_313 = tpu.memref_squeeze %dma_wait3A_312 : memref<1x!tpu.dma_semaphore, #tpu.memory_space<semaphore_mem>> -> memref<!tpu.dma_semaphore, #tpu.memory_space<semaphore_mem>>
      %dma_wait3A_314 = arith.constant 0 : i32
      %dma_wait3A_315 = tpu.memref_slice %arg8[%dma_wait3A_304, %dma_wait3A_314] : memref<4x128xi32, #tpu.memory_space<vmem>> -> memref<1x128xi32, #tpu.memory_space<vmem>>
      %dma_wait3A_316 = tpu.memref_squeeze %dma_wait3A_315 : memref<1x128xi32, #tpu.memory_space<vmem>> -> memref<128xi32, #tpu.memory_space<vmem>>
      %dma_wait3A_317 = arith.constant 0 : i32
      %dma_wait3A_318 = tpu.memref_slice %arg4[%add3A_303, %dma_wait3A_317] : memref<2560x128xi32, #tpu.memory_space<hbm>> -> memref<1x128xi32, #tpu.memory_space<hbm>>
      %dma_wait3A_319 = tpu.memref_squeeze %dma_wait3A_318 : memref<1x128xi32, #tpu.memory_space<hbm>> -> memref<128xi32, #tpu.memory_space<hbm>>
      tpu.wait_dma2 semaphore(%dma_wait3A_313 : memref<!tpu.dma_semaphore, #tpu.memory_space<semaphore_mem>>) src(%dma_wait3A_319 : memref<128xi32, #tpu.memory_space<hbm>>) dst(%dma_wait3A_316 : memref<128xi32, #tpu.memory_space<vmem>>)
      %dma_start3A_320 = arith.constant 1 : i32
      %dma_start3A_321 = arith.constant 1 : i32
      %dma_start3A_322 = arith.constant 1 : i32
      %dma_start3A_323 = arith.constant 0 : i32
      %dma_start3A_324 = arith.constant 0 : i32
      %dma_start3A_325 = tpu.memref_slice %arg9[%dma_start3A_321, %dma_start3A_323, %dma_start3A_324] : memref<2x128x128xf32, #tpu.memory_space<vmem>> -> memref<1x128x128xf32, #tpu.memory_space<vmem>>
      %dma_start3A_326 = tpu.memref_squeeze %dma_start3A_325 : memref<1x128x128xf32, #tpu.memory_space<vmem>> -> memref<128x128xf32, #tpu.memory_space<vmem>>
      %dma_start3A_327 = arith.constant 0 : i32
      %dma_start3A_328 = tpu.memref_slice %arg7[%dma_start3A_320, %dma_start3A_327] : memref<4x128xi32, #tpu.memory_space<vmem>> -> memref<1x128xi32, #tpu.memory_space<vmem>>
      %dma_start3A_329 = tpu.memref_squeeze %dma_start3A_328 : memref<1x128xi32, #tpu.memory_space<vmem>> -> memref<128xi32, #tpu.memory_space<vmem>>
      %dma_start3A_330 = arith.constant 0 : i32
      %dma_start3A_331 = arith.constant 0 : i32
      %dma_start3A_332 = tpu.memref_slice %arg2[%dma_start3A_330, %dma_start3A_331] : memref<10000x128xf32, #tpu.memory_space<hbm>> -> memref<10000x128xf32, #tpu.memory_space<hbm>>
      %dma_start3A_333 = tpu.memref_slice %arg11[%dma_start3A_322] : memref<2x!tpu.dma_semaphore, #tpu.memory_space<semaphore_mem>> -> memref<1x!tpu.dma_semaphore, #tpu.memory_space<semaphore_mem>>
      %dma_start3A_334 = tpu.memref_squeeze %dma_start3A_333 : memref<1x!tpu.dma_semaphore, #tpu.memory_space<semaphore_mem>> -> memref<!tpu.dma_semaphore, #tpu.memory_space<semaphore_mem>>
      tpu.enqueue_indirect_dma source(%dma_start3A_332 : memref<10000x128xf32, #tpu.memory_space<hbm>>) target(%dma_start3A_326 : memref<128x128xf32, #tpu.memory_space<vmem>>) offsets(%dma_start3A_329 : memref<128xi32, #tpu.memory_space<vmem>>) semaphore(%dma_start3A_334 : memref<!tpu.dma_semaphore, #tpu.memory_space<semaphore_mem>>)
      %dma_wait3A_335 = arith.constant 1 : i32
      %dma_wait3A_336 = arith.constant 1 : i32
      %dma_wait3A_337 = arith.constant 1 : i32
      %dma_wait3A_338 = arith.constant 0 : i32
      %dma_wait3A_339 = arith.constant 0 : i32
      %dma_wait3A_340 = tpu.memref_slice %arg9[%dma_wait3A_336, %dma_wait3A_338, %dma_wait3A_339] : memref<2x128x128xf32, #tpu.memory_space<vmem>> -> memref<1x128x128xf32, #tpu.memory_space<vmem>>
      %dma_wait3A_341 = tpu.memref_squeeze %dma_wait3A_340 : memref<1x128x128xf32, #tpu.memory_space<vmem>> -> memref<128x128xf32, #tpu.memory_space<vmem>>
      %dma_wait3A_342 = arith.constant 0 : i32
      %dma_wait3A_343 = tpu.memref_slice %arg7[%dma_wait3A_335, %dma_wait3A_342] : memref<4x128xi32, #tpu.memory_space<vmem>> -> memref<1x128xi32, #tpu.memory_space<vmem>>
      %dma_wait3A_344 = tpu.memref_squeeze %dma_wait3A_343 : memref<1x128xi32, #tpu.memory_space<vmem>> -> memref<128xi32, #tpu.memory_space<vmem>>
      %dma_wait3A_345 = arith.constant 0 : i32
      %dma_wait3A_346 = arith.constant 0 : i32
      %dma_wait3A_347 = tpu.memref_slice %arg2[%dma_wait3A_345, %dma_wait3A_346] : memref<10000x128xf32, #tpu.memory_space<hbm>> -> memref<10000x128xf32, #tpu.memory_space<hbm>>
      %dma_wait3A_348 = tpu.memref_slice %arg11[%dma_wait3A_337] : memref<2x!tpu.dma_semaphore, #tpu.memory_space<semaphore_mem>> -> memref<1x!tpu.dma_semaphore, #tpu.memory_space<semaphore_mem>>
      %dma_wait3A_349 = tpu.memref_squeeze %dma_wait3A_348 : memref<1x!tpu.dma_semaphore, #tpu.memory_space<semaphore_mem>> -> memref<!tpu.dma_semaphore, #tpu.memory_space<semaphore_mem>>
      tpu.wait_indirect_dma semaphore(%dma_wait3A_349 : memref<!tpu.dma_semaphore, #tpu.memory_space<semaphore_mem>>) src(%dma_wait3A_347 : memref<10000x128xf32, #tpu.memory_space<hbm>>) dst(%dma_wait3A_341 : memref<128x128xf32, #tpu.memory_space<vmem>>)
      %dma_start3A_350 = arith.constant 1 : i32
      %dma_start3A_351 = arith.constant 1 : i32
      %dma_start3A_352 = arith.constant 1 : i32
      %dma_start3A_353 = arith.constant 0 : i32
      %dma_start3A_354 = arith.constant 0 : i32
      %dma_start3A_355 = tpu.memref_slice %arg9[%dma_start3A_350, %dma_start3A_353, %dma_start3A_354] : memref<2x128x128xf32, #tpu.memory_space<vmem>> -> memref<1x128x128xf32, #tpu.memory_space<vmem>>
      %dma_start3A_356 = tpu.memref_squeeze %dma_start3A_355 : memref<1x128x128xf32, #tpu.memory_space<vmem>> -> memref<128x128xf32, #tpu.memory_space<vmem>>
      %dma_start3A_357 = arith.constant 0 : i32
      %dma_start3A_358 = tpu.memref_slice %arg8[%dma_start3A_351, %dma_start3A_357] : memref<4x128xi32, #tpu.memory_space<vmem>> -> memref<1x128xi32, #tpu.memory_space<vmem>>
      %dma_start3A_359 = tpu.memref_squeeze %dma_start3A_358 : memref<1x128xi32, #tpu.memory_space<vmem>> -> memref<128xi32, #tpu.memory_space<vmem>>
      %dma_start3A_360 = arith.constant 0 : i32
      %dma_start3A_361 = arith.constant 0 : i32
      %dma_start3A_362 = tpu.memref_slice %arg10[%dma_start3A_360, %dma_start3A_361] : memref<10112x128xf32, #tpu.memory_space<vmem_shared>> -> memref<10112x128xf32, #tpu.memory_space<vmem_shared>>
      %dma_start3A_363 = tpu.memref_slice %arg12[%dma_start3A_352] : memref<2x!tpu.dma_semaphore, #tpu.memory_space<semaphore_mem>> -> memref<1x!tpu.dma_semaphore, #tpu.memory_space<semaphore_mem>>
      %dma_start3A_364 = tpu.memref_squeeze %dma_start3A_363 : memref<1x!tpu.dma_semaphore, #tpu.memory_space<semaphore_mem>> -> memref<!tpu.dma_semaphore, #tpu.memory_space<semaphore_mem>>
      tpu.enqueue_indirect_dma source(%dma_start3A_356 : memref<128x128xf32, #tpu.memory_space<vmem>>) target(%dma_start3A_362 : memref<10112x128xf32, #tpu.memory_space<vmem_shared>>) offsets(%dma_start3A_359 : memref<128xi32, #tpu.memory_space<vmem>>) semaphore(%dma_start3A_364 : memref<!tpu.dma_semaphore, #tpu.memory_space<semaphore_mem>>) {add = true}
      %mul3A_365 = arith.constant 4 : i32
      %mul3A_366 = arith.muli %scan3A_115, %mul3A_365 : i32
      %add3A_367 = arith.constant 2 : i32
      %add3A_368 = arith.addi %mul3A_366, %add3A_367 : i32
      %dma_wait3A_369 = arith.constant 0 : i32
      %dma_wait3A_370 = arith.constant 0 : i32
      %dma_wait3A_371 = arith.constant 0 : i32
      %dma_wait3A_372 = arith.constant 0 : i32
      %dma_wait3A_373 = arith.constant 0 : i32
      %dma_wait3A_374 = tpu.memref_slice %arg9[%dma_wait3A_369, %dma_wait3A_372, %dma_wait3A_373] : memref<2x128x128xf32, #tpu.memory_space<vmem>> -> memref<1x128x128xf32, #tpu.memory_space<vmem>>
      %dma_wait3A_375 = tpu.memref_squeeze %dma_wait3A_374 : memref<1x128x128xf32, #tpu.memory_space<vmem>> -> memref<128x128xf32, #tpu.memory_space<vmem>>
      %dma_wait3A_376 = arith.constant 0 : i32
      %dma_wait3A_377 = tpu.memref_slice %arg8[%dma_wait3A_370, %dma_wait3A_376] : memref<4x128xi32, #tpu.memory_space<vmem>> -> memref<1x128xi32, #tpu.memory_space<vmem>>
      %dma_wait3A_378 = tpu.memref_squeeze %dma_wait3A_377 : memref<1x128xi32, #tpu.memory_space<vmem>> -> memref<128xi32, #tpu.memory_space<vmem>>
      %dma_wait3A_379 = arith.constant 0 : i32
      %dma_wait3A_380 = arith.constant 0 : i32
      %dma_wait3A_381 = tpu.memref_slice %arg10[%dma_wait3A_379, %dma_wait3A_380] : memref<10112x128xf32, #tpu.memory_space<vmem_shared>> -> memref<10112x128xf32, #tpu.memory_space<vmem_shared>>
      %dma_wait3A_382 = tpu.memref_slice %arg12[%dma_wait3A_371] : memref<2x!tpu.dma_semaphore, #tpu.memory_space<semaphore_mem>> -> memref<1x!tpu.dma_semaphore, #tpu.memory_space<semaphore_mem>>
      %dma_wait3A_383 = tpu.memref_squeeze %dma_wait3A_382 : memref<1x!tpu.dma_semaphore, #tpu.memory_space<semaphore_mem>> -> memref<!tpu.dma_semaphore, #tpu.memory_space<semaphore_mem>>
      tpu.wait_indirect_dma semaphore(%dma_wait3A_383 : memref<!tpu.dma_semaphore, #tpu.memory_space<semaphore_mem>>) src(%dma_wait3A_375 : memref<128x128xf32, #tpu.memory_space<vmem>>) dst(%dma_wait3A_381 : memref<10112x128xf32, #tpu.memory_space<vmem_shared>>)
      %lt3A = arith.constant 19 : i32
      %lt3A_384 = arith.cmpi slt, %scan3A_115, %lt3A : i32
      %convert_element_type3A_385 = arith.extui %lt3A_384 : i1 to i32
      %cond3A_386 = arith.constant 0 : i32
      %cond3A_387 = arith.cmpi ne, %convert_element_type3A_385, %cond3A_386 : i32
      scf.if %cond3A_387 {
        %add3A_570 = arith.addi %mul3A_2, %add3A_368 : i32
        %add3A_571 = arith.constant 2 : i32
        %add3A_572 = arith.addi %add3A_570, %add3A_571 : i32
        %dma_start3A_573 = arith.constant 0 : i32
        %dma_start3A_574 = arith.constant 0 : i32
        %dma_start3A_575 = arith.constant 0 : i32
        %dma_start3A_576 = tpu.memref_slice %arg7[%dma_start3A_573, %dma_start3A_575] : memref<4x128xi32, #tpu.memory_space<vmem>> -> memref<1x128xi32, #tpu.memory_space<vmem>>
        %dma_start3A_577 = tpu.memref_squeeze %dma_start3A_576 : memref<1x128xi32, #tpu.memory_space<vmem>> -> memref<128xi32, #tpu.memory_space<vmem>>
        %dma_start3A_578 = arith.constant 0 : i32
        %dma_start3A_579 = tpu.memref_slice %arg3[%add3A_572, %dma_start3A_578] : memref<2560x128xi32, #tpu.memory_space<hbm>> -> memref<1x128xi32, #tpu.memory_space<hbm>>
        %dma_start3A_580 = tpu.memref_squeeze %dma_start3A_579 : memref<1x128xi32, #tpu.memory_space<hbm>> -> memref<128xi32, #tpu.memory_space<hbm>>
        %dma_start3A_581 = tpu.memref_slice %arg13[%dma_start3A_574] : memref<4x!tpu.dma_semaphore, #tpu.memory_space<semaphore_mem>> -> memref<1x!tpu.dma_semaphore, #tpu.memory_space<semaphore_mem>>
        %dma_start3A_582 = tpu.memref_squeeze %dma_start3A_581 : memref<1x!tpu.dma_semaphore, #tpu.memory_space<semaphore_mem>> -> memref<!tpu.dma_semaphore, #tpu.memory_space<semaphore_mem>>
        %dma_start3A_583 = arith.constant 0 : i32
        %dma_start3A_584 = tpu.memref_slice %arg7[%dma_start3A_573, %dma_start3A_583] : memref<4x128xi32, #tpu.memory_space<vmem>> -> memref<1x128xi32, #tpu.memory_space<vmem>>
        %dma_start3A_585 = tpu.memref_squeeze %dma_start3A_584 : memref<1x128xi32, #tpu.memory_space<vmem>> -> memref<128xi32, #tpu.memory_space<vmem>>
        %dma_start3A_586 = arith.constant 0 : i32
        %dma_start3A_587 = tpu.memref_slice %arg3[%add3A_572, %dma_start3A_586] : memref<2560x128xi32, #tpu.memory_space<hbm>> -> memref<1x128xi32, #tpu.memory_space<hbm>>
        %dma_start3A_588 = tpu.memref_squeeze %dma_start3A_587 : memref<1x128xi32, #tpu.memory_space<hbm>> -> memref<128xi32, #tpu.memory_space<hbm>>
        tpu.enqueue_dma source(%dma_start3A_588 : memref<128xi32, #tpu.memory_space<hbm>>) target(%dma_start3A_585 : memref<128xi32, #tpu.memory_space<vmem>>) target_semaphore(%dma_start3A_582 : memref<!tpu.dma_semaphore, #tpu.memory_space<semaphore_mem>>)
        %add3A_589 = arith.addi %mul3A_2, %add3A_368 : i32
        %add3A_590 = arith.constant 2 : i32
        %add3A_591 = arith.addi %add3A_589, %add3A_590 : i32
        %dma_start3A_592 = arith.constant 0 : i32
        %dma_start3A_593 = arith.constant 0 : i32
        %dma_start3A_594 = arith.constant 0 : i32
        %dma_start3A_595 = tpu.memref_slice %arg8[%dma_start3A_592, %dma_start3A_594] : memref<4x128xi32, #tpu.memory_space<vmem>> -> memref<1x128xi32, #tpu.memory_space<vmem>>
        %dma_start3A_596 = tpu.memref_squeeze %dma_start3A_595 : memref<1x128xi32, #tpu.memory_space<vmem>> -> memref<128xi32, #tpu.memory_space<vmem>>
        %dma_start3A_597 = arith.constant 0 : i32
        %dma_start3A_598 = tpu.memref_slice %arg4[%add3A_591, %dma_start3A_597] : memref<2560x128xi32, #tpu.memory_space<hbm>> -> memref<1x128xi32, #tpu.memory_space<hbm>>
        %dma_start3A_599 = tpu.memref_squeeze %dma_start3A_598 : memref<1x128xi32, #tpu.memory_space<hbm>> -> memref<128xi32, #tpu.memory_space<hbm>>
        %dma_start3A_600 = tpu.memref_slice %arg13[%dma_start3A_593] : memref<4x!tpu.dma_semaphore, #tpu.memory_space<semaphore_mem>> -> memref<1x!tpu.dma_semaphore, #tpu.memory_space<semaphore_mem>>
        %dma_start3A_601 = tpu.memref_squeeze %dma_start3A_600 : memref<1x!tpu.dma_semaphore, #tpu.memory_space<semaphore_mem>> -> memref<!tpu.dma_semaphore, #tpu.memory_space<semaphore_mem>>
        %dma_start3A_602 = arith.constant 0 : i32
        %dma_start3A_603 = tpu.memref_slice %arg8[%dma_start3A_592, %dma_start3A_602] : memref<4x128xi32, #tpu.memory_space<vmem>> -> memref<1x128xi32, #tpu.memory_space<vmem>>
        %dma_start3A_604 = tpu.memref_squeeze %dma_start3A_603 : memref<1x128xi32, #tpu.memory_space<vmem>> -> memref<128xi32, #tpu.memory_space<vmem>>
        %dma_start3A_605 = arith.constant 0 : i32
        %dma_start3A_606 = tpu.memref_slice %arg4[%add3A_591, %dma_start3A_605] : memref<2560x128xi32, #tpu.memory_space<hbm>> -> memref<1x128xi32, #tpu.memory_space<hbm>>
        %dma_start3A_607 = tpu.memref_squeeze %dma_start3A_606 : memref<1x128xi32, #tpu.memory_space<hbm>> -> memref<128xi32, #tpu.memory_space<hbm>>
        tpu.enqueue_dma source(%dma_start3A_607 : memref<128xi32, #tpu.memory_space<hbm>>) target(%dma_start3A_604 : memref<128xi32, #tpu.memory_space<vmem>>) target_semaphore(%dma_start3A_601 : memref<!tpu.dma_semaphore, #tpu.memory_space<semaphore_mem>>)
      } else {
      }
      %add3A_388 = arith.addi %mul3A_2, %add3A_368 : i32
      %dma_wait3A_389 = arith.constant 2 : i32
      %dma_wait3A_390 = arith.constant 2 : i32
      %dma_wait3A_391 = arith.constant 0 : i32
      %dma_wait3A_392 = tpu.memref_slice %arg7[%dma_wait3A_389, %dma_wait3A_391] : memref<4x128xi32, #tpu.memory_space<vmem>> -> memref<1x128xi32, #tpu.memory_space<vmem>>
      %dma_wait3A_393 = tpu.memref_squeeze %dma_wait3A_392 : memref<1x128xi32, #tpu.memory_space<vmem>> -> memref<128xi32, #tpu.memory_space<vmem>>
      %dma_wait3A_394 = arith.constant 0 : i32
      %dma_wait3A_395 = tpu.memref_slice %arg3[%add3A_388, %dma_wait3A_394] : memref<2560x128xi32, #tpu.memory_space<hbm>> -> memref<1x128xi32, #tpu.memory_space<hbm>>
      %dma_wait3A_396 = tpu.memref_squeeze %dma_wait3A_395 : memref<1x128xi32, #tpu.memory_space<hbm>> -> memref<128xi32, #tpu.memory_space<hbm>>
      %dma_wait3A_397 = tpu.memref_slice %arg13[%dma_wait3A_390] : memref<4x!tpu.dma_semaphore, #tpu.memory_space<semaphore_mem>> -> memref<1x!tpu.dma_semaphore, #tpu.memory_space<semaphore_mem>>
      %dma_wait3A_398 = tpu.memref_squeeze %dma_wait3A_397 : memref<1x!tpu.dma_semaphore, #tpu.memory_space<semaphore_mem>> -> memref<!tpu.dma_semaphore, #tpu.memory_space<semaphore_mem>>
      %dma_wait3A_399 = arith.constant 0 : i32
      %dma_wait3A_400 = tpu.memref_slice %arg7[%dma_wait3A_389, %dma_wait3A_399] : memref<4x128xi32, #tpu.memory_space<vmem>> -> memref<1x128xi32, #tpu.memory_space<vmem>>
      %dma_wait3A_401 = tpu.memref_squeeze %dma_wait3A_400 : memref<1x128xi32, #tpu.memory_space<vmem>> -> memref<128xi32, #tpu.memory_space<vmem>>
      %dma_wait3A_402 = arith.constant 0 : i32
      %dma_wait3A_403 = tpu.memref_slice %arg3[%add3A_388, %dma_wait3A_402] : memref<2560x128xi32, #tpu.memory_space<hbm>> -> memref<1x128xi32, #tpu.memory_space<hbm>>
      %dma_wait3A_404 = tpu.memref_squeeze %dma_wait3A_403 : memref<1x128xi32, #tpu.memory_space<hbm>> -> memref<128xi32, #tpu.memory_space<hbm>>
      tpu.wait_dma2 semaphore(%dma_wait3A_398 : memref<!tpu.dma_semaphore, #tpu.memory_space<semaphore_mem>>) src(%dma_wait3A_404 : memref<128xi32, #tpu.memory_space<hbm>>) dst(%dma_wait3A_401 : memref<128xi32, #tpu.memory_space<vmem>>)
      %add3A_405 = arith.addi %mul3A_2, %add3A_368 : i32
      %dma_wait3A_406 = arith.constant 2 : i32
      %dma_wait3A_407 = arith.constant 2 : i32
      %dma_wait3A_408 = arith.constant 0 : i32
      %dma_wait3A_409 = tpu.memref_slice %arg8[%dma_wait3A_406, %dma_wait3A_408] : memref<4x128xi32, #tpu.memory_space<vmem>> -> memref<1x128xi32, #tpu.memory_space<vmem>>
      %dma_wait3A_410 = tpu.memref_squeeze %dma_wait3A_409 : memref<1x128xi32, #tpu.memory_space<vmem>> -> memref<128xi32, #tpu.memory_space<vmem>>
      %dma_wait3A_411 = arith.constant 0 : i32
      %dma_wait3A_412 = tpu.memref_slice %arg4[%add3A_405, %dma_wait3A_411] : memref<2560x128xi32, #tpu.memory_space<hbm>> -> memref<1x128xi32, #tpu.memory_space<hbm>>
      %dma_wait3A_413 = tpu.memref_squeeze %dma_wait3A_412 : memref<1x128xi32, #tpu.memory_space<hbm>> -> memref<128xi32, #tpu.memory_space<hbm>>
      %dma_wait3A_414 = tpu.memref_slice %arg13[%dma_wait3A_407] : memref<4x!tpu.dma_semaphore, #tpu.memory_space<semaphore_mem>> -> memref<1x!tpu.dma_semaphore, #tpu.memory_space<semaphore_mem>>
      %dma_wait3A_415 = tpu.memref_squeeze %dma_wait3A_414 : memref<1x!tpu.dma_semaphore, #tpu.memory_space<semaphore_mem>> -> memref<!tpu.dma_semaphore, #tpu.memory_space<semaphore_mem>>
      %dma_wait3A_416 = arith.constant 0 : i32
      %dma_wait3A_417 = tpu.memref_slice %arg8[%dma_wait3A_406, %dma_wait3A_416] : memref<4x128xi32, #tpu.memory_space<vmem>> -> memref<1x128xi32, #tpu.memory_space<vmem>>
      %dma_wait3A_418 = tpu.memref_squeeze %dma_wait3A_417 : memref<1x128xi32, #tpu.memory_space<vmem>> -> memref<128xi32, #tpu.memory_space<vmem>>
      %dma_wait3A_419 = arith.constant 0 : i32
      %dma_wait3A_420 = tpu.memref_slice %arg4[%add3A_405, %dma_wait3A_419] : memref<2560x128xi32, #tpu.memory_space<hbm>> -> memref<1x128xi32, #tpu.memory_space<hbm>>
      %dma_wait3A_421 = tpu.memref_squeeze %dma_wait3A_420 : memref<1x128xi32, #tpu.memory_space<hbm>> -> memref<128xi32, #tpu.memory_space<hbm>>
      tpu.wait_dma2 semaphore(%dma_wait3A_415 : memref<!tpu.dma_semaphore, #tpu.memory_space<semaphore_mem>>) src(%dma_wait3A_421 : memref<128xi32, #tpu.memory_space<hbm>>) dst(%dma_wait3A_418 : memref<128xi32, #tpu.memory_space<vmem>>)
      %dma_start3A_422 = arith.constant 2 : i32
      %dma_start3A_423 = arith.constant 0 : i32
      %dma_start3A_424 = arith.constant 0 : i32
      %dma_start3A_425 = arith.constant 0 : i32
      %dma_start3A_426 = arith.constant 0 : i32
      %dma_start3A_427 = tpu.memref_slice %arg9[%dma_start3A_423, %dma_start3A_425, %dma_start3A_426] : memref<2x128x128xf32, #tpu.memory_space<vmem>> -> memref<1x128x128xf32, #tpu.memory_space<vmem>>
      %dma_start3A_428 = tpu.memref_squeeze %dma_start3A_427 : memref<1x128x128xf32, #tpu.memory_space<vmem>> -> memref<128x128xf32, #tpu.memory_space<vmem>>
      %dma_start3A_429 = arith.constant 0 : i32
      %dma_start3A_430 = tpu.memref_slice %arg7[%dma_start3A_422, %dma_start3A_429] : memref<4x128xi32, #tpu.memory_space<vmem>> -> memref<1x128xi32, #tpu.memory_space<vmem>>
      %dma_start3A_431 = tpu.memref_squeeze %dma_start3A_430 : memref<1x128xi32, #tpu.memory_space<vmem>> -> memref<128xi32, #tpu.memory_space<vmem>>
      %dma_start3A_432 = arith.constant 0 : i32
      %dma_start3A_433 = arith.constant 0 : i32
      %dma_start3A_434 = tpu.memref_slice %arg2[%dma_start3A_432, %dma_start3A_433] : memref<10000x128xf32, #tpu.memory_space<hbm>> -> memref<10000x128xf32, #tpu.memory_space<hbm>>
      %dma_start3A_435 = tpu.memref_slice %arg11[%dma_start3A_424] : memref<2x!tpu.dma_semaphore, #tpu.memory_space<semaphore_mem>> -> memref<1x!tpu.dma_semaphore, #tpu.memory_space<semaphore_mem>>
      %dma_start3A_436 = tpu.memref_squeeze %dma_start3A_435 : memref<1x!tpu.dma_semaphore, #tpu.memory_space<semaphore_mem>> -> memref<!tpu.dma_semaphore, #tpu.memory_space<semaphore_mem>>
      tpu.enqueue_indirect_dma source(%dma_start3A_434 : memref<10000x128xf32, #tpu.memory_space<hbm>>) target(%dma_start3A_428 : memref<128x128xf32, #tpu.memory_space<vmem>>) offsets(%dma_start3A_431 : memref<128xi32, #tpu.memory_space<vmem>>) semaphore(%dma_start3A_436 : memref<!tpu.dma_semaphore, #tpu.memory_space<semaphore_mem>>)
      %dma_wait3A_437 = arith.constant 2 : i32
      %dma_wait3A_438 = arith.constant 0 : i32
      %dma_wait3A_439 = arith.constant 0 : i32
      %dma_wait3A_440 = arith.constant 0 : i32
      %dma_wait3A_441 = arith.constant 0 : i32
      %dma_wait3A_442 = tpu.memref_slice %arg9[%dma_wait3A_438, %dma_wait3A_440, %dma_wait3A_441] : memref<2x128x128xf32, #tpu.memory_space<vmem>> -> memref<1x128x128xf32, #tpu.memory_space<vmem>>
      %dma_wait3A_443 = tpu.memref_squeeze %dma_wait3A_442 : memref<1x128x128xf32, #tpu.memory_space<vmem>> -> memref<128x128xf32, #tpu.memory_space<vmem>>
      %dma_wait3A_444 = arith.constant 0 : i32
      %dma_wait3A_445 = tpu.memref_slice %arg7[%dma_wait3A_437, %dma_wait3A_444] : memref<4x128xi32, #tpu.memory_space<vmem>> -> memref<1x128xi32, #tpu.memory_space<vmem>>
      %dma_wait3A_446 = tpu.memref_squeeze %dma_wait3A_445 : memref<1x128xi32, #tpu.memory_space<vmem>> -> memref<128xi32, #tpu.memory_space<vmem>>
      %dma_wait3A_447 = arith.constant 0 : i32
      %dma_wait3A_448 = arith.constant 0 : i32
      %dma_wait3A_449 = tpu.memref_slice %arg2[%dma_wait3A_447, %dma_wait3A_448] : memref<10000x128xf32, #tpu.memory_space<hbm>> -> memref<10000x128xf32, #tpu.memory_space<hbm>>
      %dma_wait3A_450 = tpu.memref_slice %arg11[%dma_wait3A_439] : memref<2x!tpu.dma_semaphore, #tpu.memory_space<semaphore_mem>> -> memref<1x!tpu.dma_semaphore, #tpu.memory_space<semaphore_mem>>
      %dma_wait3A_451 = tpu.memref_squeeze %dma_wait3A_450 : memref<1x!tpu.dma_semaphore, #tpu.memory_space<semaphore_mem>> -> memref<!tpu.dma_semaphore, #tpu.memory_space<semaphore_mem>>
      tpu.wait_indirect_dma semaphore(%dma_wait3A_451 : memref<!tpu.dma_semaphore, #tpu.memory_space<semaphore_mem>>) src(%dma_wait3A_449 : memref<10000x128xf32, #tpu.memory_space<hbm>>) dst(%dma_wait3A_443 : memref<128x128xf32, #tpu.memory_space<vmem>>)
      %dma_start3A_452 = arith.constant 0 : i32
      %dma_start3A_453 = arith.constant 2 : i32
      %dma_start3A_454 = arith.constant 0 : i32
      %dma_start3A_455 = arith.constant 0 : i32
      %dma_start3A_456 = arith.constant 0 : i32
      %dma_start3A_457 = tpu.memref_slice %arg9[%dma_start3A_452, %dma_start3A_455, %dma_start3A_456] : memref<2x128x128xf32, #tpu.memory_space<vmem>> -> memref<1x128x128xf32, #tpu.memory_space<vmem>>
      %dma_start3A_458 = tpu.memref_squeeze %dma_start3A_457 : memref<1x128x128xf32, #tpu.memory_space<vmem>> -> memref<128x128xf32, #tpu.memory_space<vmem>>
      %dma_start3A_459 = arith.constant 0 : i32
      %dma_start3A_460 = tpu.memref_slice %arg8[%dma_start3A_453, %dma_start3A_459] : memref<4x128xi32, #tpu.memory_space<vmem>> -> memref<1x128xi32, #tpu.memory_space<vmem>>
      %dma_start3A_461 = tpu.memref_squeeze %dma_start3A_460 : memref<1x128xi32, #tpu.memory_space<vmem>> -> memref<128xi32, #tpu.memory_space<vmem>>
      %dma_start3A_462 = arith.constant 0 : i32
      %dma_start3A_463 = arith.constant 0 : i32
      %dma_start3A_464 = tpu.memref_slice %arg10[%dma_start3A_462, %dma_start3A_463] : memref<10112x128xf32, #tpu.memory_space<vmem_shared>> -> memref<10112x128xf32, #tpu.memory_space<vmem_shared>>
      %dma_start3A_465 = tpu.memref_slice %arg12[%dma_start3A_454] : memref<2x!tpu.dma_semaphore, #tpu.memory_space<semaphore_mem>> -> memref<1x!tpu.dma_semaphore, #tpu.memory_space<semaphore_mem>>
      %dma_start3A_466 = tpu.memref_squeeze %dma_start3A_465 : memref<1x!tpu.dma_semaphore, #tpu.memory_space<semaphore_mem>> -> memref<!tpu.dma_semaphore, #tpu.memory_space<semaphore_mem>>
      tpu.enqueue_indirect_dma source(%dma_start3A_458 : memref<128x128xf32, #tpu.memory_space<vmem>>) target(%dma_start3A_464 : memref<10112x128xf32, #tpu.memory_space<vmem_shared>>) offsets(%dma_start3A_461 : memref<128xi32, #tpu.memory_space<vmem>>) semaphore(%dma_start3A_466 : memref<!tpu.dma_semaphore, #tpu.memory_space<semaphore_mem>>) {add = true}
      %mul3A_467 = arith.constant 4 : i32
      %mul3A_468 = arith.muli %scan3A_115, %mul3A_467 : i32
      %add3A_469 = arith.constant 3 : i32
      %add3A_470 = arith.addi %mul3A_468, %add3A_469 : i32
      %dma_wait3A_471 = arith.constant 1 : i32
      %dma_wait3A_472 = arith.constant 1 : i32
      %dma_wait3A_473 = arith.constant 1 : i32
      %dma_wait3A_474 = arith.constant 0 : i32
      %dma_wait3A_475 = arith.constant 0 : i32
      %dma_wait3A_476 = tpu.memref_slice %arg9[%dma_wait3A_471, %dma_wait3A_474, %dma_wait3A_475] : memref<2x128x128xf32, #tpu.memory_space<vmem>> -> memref<1x128x128xf32, #tpu.memory_space<vmem>>
      %dma_wait3A_477 = tpu.memref_squeeze %dma_wait3A_476 : memref<1x128x128xf32, #tpu.memory_space<vmem>> -> memref<128x128xf32, #tpu.memory_space<vmem>>
      %dma_wait3A_478 = arith.constant 0 : i32
      %dma_wait3A_479 = tpu.memref_slice %arg8[%dma_wait3A_472, %dma_wait3A_478] : memref<4x128xi32, #tpu.memory_space<vmem>> -> memref<1x128xi32, #tpu.memory_space<vmem>>
      %dma_wait3A_480 = tpu.memref_squeeze %dma_wait3A_479 : memref<1x128xi32, #tpu.memory_space<vmem>> -> memref<128xi32, #tpu.memory_space<vmem>>
      %dma_wait3A_481 = arith.constant 0 : i32
      %dma_wait3A_482 = arith.constant 0 : i32
      %dma_wait3A_483 = tpu.memref_slice %arg10[%dma_wait3A_481, %dma_wait3A_482] : memref<10112x128xf32, #tpu.memory_space<vmem_shared>> -> memref<10112x128xf32, #tpu.memory_space<vmem_shared>>
      %dma_wait3A_484 = tpu.memref_slice %arg12[%dma_wait3A_473] : memref<2x!tpu.dma_semaphore, #tpu.memory_space<semaphore_mem>> -> memref<1x!tpu.dma_semaphore, #tpu.memory_space<semaphore_mem>>
      %dma_wait3A_485 = tpu.memref_squeeze %dma_wait3A_484 : memref<1x!tpu.dma_semaphore, #tpu.memory_space<semaphore_mem>> -> memref<!tpu.dma_semaphore, #tpu.memory_space<semaphore_mem>>
      tpu.wait_indirect_dma semaphore(%dma_wait3A_485 : memref<!tpu.dma_semaphore, #tpu.memory_space<semaphore_mem>>) src(%dma_wait3A_477 : memref<128x128xf32, #tpu.memory_space<vmem>>) dst(%dma_wait3A_483 : memref<10112x128xf32, #tpu.memory_space<vmem_shared>>)
      %lt3A_486 = arith.constant 19 : i32
      %lt3A_487 = arith.cmpi slt, %scan3A_115, %lt3A_486 : i32
      %convert_element_type3A_488 = arith.extui %lt3A_487 : i1 to i32
      %cond3A_489 = arith.constant 0 : i32
      %cond3A_490 = arith.cmpi ne, %convert_element_type3A_488, %cond3A_489 : i32
      scf.if %cond3A_490 {
        %add3A_570 = arith.addi %mul3A_2, %add3A_470 : i32
        %add3A_571 = arith.constant 2 : i32
        %add3A_572 = arith.addi %add3A_570, %add3A_571 : i32
        %dma_start3A_573 = arith.constant 1 : i32
        %dma_start3A_574 = arith.constant 1 : i32
        %dma_start3A_575 = arith.constant 0 : i32
        %dma_start3A_576 = tpu.memref_slice %arg7[%dma_start3A_573, %dma_start3A_575] : memref<4x128xi32, #tpu.memory_space<vmem>> -> memref<1x128xi32, #tpu.memory_space<vmem>>
        %dma_start3A_577 = tpu.memref_squeeze %dma_start3A_576 : memref<1x128xi32, #tpu.memory_space<vmem>> -> memref<128xi32, #tpu.memory_space<vmem>>
        %dma_start3A_578 = arith.constant 0 : i32
        %dma_start3A_579 = tpu.memref_slice %arg3[%add3A_572, %dma_start3A_578] : memref<2560x128xi32, #tpu.memory_space<hbm>> -> memref<1x128xi32, #tpu.memory_space<hbm>>
        %dma_start3A_580 = tpu.memref_squeeze %dma_start3A_579 : memref<1x128xi32, #tpu.memory_space<hbm>> -> memref<128xi32, #tpu.memory_space<hbm>>
        %dma_start3A_581 = tpu.memref_slice %arg13[%dma_start3A_574] : memref<4x!tpu.dma_semaphore, #tpu.memory_space<semaphore_mem>> -> memref<1x!tpu.dma_semaphore, #tpu.memory_space<semaphore_mem>>
        %dma_start3A_582 = tpu.memref_squeeze %dma_start3A_581 : memref<1x!tpu.dma_semaphore, #tpu.memory_space<semaphore_mem>> -> memref<!tpu.dma_semaphore, #tpu.memory_space<semaphore_mem>>
        %dma_start3A_583 = arith.constant 0 : i32
        %dma_start3A_584 = tpu.memref_slice %arg7[%dma_start3A_573, %dma_start3A_583] : memref<4x128xi32, #tpu.memory_space<vmem>> -> memref<1x128xi32, #tpu.memory_space<vmem>>
        %dma_start3A_585 = tpu.memref_squeeze %dma_start3A_584 : memref<1x128xi32, #tpu.memory_space<vmem>> -> memref<128xi32, #tpu.memory_space<vmem>>
        %dma_start3A_586 = arith.constant 0 : i32
        %dma_start3A_587 = tpu.memref_slice %arg3[%add3A_572, %dma_start3A_586] : memref<2560x128xi32, #tpu.memory_space<hbm>> -> memref<1x128xi32, #tpu.memory_space<hbm>>
        %dma_start3A_588 = tpu.memref_squeeze %dma_start3A_587 : memref<1x128xi32, #tpu.memory_space<hbm>> -> memref<128xi32, #tpu.memory_space<hbm>>
        tpu.enqueue_dma source(%dma_start3A_588 : memref<128xi32, #tpu.memory_space<hbm>>) target(%dma_start3A_585 : memref<128xi32, #tpu.memory_space<vmem>>) target_semaphore(%dma_start3A_582 : memref<!tpu.dma_semaphore, #tpu.memory_space<semaphore_mem>>)
        %add3A_589 = arith.addi %mul3A_2, %add3A_470 : i32
        %add3A_590 = arith.constant 2 : i32
        %add3A_591 = arith.addi %add3A_589, %add3A_590 : i32
        %dma_start3A_592 = arith.constant 1 : i32
        %dma_start3A_593 = arith.constant 1 : i32
        %dma_start3A_594 = arith.constant 0 : i32
        %dma_start3A_595 = tpu.memref_slice %arg8[%dma_start3A_592, %dma_start3A_594] : memref<4x128xi32, #tpu.memory_space<vmem>> -> memref<1x128xi32, #tpu.memory_space<vmem>>
        %dma_start3A_596 = tpu.memref_squeeze %dma_start3A_595 : memref<1x128xi32, #tpu.memory_space<vmem>> -> memref<128xi32, #tpu.memory_space<vmem>>
        %dma_start3A_597 = arith.constant 0 : i32
        %dma_start3A_598 = tpu.memref_slice %arg4[%add3A_591, %dma_start3A_597] : memref<2560x128xi32, #tpu.memory_space<hbm>> -> memref<1x128xi32, #tpu.memory_space<hbm>>
        %dma_start3A_599 = tpu.memref_squeeze %dma_start3A_598 : memref<1x128xi32, #tpu.memory_space<hbm>> -> memref<128xi32, #tpu.memory_space<hbm>>
        %dma_start3A_600 = tpu.memref_slice %arg13[%dma_start3A_593] : memref<4x!tpu.dma_semaphore, #tpu.memory_space<semaphore_mem>> -> memref<1x!tpu.dma_semaphore, #tpu.memory_space<semaphore_mem>>
        %dma_start3A_601 = tpu.memref_squeeze %dma_start3A_600 : memref<1x!tpu.dma_semaphore, #tpu.memory_space<semaphore_mem>> -> memref<!tpu.dma_semaphore, #tpu.memory_space<semaphore_mem>>
        %dma_start3A_602 = arith.constant 0 : i32
        %dma_start3A_603 = tpu.memref_slice %arg8[%dma_start3A_592, %dma_start3A_602] : memref<4x128xi32, #tpu.memory_space<vmem>> -> memref<1x128xi32, #tpu.memory_space<vmem>>
        %dma_start3A_604 = tpu.memref_squeeze %dma_start3A_603 : memref<1x128xi32, #tpu.memory_space<vmem>> -> memref<128xi32, #tpu.memory_space<vmem>>
        %dma_start3A_605 = arith.constant 0 : i32
        %dma_start3A_606 = tpu.memref_slice %arg4[%add3A_591, %dma_start3A_605] : memref<2560x128xi32, #tpu.memory_space<hbm>> -> memref<1x128xi32, #tpu.memory_space<hbm>>
        %dma_start3A_607 = tpu.memref_squeeze %dma_start3A_606 : memref<1x128xi32, #tpu.memory_space<hbm>> -> memref<128xi32, #tpu.memory_space<hbm>>
        tpu.enqueue_dma source(%dma_start3A_607 : memref<128xi32, #tpu.memory_space<hbm>>) target(%dma_start3A_604 : memref<128xi32, #tpu.memory_space<vmem>>) target_semaphore(%dma_start3A_601 : memref<!tpu.dma_semaphore, #tpu.memory_space<semaphore_mem>>)
      } else {
      }
      %add3A_491 = arith.addi %mul3A_2, %add3A_470 : i32
      %dma_wait3A_492 = arith.constant 3 : i32
      %dma_wait3A_493 = arith.constant 3 : i32
      %dma_wait3A_494 = arith.constant 0 : i32
      %dma_wait3A_495 = tpu.memref_slice %arg7[%dma_wait3A_492, %dma_wait3A_494] : memref<4x128xi32, #tpu.memory_space<vmem>> -> memref<1x128xi32, #tpu.memory_space<vmem>>
      %dma_wait3A_496 = tpu.memref_squeeze %dma_wait3A_495 : memref<1x128xi32, #tpu.memory_space<vmem>> -> memref<128xi32, #tpu.memory_space<vmem>>
      %dma_wait3A_497 = arith.constant 0 : i32
      %dma_wait3A_498 = tpu.memref_slice %arg3[%add3A_491, %dma_wait3A_497] : memref<2560x128xi32, #tpu.memory_space<hbm>> -> memref<1x128xi32, #tpu.memory_space<hbm>>
      %dma_wait3A_499 = tpu.memref_squeeze %dma_wait3A_498 : memref<1x128xi32, #tpu.memory_space<hbm>> -> memref<128xi32, #tpu.memory_space<hbm>>
      %dma_wait3A_500 = tpu.memref_slice %arg13[%dma_wait3A_493] : memref<4x!tpu.dma_semaphore, #tpu.memory_space<semaphore_mem>> -> memref<1x!tpu.dma_semaphore, #tpu.memory_space<semaphore_mem>>
      %dma_wait3A_501 = tpu.memref_squeeze %dma_wait3A_500 : memref<1x!tpu.dma_semaphore, #tpu.memory_space<semaphore_mem>> -> memref<!tpu.dma_semaphore, #tpu.memory_space<semaphore_mem>>
      %dma_wait3A_502 = arith.constant 0 : i32
      %dma_wait3A_503 = tpu.memref_slice %arg7[%dma_wait3A_492, %dma_wait3A_502] : memref<4x128xi32, #tpu.memory_space<vmem>> -> memref<1x128xi32, #tpu.memory_space<vmem>>
      %dma_wait3A_504 = tpu.memref_squeeze %dma_wait3A_503 : memref<1x128xi32, #tpu.memory_space<vmem>> -> memref<128xi32, #tpu.memory_space<vmem>>
      %dma_wait3A_505 = arith.constant 0 : i32
      %dma_wait3A_506 = tpu.memref_slice %arg3[%add3A_491, %dma_wait3A_505] : memref<2560x128xi32, #tpu.memory_space<hbm>> -> memref<1x128xi32, #tpu.memory_space<hbm>>
      %dma_wait3A_507 = tpu.memref_squeeze %dma_wait3A_506 : memref<1x128xi32, #tpu.memory_space<hbm>> -> memref<128xi32, #tpu.memory_space<hbm>>
      tpu.wait_dma2 semaphore(%dma_wait3A_501 : memref<!tpu.dma_semaphore, #tpu.memory_space<semaphore_mem>>) src(%dma_wait3A_507 : memref<128xi32, #tpu.memory_space<hbm>>) dst(%dma_wait3A_504 : memref<128xi32, #tpu.memory_space<vmem>>)
      %add3A_508 = arith.addi %mul3A_2, %add3A_470 : i32
      %dma_wait3A_509 = arith.constant 3 : i32
      %dma_wait3A_510 = arith.constant 3 : i32
      %dma_wait3A_511 = arith.constant 0 : i32
      %dma_wait3A_512 = tpu.memref_slice %arg8[%dma_wait3A_509, %dma_wait3A_511] : memref<4x128xi32, #tpu.memory_space<vmem>> -> memref<1x128xi32, #tpu.memory_space<vmem>>
      %dma_wait3A_513 = tpu.memref_squeeze %dma_wait3A_512 : memref<1x128xi32, #tpu.memory_space<vmem>> -> memref<128xi32, #tpu.memory_space<vmem>>
      %dma_wait3A_514 = arith.constant 0 : i32
      %dma_wait3A_515 = tpu.memref_slice %arg4[%add3A_508, %dma_wait3A_514] : memref<2560x128xi32, #tpu.memory_space<hbm>> -> memref<1x128xi32, #tpu.memory_space<hbm>>
      %dma_wait3A_516 = tpu.memref_squeeze %dma_wait3A_515 : memref<1x128xi32, #tpu.memory_space<hbm>> -> memref<128xi32, #tpu.memory_space<hbm>>
      %dma_wait3A_517 = tpu.memref_slice %arg13[%dma_wait3A_510] : memref<4x!tpu.dma_semaphore, #tpu.memory_space<semaphore_mem>> -> memref<1x!tpu.dma_semaphore, #tpu.memory_space<semaphore_mem>>
      %dma_wait3A_518 = tpu.memref_squeeze %dma_wait3A_517 : memref<1x!tpu.dma_semaphore, #tpu.memory_space<semaphore_mem>> -> memref<!tpu.dma_semaphore, #tpu.memory_space<semaphore_mem>>
      %dma_wait3A_519 = arith.constant 0 : i32
      %dma_wait3A_520 = tpu.memref_slice %arg8[%dma_wait3A_509, %dma_wait3A_519] : memref<4x128xi32, #tpu.memory_space<vmem>> -> memref<1x128xi32, #tpu.memory_space<vmem>>
      %dma_wait3A_521 = tpu.memref_squeeze %dma_wait3A_520 : memref<1x128xi32, #tpu.memory_space<vmem>> -> memref<128xi32, #tpu.memory_space<vmem>>
      %dma_wait3A_522 = arith.constant 0 : i32
      %dma_wait3A_523 = tpu.memref_slice %arg4[%add3A_508, %dma_wait3A_522] : memref<2560x128xi32, #tpu.memory_space<hbm>> -> memref<1x128xi32, #tpu.memory_space<hbm>>
      %dma_wait3A_524 = tpu.memref_squeeze %dma_wait3A_523 : memref<1x128xi32, #tpu.memory_space<hbm>> -> memref<128xi32, #tpu.memory_space<hbm>>
      tpu.wait_dma2 semaphore(%dma_wait3A_518 : memref<!tpu.dma_semaphore, #tpu.memory_space<semaphore_mem>>) src(%dma_wait3A_524 : memref<128xi32, #tpu.memory_space<hbm>>) dst(%dma_wait3A_521 : memref<128xi32, #tpu.memory_space<vmem>>)
      %dma_start3A_525 = arith.constant 3 : i32
      %dma_start3A_526 = arith.constant 1 : i32
      %dma_start3A_527 = arith.constant 1 : i32
      %dma_start3A_528 = arith.constant 0 : i32
      %dma_start3A_529 = arith.constant 0 : i32
      %dma_start3A_530 = tpu.memref_slice %arg9[%dma_start3A_526, %dma_start3A_528, %dma_start3A_529] : memref<2x128x128xf32, #tpu.memory_space<vmem>> -> memref<1x128x128xf32, #tpu.memory_space<vmem>>
      %dma_start3A_531 = tpu.memref_squeeze %dma_start3A_530 : memref<1x128x128xf32, #tpu.memory_space<vmem>> -> memref<128x128xf32, #tpu.memory_space<vmem>>
      %dma_start3A_532 = arith.constant 0 : i32
      %dma_start3A_533 = tpu.memref_slice %arg7[%dma_start3A_525, %dma_start3A_532] : memref<4x128xi32, #tpu.memory_space<vmem>> -> memref<1x128xi32, #tpu.memory_space<vmem>>
      %dma_start3A_534 = tpu.memref_squeeze %dma_start3A_533 : memref<1x128xi32, #tpu.memory_space<vmem>> -> memref<128xi32, #tpu.memory_space<vmem>>
      %dma_start3A_535 = arith.constant 0 : i32
      %dma_start3A_536 = arith.constant 0 : i32
      %dma_start3A_537 = tpu.memref_slice %arg2[%dma_start3A_535, %dma_start3A_536] : memref<10000x128xf32, #tpu.memory_space<hbm>> -> memref<10000x128xf32, #tpu.memory_space<hbm>>
      %dma_start3A_538 = tpu.memref_slice %arg11[%dma_start3A_527] : memref<2x!tpu.dma_semaphore, #tpu.memory_space<semaphore_mem>> -> memref<1x!tpu.dma_semaphore, #tpu.memory_space<semaphore_mem>>
      %dma_start3A_539 = tpu.memref_squeeze %dma_start3A_538 : memref<1x!tpu.dma_semaphore, #tpu.memory_space<semaphore_mem>> -> memref<!tpu.dma_semaphore, #tpu.memory_space<semaphore_mem>>
      tpu.enqueue_indirect_dma source(%dma_start3A_537 : memref<10000x128xf32, #tpu.memory_space<hbm>>) target(%dma_start3A_531 : memref<128x128xf32, #tpu.memory_space<vmem>>) offsets(%dma_start3A_534 : memref<128xi32, #tpu.memory_space<vmem>>) semaphore(%dma_start3A_539 : memref<!tpu.dma_semaphore, #tpu.memory_space<semaphore_mem>>)
      %dma_wait3A_540 = arith.constant 3 : i32
      %dma_wait3A_541 = arith.constant 1 : i32
      %dma_wait3A_542 = arith.constant 1 : i32
      %dma_wait3A_543 = arith.constant 0 : i32
      %dma_wait3A_544 = arith.constant 0 : i32
      %dma_wait3A_545 = tpu.memref_slice %arg9[%dma_wait3A_541, %dma_wait3A_543, %dma_wait3A_544] : memref<2x128x128xf32, #tpu.memory_space<vmem>> -> memref<1x128x128xf32, #tpu.memory_space<vmem>>
      %dma_wait3A_546 = tpu.memref_squeeze %dma_wait3A_545 : memref<1x128x128xf32, #tpu.memory_space<vmem>> -> memref<128x128xf32, #tpu.memory_space<vmem>>
      %dma_wait3A_547 = arith.constant 0 : i32
      %dma_wait3A_548 = tpu.memref_slice %arg7[%dma_wait3A_540, %dma_wait3A_547] : memref<4x128xi32, #tpu.memory_space<vmem>> -> memref<1x128xi32, #tpu.memory_space<vmem>>
      %dma_wait3A_549 = tpu.memref_squeeze %dma_wait3A_548 : memref<1x128xi32, #tpu.memory_space<vmem>> -> memref<128xi32, #tpu.memory_space<vmem>>
      %dma_wait3A_550 = arith.constant 0 : i32
      %dma_wait3A_551 = arith.constant 0 : i32
      %dma_wait3A_552 = tpu.memref_slice %arg2[%dma_wait3A_550, %dma_wait3A_551] : memref<10000x128xf32, #tpu.memory_space<hbm>> -> memref<10000x128xf32, #tpu.memory_space<hbm>>
      %dma_wait3A_553 = tpu.memref_slice %arg11[%dma_wait3A_542] : memref<2x!tpu.dma_semaphore, #tpu.memory_space<semaphore_mem>> -> memref<1x!tpu.dma_semaphore, #tpu.memory_space<semaphore_mem>>
      %dma_wait3A_554 = tpu.memref_squeeze %dma_wait3A_553 : memref<1x!tpu.dma_semaphore, #tpu.memory_space<semaphore_mem>> -> memref<!tpu.dma_semaphore, #tpu.memory_space<semaphore_mem>>
      tpu.wait_indirect_dma semaphore(%dma_wait3A_554 : memref<!tpu.dma_semaphore, #tpu.memory_space<semaphore_mem>>) src(%dma_wait3A_552 : memref<10000x128xf32, #tpu.memory_space<hbm>>) dst(%dma_wait3A_546 : memref<128x128xf32, #tpu.memory_space<vmem>>)
      %dma_start3A_555 = arith.constant 1 : i32
      %dma_start3A_556 = arith.constant 3 : i32
      %dma_start3A_557 = arith.constant 1 : i32
      %dma_start3A_558 = arith.constant 0 : i32
      %dma_start3A_559 = arith.constant 0 : i32
      %dma_start3A_560 = tpu.memref_slice %arg9[%dma_start3A_555, %dma_start3A_558, %dma_start3A_559] : memref<2x128x128xf32, #tpu.memory_space<vmem>> -> memref<1x128x128xf32, #tpu.memory_space<vmem>>
      %dma_start3A_561 = tpu.memref_squeeze %dma_start3A_560 : memref<1x128x128xf32, #tpu.memory_space<vmem>> -> memref<128x128xf32, #tpu.memory_space<vmem>>
      %dma_start3A_562 = arith.constant 0 : i32
      %dma_start3A_563 = tpu.memref_slice %arg8[%dma_start3A_556, %dma_start3A_562] : memref<4x128xi32, #tpu.memory_space<vmem>> -> memref<1x128xi32, #tpu.memory_space<vmem>>
      %dma_start3A_564 = tpu.memref_squeeze %dma_start3A_563 : memref<1x128xi32, #tpu.memory_space<vmem>> -> memref<128xi32, #tpu.memory_space<vmem>>
      %dma_start3A_565 = arith.constant 0 : i32
      %dma_start3A_566 = arith.constant 0 : i32
      %dma_start3A_567 = tpu.memref_slice %arg10[%dma_start3A_565, %dma_start3A_566] : memref<10112x128xf32, #tpu.memory_space<vmem_shared>> -> memref<10112x128xf32, #tpu.memory_space<vmem_shared>>
      %dma_start3A_568 = tpu.memref_slice %arg12[%dma_start3A_557] : memref<2x!tpu.dma_semaphore, #tpu.memory_space<semaphore_mem>> -> memref<1x!tpu.dma_semaphore, #tpu.memory_space<semaphore_mem>>
      %dma_start3A_569 = tpu.memref_squeeze %dma_start3A_568 : memref<1x!tpu.dma_semaphore, #tpu.memory_space<semaphore_mem>> -> memref<!tpu.dma_semaphore, #tpu.memory_space<semaphore_mem>>
      tpu.enqueue_indirect_dma source(%dma_start3A_561 : memref<128x128xf32, #tpu.memory_space<vmem>>) target(%dma_start3A_567 : memref<10112x128xf32, #tpu.memory_space<vmem_shared>>) offsets(%dma_start3A_564 : memref<128xi32, #tpu.memory_space<vmem>>) semaphore(%dma_start3A_569 : memref<!tpu.dma_semaphore, #tpu.memory_space<semaphore_mem>>) {add = true}
    }
    %scan3A_80 = arith.constant 20 : i32
    %dma_wait3A = arith.constant 0 : i32
    %dma_wait3A_81 = arith.constant 2 : i32
    %dma_wait3A_82 = arith.constant 0 : i32
    %dma_wait3A_83 = arith.constant 0 : i32
    %dma_wait3A_84 = arith.constant 0 : i32
    %dma_wait3A_85 = tpu.memref_slice %arg9[%dma_wait3A, %dma_wait3A_83, %dma_wait3A_84] : memref<2x128x128xf32, #tpu.memory_space<vmem>> -> memref<1x128x128xf32, #tpu.memory_space<vmem>>
    %dma_wait3A_86 = tpu.memref_squeeze %dma_wait3A_85 : memref<1x128x128xf32, #tpu.memory_space<vmem>> -> memref<128x128xf32, #tpu.memory_space<vmem>>
    %dma_wait3A_87 = arith.constant 0 : i32
    %dma_wait3A_88 = tpu.memref_slice %arg8[%dma_wait3A_81, %dma_wait3A_87] : memref<4x128xi32, #tpu.memory_space<vmem>> -> memref<1x128xi32, #tpu.memory_space<vmem>>
    %dma_wait3A_89 = tpu.memref_squeeze %dma_wait3A_88 : memref<1x128xi32, #tpu.memory_space<vmem>> -> memref<128xi32, #tpu.memory_space<vmem>>
    %dma_wait3A_90 = arith.constant 0 : i32
    %dma_wait3A_91 = arith.constant 0 : i32
    %dma_wait3A_92 = tpu.memref_slice %arg10[%dma_wait3A_90, %dma_wait3A_91] : memref<10112x128xf32, #tpu.memory_space<vmem_shared>> -> memref<10112x128xf32, #tpu.memory_space<vmem_shared>>
    %dma_wait3A_93 = tpu.memref_slice %arg12[%dma_wait3A_82] : memref<2x!tpu.dma_semaphore, #tpu.memory_space<semaphore_mem>> -> memref<1x!tpu.dma_semaphore, #tpu.memory_space<semaphore_mem>>
    %dma_wait3A_94 = tpu.memref_squeeze %dma_wait3A_93 : memref<1x!tpu.dma_semaphore, #tpu.memory_space<semaphore_mem>> -> memref<!tpu.dma_semaphore, #tpu.memory_space<semaphore_mem>>
    tpu.wait_indirect_dma semaphore(%dma_wait3A_94 : memref<!tpu.dma_semaphore, #tpu.memory_space<semaphore_mem>>) src(%dma_wait3A_86 : memref<128x128xf32, #tpu.memory_space<vmem>>) dst(%dma_wait3A_92 : memref<10112x128xf32, #tpu.memory_space<vmem_shared>>)
    %dma_wait3A_95 = arith.constant 1 : i32
    %dma_wait3A_96 = arith.constant 3 : i32
    %dma_wait3A_97 = arith.constant 1 : i32
    %dma_wait3A_98 = arith.constant 0 : i32
    %dma_wait3A_99 = arith.constant 0 : i32
    %dma_wait3A_100 = tpu.memref_slice %arg9[%dma_wait3A_95, %dma_wait3A_98, %dma_wait3A_99] : memref<2x128x128xf32, #tpu.memory_space<vmem>> -> memref<1x128x128xf32, #tpu.memory_space<vmem>>
    %dma_wait3A_101 = tpu.memref_squeeze %dma_wait3A_100 : memref<1x128x128xf32, #tpu.memory_space<vmem>> -> memref<128x128xf32, #tpu.memory_space<vmem>>
    %dma_wait3A_102 = arith.constant 0 : i32
    %dma_wait3A_103 = tpu.memref_slice %arg8[%dma_wait3A_96, %dma_wait3A_102] : memref<4x128xi32, #tpu.memory_space<vmem>> -> memref<1x128xi32, #tpu.memory_space<vmem>>
    %dma_wait3A_104 = tpu.memref_squeeze %dma_wait3A_103 : memref<1x128xi32, #tpu.memory_space<vmem>> -> memref<128xi32, #tpu.memory_space<vmem>>
    %dma_wait3A_105 = arith.constant 0 : i32
    %dma_wait3A_106 = arith.constant 0 : i32
    %dma_wait3A_107 = tpu.memref_slice %arg10[%dma_wait3A_105, %dma_wait3A_106] : memref<10112x128xf32, #tpu.memory_space<vmem_shared>> -> memref<10112x128xf32, #tpu.memory_space<vmem_shared>>
    %dma_wait3A_108 = tpu.memref_slice %arg12[%dma_wait3A_97] : memref<2x!tpu.dma_semaphore, #tpu.memory_space<semaphore_mem>> -> memref<1x!tpu.dma_semaphore, #tpu.memory_space<semaphore_mem>>
    %dma_wait3A_109 = tpu.memref_squeeze %dma_wait3A_108 : memref<1x!tpu.dma_semaphore, #tpu.memory_space<semaphore_mem>> -> memref<!tpu.dma_semaphore, #tpu.memory_space<semaphore_mem>>
    tpu.wait_indirect_dma semaphore(%dma_wait3A_109 : memref<!tpu.dma_semaphore, #tpu.memory_space<semaphore_mem>>) src(%dma_wait3A_101 : memref<128x128xf32, #tpu.memory_space<vmem>>) dst(%dma_wait3A_107 : memref<10112x128xf32, #tpu.memory_space<vmem_shared>>)
    %barrier3A_110 = arith.constant 0 : index
    tpu.barrier barrier_id(%barrier3A_110)
    %mul3A_111 = arith.constant 632 : i32
    %mul3A_112 = arith.muli %arg1, %mul3A_111 : i32
    %mul3A_113 = arith.constant 632 : i32
    %mul3A_114 = arith.muli %arg1, %mul3A_113 : i32
    "tpu.region"() ({
      %run_scoped3A = tpu.sem_alloc : memref<!tpu.dma_semaphore, #tpu.memory_space<semaphore_mem>>
      %dma_start3A_115 = arith.constant 0 : i32
      %dma_start3A_116 = arith.constant 0 : i32
      %dma_start3A_117 = tpu.memref_slice %arg6[%arg0, %dma_start3A_115, %dma_start3A_116] : memref<2x10112x128xf32, #tpu.memory_space<hbm>> -> memref<1x10112x128xf32, #tpu.memory_space<hbm>>
      %dma_start3A_118 = tpu.memref_squeeze %dma_start3A_117 : memref<1x10112x128xf32, #tpu.memory_space<hbm>> -> memref<10112x128xf32, #tpu.memory_space<hbm>>
      %dma_start3A_119 = arith.constant 0 : i32
      %dma_start3A_120 = tpu.memref_slice %dma_start3A_118[%mul3A_114, %dma_start3A_119] : memref<10112x128xf32, #tpu.memory_space<hbm>> -> memref<632x128xf32, #tpu.memory_space<hbm>>
      %dma_start3A_121 = arith.constant 0 : i32
      %dma_start3A_122 = tpu.memref_slice %arg10[%mul3A_112, %dma_start3A_121] : memref<10112x128xf32, #tpu.memory_space<vmem_shared>> -> memref<632x128xf32, #tpu.memory_space<vmem_shared>>
      tpu.enqueue_dma source(%dma_start3A_122 : memref<632x128xf32, #tpu.memory_space<vmem_shared>>) target(%dma_start3A_120 : memref<632x128xf32, #tpu.memory_space<hbm>>) target_semaphore(%run_scoped3A : memref<!tpu.dma_semaphore, #tpu.memory_space<semaphore_mem>>)
      %dma_wait3A_123 = arith.constant 0 : i32
      %dma_wait3A_124 = arith.constant 0 : i32
      %dma_wait3A_125 = tpu.memref_slice %arg6[%arg0, %dma_wait3A_123, %dma_wait3A_124] : memref<2x10112x128xf32, #tpu.memory_space<hbm>> -> memref<1x10112x128xf32, #tpu.memory_space<hbm>>
      %dma_wait3A_126 = tpu.memref_squeeze %dma_wait3A_125 : memref<1x10112x128xf32, #tpu.memory_space<hbm>> -> memref<10112x128xf32, #tpu.memory_space<hbm>>
      %dma_wait3A_127 = arith.constant 0 : i32
      %dma_wait3A_128 = tpu.memref_slice %dma_wait3A_126[%mul3A_114, %dma_wait3A_127] : memref<10112x128xf32, #tpu.memory_space<hbm>> -> memref<632x128xf32, #tpu.memory_space<hbm>>
      %dma_wait3A_129 = arith.constant 0 : i32
      %dma_wait3A_130 = tpu.memref_slice %arg10[%mul3A_112, %dma_wait3A_129] : memref<10112x128xf32, #tpu.memory_space<vmem_shared>> -> memref<632x128xf32, #tpu.memory_space<vmem_shared>>
      tpu.wait_dma2 semaphore(%run_scoped3A : memref<!tpu.dma_semaphore, #tpu.memory_space<semaphore_mem>>) src(%dma_wait3A_130 : memref<632x128xf32, #tpu.memory_space<vmem_shared>>) dst(%dma_wait3A_128 : memref<632x128xf32, #tpu.memory_space<hbm>>)
      tpu.yield
    }) : () -> ()
    return
  }
}

module attributes {stable_mosaic.version = 14 : i64} {
  func.func @_a1_body(%arg0: i32, %arg1: memref<1000x128xf32, #tpu.memory_space<vmem>>, %arg2: memref<128x128xf32, #tpu.memory_space<vmem>>, %arg3: memref<1000x16xf32, #tpu.memory_space<vmem>>, %arg4: memref<1000x16xf32, #tpu.memory_space<vmem>>, %arg5: memref<1000x128xf32, #tpu.memory_space<vmem>>) attributes {dimension_semantics = [#tpu.dimension_semantics<arbitrary>], iteration_bounds = array<i64: 10>, scalar_prefetch = 0 : i64, scratch_operands = 0 : i64, tpu.core_type = #tpu.core_type<tc>, window_params = [{transform_indices = @transform_0, window_bounds = array<i64: 1000, 128>}, {pipeline_mode = #tpu.pipeline_mode<synchronous>, transform_indices = @transform_1, window_bounds = array<i64: 128, 128>}, {transform_indices = @transform_2, window_bounds = array<i64: 1000, 16>}, {transform_indices = @transform_3, window_bounds = array<i64: 1000, 16>}, {transform_indices = @transform_4, window_bounds = array<i64: 1000, 128>}]} {
    %get3A = arith.constant 0 : index
    %get3A_0 = arith.constant 0 : index
    %get3A_1 = vector.load %arg1[%get3A, %get3A_0] : memref<1000x128xf32, #tpu.memory_space<vmem>>, vector<1000x128xf32>
    %get3A_2 = arith.constant 0 : index
    %get3A_3 = arith.constant 0 : index
    %get3A_4 = vector.load %arg2[%get3A_2, %get3A_3] : memref<128x128xf32, #tpu.memory_space<vmem>>, vector<128x128xf32>
    %dot_general3A = arith.constant dense<0.000000e+00> : vector<1000x128xf32>
    %dot_general3A_5 = tpu.matmul %get3A_1, %get3A_4, %dot_general3A {dimension_numbers = #tpu.dot_dimension_numbers<[1], [0], [0], [1], [0, 0, 1, 1], [], []>, transpose_lhs_hint = false} : vector<1000x128xf32>, vector<128x128xf32>, vector<1000x128xf32> -> vector<1000x128xf32>
    %get3A_6 = arith.constant 0 : index
    %get3A_7 = arith.constant 0 : index
    %get3A_8 = vector.load %arg3[%get3A_6, %get3A_7] : memref<1000x16xf32, #tpu.memory_space<vmem>>, vector<1000x1xf32>
    %get3A_9 = arith.constant 0 : index
    %get3A_10 = arith.constant 0 : index
    %get3A_11 = vector.load %arg4[%get3A_9, %get3A_10] : memref<1000x16xf32, #tpu.memory_space<vmem>>, vector<1000x1xf32>
    %add3A = arith.addf %get3A_8, %get3A_11 : vector<1000x1xf32>
    %add3A_12 = arith.constant 1.000000e+00 : f32
    %add3A_13 = vector.broadcast %add3A_12 : f32 to vector<1000x1xf32>
    %add3A_14 = arith.addf %add3A, %add3A_13 : vector<1000x1xf32>
    %rsqrt3A = math.rsqrt %add3A_14 : vector<1000x1xf32>
    %mul3A = vector.broadcast %rsqrt3A : vector<1000x1xf32> to vector<1000x128xf32>
    %mul3A_15 = arith.mulf %dot_general3A_5, %mul3A : vector<1000x128xf32>
    %swap3A = arith.constant 0 : index
    %swap3A_16 = arith.constant 0 : index
    %swap3A_17 = vector.load %arg5[%swap3A, %swap3A_16] : memref<1000x128xf32, #tpu.memory_space<vmem>>, vector<1000x128xf32>
    tpu.vector_store %arg5[%swap3A, %swap3A_16], %mul3A_15 {strides = array<i32>} : memref<1000x128xf32, #tpu.memory_space<vmem>>, vector<1000x128xf32>,
    return
  }
  func.func @transform_0(%arg0: i32) -> (i32, i32) {
    %c0_i32 = arith.constant 0 : i32
    %c0_i32_0 = arith.constant 0 : i32
    return %arg0, %c0_i32 : i32, i32
  }
  func.func @transform_1(%arg0: i32) -> (i32, i32) {
    %c0_i32 = arith.constant 0 : i32
    %c0_i32_0 = arith.constant 0 : i32
    %c0_i32_1 = arith.constant 0 : i32
    return %c0_i32, %c0_i32_0 : i32, i32
  }
  func.func @transform_2(%arg0: i32) -> (i32, i32) {
    %c0_i32 = arith.constant 0 : i32
    %c0_i32_0 = arith.constant 0 : i32
    return %arg0, %c0_i32 : i32, i32
  }
  func.func @transform_3(%arg0: i32) -> (i32, i32) {
    %c0_i32 = arith.constant 0 : i32
    %c0_i32_0 = arith.constant 0 : i32
    return %arg0, %c0_i32 : i32, i32
  }
  func.func @transform_4(%arg0: i32) -> (i32, i32) {
    %c0_i32 = arith.constant 0 : i32
    %c0_i32_0 = arith.constant 0 : i32
    return %arg0, %c0_i32 : i32, i32
  }
}

module attributes {stable_mosaic.version = 14 : i64} {
  func.func @_b1a2_body(%arg0: i32, %arg1: memref<1000x128xf32, #tpu.memory_space<vmem>>, %arg2: memref<1000x128xf32, #tpu.memory_space<vmem>>, %arg3: memref<1000x128xf32, #tpu.memory_space<vmem>>, %arg4: memref<1000x16xf32, #tpu.memory_space<vmem>>, %arg5: memref<1000x16xf32, #tpu.memory_space<vmem>>, %arg6: memref<1x128xf32, #tpu.memory_space<vmem>>, %arg7: memref<1x128xf32, #tpu.memory_space<vmem>>, %arg8: memref<1x128xf32, #tpu.memory_space<vmem>>, %arg9: memref<1x128xf32, #tpu.memory_space<vmem>>, %arg10: memref<1x128xf32, #tpu.memory_space<vmem>>, %arg11: memref<128x128xf32, #tpu.memory_space<vmem>>, %arg12: memref<1000x128xf32, #tpu.memory_space<vmem>>) attributes {dimension_semantics = [#tpu.dimension_semantics<arbitrary>], iteration_bounds = array<i64: 10>, scalar_prefetch = 0 : i64, scratch_operands = 0 : i64, tpu.core_type = #tpu.core_type<tc>, window_params = [{transform_indices = @transform_0, window_bounds = array<i64: 1000, 128>}, {transform_indices = @transform_1, window_bounds = array<i64: 1000, 128>}, {transform_indices = @transform_2, window_bounds = array<i64: 1000, 128>}, {transform_indices = @transform_3, window_bounds = array<i64: 1000, 16>}, {transform_indices = @transform_4, window_bounds = array<i64: 1000, 16>}, {pipeline_mode = #tpu.pipeline_mode<synchronous>, transform_indices = @transform_5, window_bounds = array<i64: 1, 128>}, {pipeline_mode = #tpu.pipeline_mode<synchronous>, transform_indices = @transform_6, window_bounds = array<i64: 1, 128>}, {pipeline_mode = #tpu.pipeline_mode<synchronous>, transform_indices = @transform_7, window_bounds = array<i64: 1, 128>}, {pipeline_mode = #tpu.pipeline_mode<synchronous>, transform_indices = @transform_8, window_bounds = array<i64: 1, 128>}, {pipeline_mode = #tpu.pipeline_mode<synchronous>, transform_indices = @transform_9, window_bounds = array<i64: 1, 128>}, {pipeline_mode = #tpu.pipeline_mode<synchronous>, transform_indices = @transform_10, window_bounds = array<i64: 128, 128>}, {transform_indices = @transform_11, window_bounds = array<i64: 1000, 128>}]} {
    %get3A = arith.constant 0 : index
    %get3A_0 = arith.constant 0 : index
    %get3A_1 = vector.load %arg4[%get3A, %get3A_0] : memref<1000x16xf32, #tpu.memory_space<vmem>>, vector<1000x1xf32>
    %get3A_2 = arith.constant 0 : index
    %get3A_3 = arith.constant 0 : index
    %get3A_4 = vector.load %arg5[%get3A_2, %get3A_3] : memref<1000x16xf32, #tpu.memory_space<vmem>>, vector<1000x1xf32>
    %add3A = arith.addf %get3A_1, %get3A_4 : vector<1000x1xf32>
    %add3A_5 = arith.constant 1.000000e+00 : f32
    %add3A_6 = vector.broadcast %add3A_5 : f32 to vector<1000x1xf32>
    %add3A_7 = arith.addf %add3A, %add3A_6 : vector<1000x1xf32>
    %rsqrt3A = math.rsqrt %add3A_7 : vector<1000x1xf32>
    %get3A_8 = arith.constant 0 : index
    %get3A_9 = arith.constant 0 : index
    %get3A_10 = vector.load %arg1[%get3A_8, %get3A_9] : memref<1000x128xf32, #tpu.memory_space<vmem>>, vector<1000x128xf32>
    %get3A_11 = arith.constant 0 : index
    %get3A_12 = arith.constant 0 : index
    %get3A_13 = vector.load %arg2[%get3A_11, %get3A_12] : memref<1000x128xf32, #tpu.memory_space<vmem>>, vector<1000x128xf32>
    %add3A_14 = arith.addf %get3A_10, %get3A_13 : vector<1000x128xf32>
    %get3A_15 = arith.constant 0 : index
    %get3A_16 = arith.constant 0 : index
    %get3A_17 = vector.load %arg3[%get3A_15, %get3A_16] : memref<1000x128xf32, #tpu.memory_space<vmem>>, vector<1000x128xf32>
    %add3A_18 = arith.addf %add3A_14, %get3A_17 : vector<1000x128xf32>
    %mul3A = vector.broadcast %rsqrt3A : vector<1000x1xf32> to vector<1000x128xf32>
    %mul3A_19 = arith.mulf %add3A_18, %mul3A : vector<1000x128xf32>
    %get3A_20 = arith.constant 0 : index
    %get3A_21 = arith.constant 0 : index
    %get3A_22 = vector.load %arg6[%get3A_20, %get3A_21] : memref<1x128xf32, #tpu.memory_space<vmem>>, vector<1x128xf32>
    %add3A_23 = vector.broadcast %get3A_22 : vector<1x128xf32> to vector<1000x128xf32>
    %add3A_24 = arith.addf %mul3A_19, %add3A_23 : vector<1000x128xf32>
    %get3A_25 = arith.constant 0 : index
    %get3A_26 = arith.constant 0 : index
    %get3A_27 = vector.load %arg9[%get3A_25, %get3A_26] : memref<1x128xf32, #tpu.memory_space<vmem>>, vector<1x128xf32>
    %sub3A = vector.broadcast %get3A_27 : vector<1x128xf32> to vector<1000x128xf32>
    %sub3A_28 = arith.subf %add3A_24, %sub3A : vector<1000x128xf32>
    %get3A_29 = arith.constant 0 : index
    %get3A_30 = arith.constant 0 : index
    %get3A_31 = vector.load %arg10[%get3A_29, %get3A_30] : memref<1x128xf32, #tpu.memory_space<vmem>>, vector<1x128xf32>
    %add3A_32 = arith.constant 9.99999974E-6 : f32
    %add3A_33 = vector.broadcast %add3A_32 : f32 to vector<1x128xf32>
    %add3A_34 = arith.addf %get3A_31, %add3A_33 : vector<1x128xf32>
    %rsqrt3A_35 = math.rsqrt %add3A_34 : vector<1x128xf32>
    %mul3A_36 = vector.broadcast %rsqrt3A_35 : vector<1x128xf32> to vector<1000x128xf32>
    %mul3A_37 = arith.mulf %sub3A_28, %mul3A_36 : vector<1000x128xf32>
    %get3A_38 = arith.constant 0 : index
    %get3A_39 = arith.constant 0 : index
    %get3A_40 = vector.load %arg7[%get3A_38, %get3A_39] : memref<1x128xf32, #tpu.memory_space<vmem>>, vector<1x128xf32>
    %mul3A_41 = vector.broadcast %get3A_40 : vector<1x128xf32> to vector<1000x128xf32>
    %mul3A_42 = arith.mulf %mul3A_37, %mul3A_41 : vector<1000x128xf32>
    %get3A_43 = arith.constant 0 : index
    %get3A_44 = arith.constant 0 : index
    %get3A_45 = vector.load %arg8[%get3A_43, %get3A_44] : memref<1x128xf32, #tpu.memory_space<vmem>>, vector<1x128xf32>
    %add3A_46 = vector.broadcast %get3A_45 : vector<1x128xf32> to vector<1000x128xf32>
    %add3A_47 = arith.addf %mul3A_42, %add3A_46 : vector<1000x128xf32>
    %max3A = arith.constant 0.000000e+00 : f32
    %max3A_48 = vector.broadcast %max3A : f32 to vector<1000x128xf32>
    %max3A_49 = arith.maximumf %add3A_47, %max3A_48 : vector<1000x128xf32>
    %get3A_50 = arith.constant 0 : index
    %get3A_51 = arith.constant 0 : index
    %get3A_52 = vector.load %arg11[%get3A_50, %get3A_51] : memref<128x128xf32, #tpu.memory_space<vmem>>, vector<128x128xf32>
    %dot_general3A = arith.constant dense<0.000000e+00> : vector<1000x128xf32>
    %dot_general3A_53 = tpu.matmul %max3A_49, %get3A_52, %dot_general3A {dimension_numbers = #tpu.dot_dimension_numbers<[1], [0], [0], [1], [0, 0, 1, 1], [], []>, transpose_lhs_hint = false} : vector<1000x128xf32>, vector<128x128xf32>, vector<1000x128xf32> -> vector<1000x128xf32>
    %mul3A_54 = vector.broadcast %rsqrt3A : vector<1000x1xf32> to vector<1000x128xf32>
    %mul3A_55 = arith.mulf %dot_general3A_53, %mul3A_54 : vector<1000x128xf32>
    %swap3A = arith.constant 0 : index
    %swap3A_56 = arith.constant 0 : index
    %swap3A_57 = vector.load %arg12[%swap3A, %swap3A_56] : memref<1000x128xf32, #tpu.memory_space<vmem>>, vector<1000x128xf32>
    tpu.vector_store %arg12[%swap3A, %swap3A_56], %mul3A_55 {strides = array<i32>} : memref<1000x128xf32, #tpu.memory_space<vmem>>, vector<1000x128xf32>,
    return
  }
  func.func @transform_0(%arg0: i32) -> (i32, i32) {
    %c0_i32 = arith.constant 0 : i32
    %c0_i32_0 = arith.constant 0 : i32
    return %arg0, %c0_i32 : i32, i32
  }
  func.func @transform_1(%arg0: i32) -> (i32, i32) {
    %c0_i32 = arith.constant 0 : i32
    %c0_i32_0 = arith.constant 0 : i32
    return %arg0, %c0_i32 : i32, i32
  }
  func.func @transform_2(%arg0: i32) -> (i32, i32) {
    %c0_i32 = arith.constant 0 : i32
    %c0_i32_0 = arith.constant 0 : i32
    return %arg0, %c0_i32 : i32, i32
  }
  func.func @transform_3(%arg0: i32) -> (i32, i32) {
    %c0_i32 = arith.constant 0 : i32
    %c0_i32_0 = arith.constant 0 : i32
    return %arg0, %c0_i32 : i32, i32
  }
  func.func @transform_4(%arg0: i32) -> (i32, i32) {
    %c0_i32 = arith.constant 0 : i32
    %c0_i32_0 = arith.constant 0 : i32
    return %arg0, %c0_i32 : i32, i32
  }
  func.func @transform_5(%arg0: i32) -> (i32, i32) {
    %c0_i32 = arith.constant 0 : i32
    %c0_i32_0 = arith.constant 0 : i32
    %c0_i32_1 = arith.constant 0 : i32
    return %c0_i32, %c0_i32_0 : i32, i32
  }
  func.func @transform_6(%arg0: i32) -> (i32, i32) {
    %c0_i32 = arith.constant 0 : i32
    %c0_i32_0 = arith.constant 0 : i32
    %c0_i32_1 = arith.constant 0 : i32
    return %c0_i32, %c0_i32_0 : i32, i32
  }
  func.func @transform_7(%arg0: i32) -> (i32, i32) {
    %c0_i32 = arith.constant 0 : i32
    %c0_i32_0 = arith.constant 0 : i32
    %c0_i32_1 = arith.constant 0 : i32
    return %c0_i32, %c0_i32_0 : i32, i32
  }
  func.func @transform_8(%arg0: i32) -> (i32, i32) {
    %c0_i32 = arith.constant 0 : i32
    %c0_i32_0 = arith.constant 0 : i32
    %c0_i32_1 = arith.constant 0 : i32
    return %c0_i32, %c0_i32_0 : i32, i32
  }
  func.func @transform_9(%arg0: i32) -> (i32, i32) {
    %c0_i32 = arith.constant 0 : i32
    %c0_i32_0 = arith.constant 0 : i32
    %c0_i32_1 = arith.constant 0 : i32
    return %c0_i32, %c0_i32_0 : i32, i32
  }
  func.func @transform_10(%arg0: i32) -> (i32, i32) {
    %c0_i32 = arith.constant 0 : i32
    %c0_i32_0 = arith.constant 0 : i32
    %c0_i32_1 = arith.constant 0 : i32
    return %c0_i32, %c0_i32_0 : i32, i32
  }
  func.func @transform_11(%arg0: i32) -> (i32, i32) {
    %c0_i32 = arith.constant 0 : i32
    %c0_i32_0 = arith.constant 0 : i32
    return %arg0, %c0_i32 : i32, i32
  }
}

module attributes {stable_mosaic.version = 14 : i64} {
  func.func @_b2fc_body(%arg0: i32, %arg1: memref<1000x128xf32, #tpu.memory_space<vmem>>, %arg2: memref<1000x128xf32, #tpu.memory_space<vmem>>, %arg3: memref<1000x128xf32, #tpu.memory_space<vmem>>, %arg4: memref<1000x16xf32, #tpu.memory_space<vmem>>, %arg5: memref<1000x16xf32, #tpu.memory_space<vmem>>, %arg6: memref<1x128xf32, #tpu.memory_space<vmem>>, %arg7: memref<1x128xf32, #tpu.memory_space<vmem>>, %arg8: memref<1x128xf32, #tpu.memory_space<vmem>>, %arg9: memref<1x128xf32, #tpu.memory_space<vmem>>, %arg10: memref<1x128xf32, #tpu.memory_space<vmem>>, %arg11: memref<128x128xf32, #tpu.memory_space<vmem>>, %arg12: memref<1x128xf32, #tpu.memory_space<vmem>>, %arg13: memref<1000x128xf32, #tpu.memory_space<vmem>>) attributes {dimension_semantics = [#tpu.dimension_semantics<arbitrary>], iteration_bounds = array<i64: 10>, scalar_prefetch = 0 : i64, scratch_operands = 0 : i64, tpu.core_type = #tpu.core_type<tc>, window_params = [{transform_indices = @transform_0, window_bounds = array<i64: 1000, 128>}, {transform_indices = @transform_1, window_bounds = array<i64: 1000, 128>}, {transform_indices = @transform_2, window_bounds = array<i64: 1000, 128>}, {transform_indices = @transform_3, window_bounds = array<i64: 1000, 16>}, {transform_indices = @transform_4, window_bounds = array<i64: 1000, 16>}, {pipeline_mode = #tpu.pipeline_mode<synchronous>, transform_indices = @transform_5, window_bounds = array<i64: 1, 128>}, {pipeline_mode = #tpu.pipeline_mode<synchronous>, transform_indices = @transform_6, window_bounds = array<i64: 1, 128>}, {pipeline_mode = #tpu.pipeline_mode<synchronous>, transform_indices = @transform_7, window_bounds = array<i64: 1, 128>}, {pipeline_mode = #tpu.pipeline_mode<synchronous>, transform_indices = @transform_8, window_bounds = array<i64: 1, 128>}, {pipeline_mode = #tpu.pipeline_mode<synchronous>, transform_indices = @transform_9, window_bounds = array<i64: 1, 128>}, {pipeline_mode = #tpu.pipeline_mode<synchronous>, transform_indices = @transform_10, window_bounds = array<i64: 128, 128>}, {pipeline_mode = #tpu.pipeline_mode<synchronous>, transform_indices = @transform_11, window_bounds = array<i64: 1, 128>}, {transform_indices = @transform_12, window_bounds = array<i64: 1000, 128>}]} {
    %get3A = arith.constant 0 : index
    %get3A_0 = arith.constant 0 : index
    %get3A_1 = vector.load %arg4[%get3A, %get3A_0] : memref<1000x16xf32, #tpu.memory_space<vmem>>, vector<1000x1xf32>
    %get3A_2 = arith.constant 0 : index
    %get3A_3 = arith.constant 0 : index
    %get3A_4 = vector.load %arg5[%get3A_2, %get3A_3] : memref<1000x16xf32, #tpu.memory_space<vmem>>, vector<1000x1xf32>
    %add3A = arith.addf %get3A_1, %get3A_4 : vector<1000x1xf32>
    %add3A_5 = arith.constant 1.000000e+00 : f32
    %add3A_6 = vector.broadcast %add3A_5 : f32 to vector<1000x1xf32>
    %add3A_7 = arith.addf %add3A, %add3A_6 : vector<1000x1xf32>
    %rsqrt3A = math.rsqrt %add3A_7 : vector<1000x1xf32>
    %get3A_8 = arith.constant 0 : index
    %get3A_9 = arith.constant 0 : index
    %get3A_10 = vector.load %arg1[%get3A_8, %get3A_9] : memref<1000x128xf32, #tpu.memory_space<vmem>>, vector<1000x128xf32>
    %get3A_11 = arith.constant 0 : index
    %get3A_12 = arith.constant 0 : index
    %get3A_13 = vector.load %arg2[%get3A_11, %get3A_12] : memref<1000x128xf32, #tpu.memory_space<vmem>>, vector<1000x128xf32>
    %add3A_14 = arith.addf %get3A_10, %get3A_13 : vector<1000x128xf32>
    %get3A_15 = arith.constant 0 : index
    %get3A_16 = arith.constant 0 : index
    %get3A_17 = vector.load %arg3[%get3A_15, %get3A_16] : memref<1000x128xf32, #tpu.memory_space<vmem>>, vector<1000x128xf32>
    %add3A_18 = arith.addf %add3A_14, %get3A_17 : vector<1000x128xf32>
    %mul3A = vector.broadcast %rsqrt3A : vector<1000x1xf32> to vector<1000x128xf32>
    %mul3A_19 = arith.mulf %add3A_18, %mul3A : vector<1000x128xf32>
    %get3A_20 = arith.constant 0 : index
    %get3A_21 = arith.constant 0 : index
    %get3A_22 = vector.load %arg6[%get3A_20, %get3A_21] : memref<1x128xf32, #tpu.memory_space<vmem>>, vector<1x128xf32>
    %add3A_23 = vector.broadcast %get3A_22 : vector<1x128xf32> to vector<1000x128xf32>
    %add3A_24 = arith.addf %mul3A_19, %add3A_23 : vector<1000x128xf32>
    %get3A_25 = arith.constant 0 : index
    %get3A_26 = arith.constant 0 : index
    %get3A_27 = vector.load %arg9[%get3A_25, %get3A_26] : memref<1x128xf32, #tpu.memory_space<vmem>>, vector<1x128xf32>
    %sub3A = vector.broadcast %get3A_27 : vector<1x128xf32> to vector<1000x128xf32>
    %sub3A_28 = arith.subf %add3A_24, %sub3A : vector<1000x128xf32>
    %get3A_29 = arith.constant 0 : index
    %get3A_30 = arith.constant 0 : index
    %get3A_31 = vector.load %arg10[%get3A_29, %get3A_30] : memref<1x128xf32, #tpu.memory_space<vmem>>, vector<1x128xf32>
    %add3A_32 = arith.constant 9.99999974E-6 : f32
    %add3A_33 = vector.broadcast %add3A_32 : f32 to vector<1x128xf32>
    %add3A_34 = arith.addf %get3A_31, %add3A_33 : vector<1x128xf32>
    %rsqrt3A_35 = math.rsqrt %add3A_34 : vector<1x128xf32>
    %mul3A_36 = vector.broadcast %rsqrt3A_35 : vector<1x128xf32> to vector<1000x128xf32>
    %mul3A_37 = arith.mulf %sub3A_28, %mul3A_36 : vector<1000x128xf32>
    %get3A_38 = arith.constant 0 : index
    %get3A_39 = arith.constant 0 : index
    %get3A_40 = vector.load %arg7[%get3A_38, %get3A_39] : memref<1x128xf32, #tpu.memory_space<vmem>>, vector<1x128xf32>
    %mul3A_41 = vector.broadcast %get3A_40 : vector<1x128xf32> to vector<1000x128xf32>
    %mul3A_42 = arith.mulf %mul3A_37, %mul3A_41 : vector<1000x128xf32>
    %get3A_43 = arith.constant 0 : index
    %get3A_44 = arith.constant 0 : index
    %get3A_45 = vector.load %arg8[%get3A_43, %get3A_44] : memref<1x128xf32, #tpu.memory_space<vmem>>, vector<1x128xf32>
    %add3A_46 = vector.broadcast %get3A_45 : vector<1x128xf32> to vector<1000x128xf32>
    %add3A_47 = arith.addf %mul3A_42, %add3A_46 : vector<1000x128xf32>
    %max3A = arith.constant 0.000000e+00 : f32
    %max3A_48 = vector.broadcast %max3A : f32 to vector<1000x128xf32>
    %max3A_49 = arith.maximumf %add3A_47, %max3A_48 : vector<1000x128xf32>
    %get3A_50 = arith.constant 0 : index
    %get3A_51 = arith.constant 0 : index
    %get3A_52 = vector.load %arg11[%get3A_50, %get3A_51] : memref<128x128xf32, #tpu.memory_space<vmem>>, vector<128x128xf32>
    %dot_general3A = arith.constant dense<0.000000e+00> : vector<1000x128xf32>
    %dot_general3A_53 = tpu.matmul %max3A_49, %get3A_52, %dot_general3A {dimension_numbers = #tpu.dot_dimension_numbers<[1], [0], [0], [1], [0, 0, 1, 1], [], []>, transpose_lhs_hint = false} : vector<1000x128xf32>, vector<128x128xf32>, vector<1000x128xf32> -> vector<1000x128xf32>
    %get3A_54 = arith.constant 0 : index
    %get3A_55 = arith.constant 0 : index
    %get3A_56 = vector.load %arg12[%get3A_54, %get3A_55] : memref<1x128xf32, #tpu.memory_space<vmem>>, vector<1x128xf32>
    %add3A_57 = vector.broadcast %get3A_56 : vector<1x128xf32> to vector<1000x128xf32>
    %add3A_58 = arith.addf %dot_general3A_53, %add3A_57 : vector<1000x128xf32>
    %iota3A = tpu.iota {dimensions = array<i32: 1>} : vector<1000x128xi32>
    %lt3A = arith.constant 40 : i32
    %lt3A_59 = vector.broadcast %lt3A : i32 to vector<1000x128xi32>
    %lt3A_60 = arith.cmpi slt, %iota3A, %lt3A_59 : vector<1000x128xi32>
    %jit3A = arith.constant -1.000000e+30 : f32
    %broadcast_in_dim3A = vector.broadcast %jit3A : f32 to vector<1000x128xf32>
    %select_n3A = arith.select %lt3A_60, %add3A_58, %broadcast_in_dim3A : vector<1000x128xi1>, vector<1000x128xf32>
    %reduce_max3A = arith.constant dense<0xFF800000> : vector<1000xf32>
    %reduce_max3A_61 = vector.multi_reduction <maximumf>, %select_n3A, %reduce_max3A [1] : vector<1000x128xf32> to vector<1000xf32>
    %broadcast_in_dim3A_62 = vector.shape_cast %reduce_max3A_61 : vector<1000xf32> to vector<1000x1xf32>
    %sub3A_63 = vector.broadcast %broadcast_in_dim3A_62 : vector<1000x1xf32> to vector<1000x128xf32>
    %sub3A_64 = arith.subf %select_n3A, %sub3A_63 : vector<1000x128xf32>
    %exp3A = math.exp %sub3A_64 : vector<1000x128xf32>
    %reduce_sum3A = arith.constant dense<0.000000e+00> : vector<1000xf32>
    %reduce_sum3A_65 = vector.multi_reduction <add>, %exp3A, %reduce_sum3A [1] : vector<1000x128xf32> to vector<1000xf32>
    %broadcast_in_dim3A_66 = vector.shape_cast %reduce_sum3A_65 : vector<1000xf32> to vector<1000x1xf32>
    %sub3A_67 = vector.broadcast %broadcast_in_dim3A_62 : vector<1000x1xf32> to vector<1000x128xf32>
    %sub3A_68 = arith.subf %select_n3A, %sub3A_67 : vector<1000x128xf32>
    %log3A = math.log %broadcast_in_dim3A_66 : vector<1000x1xf32>
    %sub3A_69 = vector.broadcast %log3A : vector<1000x1xf32> to vector<1000x128xf32>
    %sub3A_70 = arith.subf %sub3A_68, %sub3A_69 : vector<1000x128xf32>
    %swap3A = arith.constant 0 : index
    %swap3A_71 = arith.constant 0 : index
    %swap3A_72 = vector.load %arg13[%swap3A, %swap3A_71] : memref<1000x128xf32, #tpu.memory_space<vmem>>, vector<1000x128xf32>
    tpu.vector_store %arg13[%swap3A, %swap3A_71], %sub3A_70 {strides = array<i32>} : memref<1000x128xf32, #tpu.memory_space<vmem>>, vector<1000x128xf32>,
    return
  }
  func.func @transform_0(%arg0: i32) -> (i32, i32) {
    %c0_i32 = arith.constant 0 : i32
    %c0_i32_0 = arith.constant 0 : i32
    return %arg0, %c0_i32 : i32, i32
  }
  func.func @transform_1(%arg0: i32) -> (i32, i32) {
    %c0_i32 = arith.constant 0 : i32
    %c0_i32_0 = arith.constant 0 : i32
    return %arg0, %c0_i32 : i32, i32
  }
  func.func @transform_2(%arg0: i32) -> (i32, i32) {
    %c0_i32 = arith.constant 0 : i32
    %c0_i32_0 = arith.constant 0 : i32
    return %arg0, %c0_i32 : i32, i32
  }
  func.func @transform_3(%arg0: i32) -> (i32, i32) {
    %c0_i32 = arith.constant 0 : i32
    %c0_i32_0 = arith.constant 0 : i32
    return %arg0, %c0_i32 : i32, i32
  }
  func.func @transform_4(%arg0: i32) -> (i32, i32) {
    %c0_i32 = arith.constant 0 : i32
    %c0_i32_0 = arith.constant 0 : i32
    return %arg0, %c0_i32 : i32, i32
  }
  func.func @transform_5(%arg0: i32) -> (i32, i32) {
    %c0_i32 = arith.constant 0 : i32
    %c0_i32_0 = arith.constant 0 : i32
    %c0_i32_1 = arith.constant 0 : i32
    return %c0_i32, %c0_i32_0 : i32, i32
  }
  func.func @transform_6(%arg0: i32) -> (i32, i32) {
    %c0_i32 = arith.constant 0 : i32
    %c0_i32_0 = arith.constant 0 : i32
    %c0_i32_1 = arith.constant 0 : i32
    return %c0_i32, %c0_i32_0 : i32, i32
  }
  func.func @transform_7(%arg0: i32) -> (i32, i32) {
    %c0_i32 = arith.constant 0 : i32
    %c0_i32_0 = arith.constant 0 : i32
    %c0_i32_1 = arith.constant 0 : i32
    return %c0_i32, %c0_i32_0 : i32, i32
  }
  func.func @transform_8(%arg0: i32) -> (i32, i32) {
    %c0_i32 = arith.constant 0 : i32
    %c0_i32_0 = arith.constant 0 : i32
    %c0_i32_1 = arith.constant 0 : i32
    return %c0_i32, %c0_i32_0 : i32, i32
  }
  func.func @transform_9(%arg0: i32) -> (i32, i32) {
    %c0_i32 = arith.constant 0 : i32
    %c0_i32_0 = arith.constant 0 : i32
    %c0_i32_1 = arith.constant 0 : i32
    return %c0_i32, %c0_i32_0 : i32, i32
  }
  func.func @transform_10(%arg0: i32) -> (i32, i32) {
    %c0_i32 = arith.constant 0 : i32
    %c0_i32_0 = arith.constant 0 : i32
    %c0_i32_1 = arith.constant 0 : i32
    return %c0_i32, %c0_i32_0 : i32, i32
  }
  func.func @transform_11(%arg0: i32) -> (i32, i32) {
    %c0_i32 = arith.constant 0 : i32
    %c0_i32_0 = arith.constant 0 : i32
    %c0_i32_1 = arith.constant 0 : i32
    return %c0_i32, %c0_i32_0 : i32, i32
  }
  func.func @transform_12(%arg0: i32) -> (i32, i32) {
    %c0_i32 = arith.constant 0 : i32
    %c0_i32_0 = arith.constant 0 : i32
    return %arg0, %c0_i32 : i32, i32
  }
}

</mosaic_0001>

<sc_bundles>
// kernel: kernel.11.cloned.1.call-start
scs
__scs_entry_jumppad:
0x0: {  	(pc) =	sbr.rel $0x88, $3  }
0x1: {  	(tag) =	ssettag $0x0;
	lr =	simm.s32 $0x1  }
0x2: {  	[smem:$0x3F91] =	sst lr;
	_ =	strace $0xD0000000  }
0x3: {  	_ = 	snop  }
0x4: {  	_ = 	snop  }
0x5: {  	_ = 	snop  }
0x6: {  	_ = 	snop  }
0x7: {  	_ = 	snop  }
__scs_overlays_trampoline_lowered:
0x8: {  	[smem:$0x3FA0] =	sst s0  }
0x9: {  	[smem:$0x3FA1] =	sst s1  }
0xa: {  	[smem:$0x3FA2] =	sst s2  }
0xb: {  	[smem:$0x3FA3] =	sst s3  }
0xc: {  	[smem:$0x3FA4] =	sst s4  }
0xd: {  	[smem:$0x3FA5] =	sst s5  }
0xe: {  	[smem:$0x3FA6] =	sst s6  }
0xf: {  	[smem:$0x3FA7] =	sst s7  }
0x10: {  	[smem:$0x3FA8] =	sst s8  }
0x11: {  	[smem:$0x3FA9] =	sst s9;
	s0 =	simm.s32 @!p0 $0x0  }
0x12: {  	s1 =	sld [smem:$0x3F8F];
	s0 =	simm.s32 @p0 $0x1  }
0x13: {  	[smem:$0x3FAA] =	sst s0;
	s0 =	simm.s32 @!p1 $0x0  }
0x14: {  	s2 =	sld [smem:$0x3F8E];
	s0 =	simm.s32 @p1 $0x1  }
0x15: {  	[smem:$0x3FAB] =	sst s0;
	s0 =	simm.s32 @!p2 $0x0  }
0x16: {  	s3 =	sld [smem:$0x3FDB];
	s0 =	simm.s32 @p2 $0x1  }
0x17: {  	s4 =	simm.s32 $0x1BF5;
	[smem:$0x3FAD] =	sst s0  }
0x18: {  	s0 =	sld [smem:$0x3F90];
	_ =	swait.ge [sflag:s4], $0x0  }
0x19: {  	s7 =	sld [smem:$0x3F91]  }
0x1a: {  	s8 =	sadd.s32 $0xFFFFE003, lr  }
0x1b: {  	s9 =	sadd.s32 $0xFFFFFEF7, lr;
	s5 =	simm.s32 $0xFFFFFFFF;
	p2 =	slt.u32 s8, $0xFFFFF086  }
0x1c: {  	p1 =	slt.u32 s9, $0xF7A;
	s5 =	simm.s32 @!p2 $0x0  }
0x1d: {  	s5 =	simm.s32 @p1 $0x1;
	p0 =	seq.s32 s7, s2  }
0x1e: {  	s7 =	smul.u32 @!p0 $0xF7A, s2;
	p2 =	seq.s32 @!p0 s5, $0x0  }
0x1f: {  	s9 =	smul.u32 $0xF7A, s1;
	s8 =	simm.s32 @!p0 $0x1BF5;
	p2 =	por !p2, p0  }
0x20: {  	[sflag:s8] =	ssyncset.s32 @!p0 $0xFFFFF086;
	s6 =	sadd.s32 @!p0 s3, s7;
	s7 =	simm.s32 @!p0 $0x108  }
0x21: {  	s3 =	sadd.s32 s3, s9;
	s6 =	sadd.s32 @!p0 $0x88, s6;
	s7 =	simm.s32 @p2 $0x1082  }
0x22: {  	[simem:s7], [sflag:s8] =	dma.local @!p0 [hbm:s6], $0xF7A  }
0x23: {  	s9 =	sor.u32 $0xD0000000, s2;
	s6 =	simm.s32 $0x108;
	_ =	swait.ge @!p0 [sflag:s8], $0x0  }
0x24: {  	s3 =	sadd.s32 $0x88, s3;
	s6 =	simm.s32 @!p1 $0x1082;
	[sflag:s4] =	ssyncset.s32 $0xFFFFF086  }
0x25: {  	[simem:s6], [sflag:s4] =	dma.local [hbm:s3], $0xF7A  }
0x26: {  	[smem:$0x3F91] =	sst s1;
	(tag) =	ssettag s2;
	_ =	strace s9  }
0x27: {  	s1 =	sld [smem:$0x3FA1]  }
0x28: {  	s2 =	sld [smem:$0x3FA2]  }
0x29: {  	s4 =	sld [smem:$0x3FA4]  }
0x2a: {  	p0 =	seq.s32 s5, $0x0;
	s5 =	sld [smem:$0x3FA5]  }
0x2b: {  	s6 =	sld [smem:$0x3FA6]  }
0x2c: {  	s7 =	sld [smem:$0x3FA7]  }
0x2d: {  	s3 =	simm.s32 $0x108;
	s8 =	sld [smem:$0x3FA8]  }
0x2e: {  	s3 =	simm.s32 @!p0 $0x1082;
	s9 =	sld [smem:$0x3FA9]  }
0x2f: {  	lr =	sadd.s32 s0, s3;
	s0 =	sld [smem:$0x3FA0]  }
0x30: {  	s3 =	sld [smem:$0x3FA3]  }
0x31: {  	[smem:$0x3FAC] =	sst s10  }
0x32: {  	s10 =	sld [smem:$0x3FAA];
	_ =	sdelay $0x3  }
0x33: {  	p0 =	seq.s32 s10, $0x1;
	s10 =	sld [smem:$0x3FAC];
	_ =	sdelay $0x3  }
0x34: {  	[smem:$0x3FAC] =	sst s10  }
0x35: {  	s10 =	sld [smem:$0x3FAB];
	_ =	sdelay $0x3  }
0x36: {  	p1 =	seq.s32 s10, $0x1;
	s10 =	sld [smem:$0x3FAC];
	_ =	sdelay $0x3  }
0x37: {  	[smem:$0x3FAC] =	sst s10  }
0x38: {  	s10 =	sld [smem:$0x3FAD]  }
0x39: {  	_ = 	snop;
	(pc) =	sbr.ind lr, $3  }
0x3a: {  	_ = 	snop  }
0x3b: {  	_ = 	snop  }
0x3c: {  	p2 =	seq.s32 s10, $0x1;
	s10 =	sld [smem:$0x3FAC]  }
0x3d: {  	_ =	shalt  }
0x3e: {  	_ =	shalt  }
0x3f: {  	_ =	shalt  }
0x40: {  	_ =	shalt  }
0x41: {  	_ =	shalt  }
0x42: {  	_ =	shalt  }
0x43: {  	_ =	shalt  }
0x44: {  	_ =	shalt  }
0x45: {  	_ =	shalt  }
0x46: {  	_ =	shalt  }
0x47: {  	_ =	shalt  }
0x48: {  	_ =	shalt  }
0x49: {  	_ =	shalt  }
0x4a: {  	_ =	shalt  }
0x4b: {  	_ =	shalt  }
0x4c: {  	_ =	shalt  }
0x4d: {  	_ =	shalt  }
0x4e: {  	_ =	shalt  }
0x4f: {  	_ =	shalt  }
0x50: {  	_ =	shalt  }
0x51: {  	_ =	shalt  }
0x52: {  	_ =	shalt  }
0x53: {  	_ =	shalt  }
0x54: {  	_ =	shalt  }
0x55: {  	_ =	shalt  }
0x56: {  	_ =	shalt  }
0x57: {  	_ =	shalt  }
0x58: {  	_ =	shalt  }
0x59: {  	_ =	shalt  }
0x5a: {  	_ =	shalt  }
0x5b: {  	_ =	shalt  }
0x5c: {  	_ =	shalt  }
0x5d: {  	_ =	shalt  }
0x5e: {  	_ =	shalt  }
0x5f: {  	_ =	shalt  }
0x60: {  	_ =	shalt  }
0x61: {  	_ =	shalt  }
0x62: {  	_ =	shalt  }
0x63: {  	_ =	shalt  }
0x64: {  	_ =	shalt  }
0x65: {  	_ =	shalt  }
0x66: {  	_ =	shalt  }
0x67: {  	_ =	shalt  }
0x68: {  	_ =	shalt  }
0x69: {  	_ =	shalt  }
0x6a: {  	_ =	shalt  }
0x6b: {  	_ =	shalt  }
0x6c: {  	_ =	shalt  }
0x6d: {  	_ =	shalt  }
0x6e: {  	_ =	shalt  }
0x6f: {  	_ =	shalt  }
0x70: {  	_ =	shalt  }
0x71: {  	_ =	shalt  }
0x72: {  	_ =	shalt  }
0x73: {  	_ =	shalt  }
0x74: {  	_ =	shalt  }
0x75: {  	_ =	shalt  }
0x76: {  	_ =	shalt  }
0x77: {  	_ =	shalt  }
0x78: {  	_ =	shalt  }
0x79: {  	_ =	shalt  }
0x7a: {  	_ =	shalt  }
0x7b: {  	_ =	shalt  }
0x7c: {  	_ =	shalt  }
0x7d: {  	_ =	shalt  }
0x7e: {  	_ =	shalt  }
0x7f: {  	_ =	shalt  }
0x80: {  	_ =	shalt  }
0x81: {  	_ =	shalt  }
0x82: {  	_ =	shalt  }
0x83: {  	_ =	shalt  }
0x84: {  	_ =	shalt  }
0x85: {  	_ =	shalt  }
0x86: {  	_ =	shalt  }
0x87: {  	_ =	shalt  }
.Lfunc_end0:
.L_simem_size_0:
called_computation.1_lowered:
.L_overlay_start_0:
0x88: {  	s2 =	sld [smem:$0x3FD9]  }
0x89: {  	s3 =	sld [smem:$0x3FFE];
	_ =	sdelay $0x1  }
0x8a: {  	s1 =	srdreg.scid  }
0x8b: {  	s0 =	sand.u32 $0x1, s1  }
0x8c: {  	s17 =	sshll.u32 s0, $0xA;
	s2 =	sadd.s32 s3, s2  }
0x8d: {  	s2 =	sadd.s32 s2, s17  }
0x8e: {  	[smem:$0x3FB8] =	sst s2  }
0x8f: {  	_ = 	snop  }
0x90: {  	s2 =	sld [smem:$0x3FD0];
	(tm) =	ssettm $0x1  }
0x91: {  	s18 =	sld [smem:$0x3FFB];
	_ =	sdelay $0x3  }
0x92: {  	_ =	strace s18  }
0x93: {  	s3 =	sld [smem:$0x3FFC];
	_ =	sdelay $0x3  }
0x94: {  	_ =	strace s3  }
0x95: {  	s3 =	sld [smem:$0x3FFD];
	_ =	sdelay $0x3  }
0x96: {  	_ =	strace s3  }
0x97: {  	_ =	strace $0x8FFFFFFF  }
0x98: {  	s19 =	sld [smem:$0x3FDB];
	_ =	sdelay $0x1  }
0x99: {  	s4 =	simm.s32 $_scs_section_size  }
0x9a: {  	s5 =	simm.s32 $_size__tile_overlayer_lowered;
	s6 =	simm.s32 $_tile_overlayer_lowered  }
0x9b: {  	s22 =	simm.s32 $0x1BFF;
	s21 =	sshll.u32 s6, $0x1;
	s3 =	sadd.s32 s4, s19  }
0x9c: {  	s7 =	simm.s32 $0x0;
	s20 =	sshll.u32 s5, $0x1;
	s5 =	sadd.s32 s21, s3  }
0x9d: {  	[timem:s7], [sflag:s22] =	dma.local [hbm:s5], s20  }
0x9e: {  	_ =	swait.ge [sflag:s22], s20  }
0x9f: {  	s4 =	ssub.s32 $0x0, s20;
	[sflag:s22] =	ssyncset.done $0x0  }
0xa0: {  	[sflag:s22] =	ssyncadd.s32 s4;
	_ =	sdelay $0x1  }
0xa1: {  	s23 =	simm.s32 $0x1B8B  }
0xa2: {  	_ =	swait.ge [sflag:s23], $0x1  }
0xa3: {  	[sflag:s23] =	ssyncset.done $0x0  }
0xa4: {  	s25 =	simm.s32 $0x1B8E;
	s24 =	sld [smem:$0x3FFE];
	[sflag:s23] =	ssyncadd.s32 $0xFFFFFFFF  }
0xa5: {  	s26 =	simm.s32 $execute0_lowered;
	[smem:$0x3FD2] =	sst s25  }
0xa6: {  	s5 =	sshll.u32 s26, $0x1;
	_ =	strace $0x80000049;
	[dreg:$0x1] =	wrdreg $0xFFFFFFFF  }
0xa7: {  	s28 =	simm.s32 $_size_execute0_lowered;
	s3 =	sadd.s32 s3, s5;
	[dreg:$0x0] =	wrdreg $0x0  }
0xa8: {  	s5 =	sshll.u32 s28, $0x1;
	[dreg:$0x2] =	wrdreg s3  }
0xa9: {  	[dreg:$0x3] =	wrdreg s5  }
0xaa: {  	[dreg:$0x4] =	wrdreg $0xC0  }
0xab: {  	_ =	task [dreg:s7], $0x5FFFF  }
0xac: {  	[dreg:$0x1] =	wrdreg $0xFFFFFFFF  }
0xad: {  	[dreg:$0x0] =	wrdreg $0x60  }
0xae: {  	[dreg:$0x2] =	wrdreg s24  }
0xaf: {  	[dreg:$0x3] =	wrdreg s2  }
0xb0: {  	[dreg:$0x4] =	wrdreg $0x84000  }
0xb1: {  	[dreg:$0x5] =	wrdreg $0x9  }
0xb2: {  	_ =	task.clear_ibuf [dreg:s7], $0x6FFFF;
	_ =	strace $0x90000049  }
0xb3: {  	s29 =	simm.s32 $0x9;
	_ =	strace $0x8000004B  }
0xb4: {  	_ =	swait.ge [sflag:s29], $0x1  }
0xb5: {  	[sflag:s29] =	ssyncadd.s32 $0xFFFFFFFF  }
0xb6: {  	_ =	strace $0x9000004B  }
0xb7: {  	_ =	sfence  }
0xb8: {  	s30 =	sld [smem:$0x0];
	_ =	sdelay $0x2  }
0xb9: {  	s31 =	sshll.u32 s1, $0xD;
	s1 =	sshrl.u32 s1, $0x2  }
0xba: {  	s3 =	sand.u32 $0x4000, s31;
	s1 =	sadd.s32 s1, s30  }
0xbb: {  	s0 =	sor.u32 s3, s0;
	s1 =	sshll.u32 s1, $0x11  }
0xbc: {  	s0 =	sor.u32 s1, s0  }
0xbd: {  	s0 =	sadd.s32 $0x8F2B, s0  }
0xbe: {  	[sflag:s0] =	ssyncadd.remote.s32 $0x1  }
0xbf: {  	_ =	sfence.sel $0xFFFF  }
0xc0: {  	[dreg:$0x0] =	wrdreg $0xFFFFFFFF;
	(pc) =	sbr.abs _section_cstart, $3  }
0xc1: {  	[dreg:$0x1] =	wrdreg $0xFFFFFFFF  }
0xc2: {  	_ =	task.clear_ibuf [dreg:s7], $0x2FFFF;
	_ =	strace $0x9FFFFFFF  }
0xc3: {  	(tm) =	ssettm $0x7FFFFFFF  }
tec
execute0_lowered:
.L_overlay_start_1:
0x0: {  	(tag) =	ssettag $0x1  }
0x1: {  	s0 =	rddreg [dreg:$0x0]  }
0x2: {  	s1 =	rddreg [dreg:$0x1]  }
0x3: {  	s2 =	rddreg [dreg:$0x2]  }
0x4: {  	s3 =	simm.s32 $0x0;
	s4 =	srdreg.scid;
	s14 =	stileid.u32  }
0x5: {  	s28 =	simm.s32 $0x380;
	s29 =	simm.s32 $0x6;
	s30 =	simm.s32 $0x4400  }
0x6: {  	s31 =	simm.s32 $0x2;
	[smem:$0x7FF] =	sst s3;
	s5 =	sadd.s32 $0x5F400, s0  }
0x7: {  	s4 =	sand.u32 $0x1, s4;
	s6 =	sadd.s32 $0x4800, s0;
	s10 =	smul.u32 $0x4F000, s14  }
0x8: {  	s8 =	sshll.u32 s14, $0x1;
	s11 =	sadd.s32 $0xE800, s0;
	s16 =	smul.u32 $0xA00, s14  }
0x9: {  	s18 =	sshll.u32 s14, $0x6;
	s26 =	smul.u32 $0x2780, s14;
	_ =	strace $0x8000004A  }
0xa: {  	s7 =	smul.u32 $0x27800, s4;
	s9 =	ssub.s32 $0x2, s4;
	s8 =	sor.u32 s4, s8  }
0xb: {  	[dreg:$0x6] =	wrdreg s11;
	s4 =	smul.u32 $0x500, s4;
	s15 =	sshrl.u32 s9, $0x1  }
0xc: {  	s12 =	smul.u32 $0x500, s8;
	s17 =	sshrl.u32 s10, $0x2;
	s0 =	sadd.s32 s7, s0  }
0xd: {  	s7 =	ssub.s32 s9, s15;
	s13 =	sadd.s32 s17, s2;
	s15 =	sor.u32 $0x1C09, s18  }
0xe: {  	s11 =	sadd.s32 s4, s16;
	s18 =	simm.s32 $0x80;
	s4 =	simm.s32 $0x7  }
0xf: {  	s9 =	simm.s32 $0x8;
	s19 =	sadd.s32 s1, s12;
	s20 =	sadd.s32 s6, s12  }
0x10: {  	s21 =	sor.u32 $0x10, s12;
	s24 =	sadd.s32 s1, s11;
	[dreg:$0x7] =	wrdreg s15  }
0x11: {  	s0 =	sadd.s32 $0x86600, s0;
	s25 =	sadd.s32 s6, s11;
	[dreg:$0x8] =	wrdreg s19  }
0x12: {  	s7 =	smax.u32 s7, $0x1;
	s10 =	sshrl.u32 s13, $0x3;
	[dreg:$0x9] =	wrdreg s20  }
0x13: {  	s12 =	simm.s32 $0x9;
	s13 =	simm.s32 $0x0;
	[dreg:$0x4] =	wrdreg s24  }
0x14: {  	s22 =	sadd.s32 s1, s21;
	s23 =	sadd.s32 s6, s21;
	[dreg:$0xc] =	wrdreg s7  }
0x15: {  	[dreg:$0x5] =	wrdreg s25;
	s20 =	simm.s32 $0x100;
	s21 =	simm.s32 $0x300  }
0x16: {  	s0 =	sadd.s32 s26, s0;
	s25 =	simm.s32 $0x1;
	[dreg:$0xd] =	wrdreg s10  }
0x17: {  	s26 =	simm.s32 $0x180;
	s7 =	simm.s32 $0x4;
	[dreg:$0xa] =	wrdreg s22  }
0x18: {  	s19 =	simm.s32 $0x200;
	[dreg:$0xb] =	wrdreg s23;
	s22 =	simm.s32 $0x5  }
0x19: {  	s23 =	simm.s32 $0x400;
	[dreg:$0xe] =	wrdreg s0;
	s0 =	simm.s32 $0x3  }
.LBB2_1:
0x1a: {  	[dreg:$0xf] =	wrdreg s13  }
0x1b: {  	s8 =	rddreg [dreg:$0x6]  }
0x1c: {  	[spmem:s10], [sflag:s15] =	dma.local [hbm:s8], $0x2780  }
0x1d: {  	_ =	swait.ge [sflag:s12], $0x2780  }
0x1e: {  	[sflag:s12] =	ssyncset.done $0x0  }
0x1f: {  	s16 =	rddreg [dreg:$0x8];
	[sflag:s12] =	ssyncadd.s32 $0xFFFFD880  }
0x20: {  	[tilespmem:s3], [sflag:$0x5] =	stream.linear.gather [hbm4b:s16+s3], $0x80, $0x38;
	[tilespmem:$0x1C000] =	vst v63  }
0x21: {  	s10 =	simm.s32 $0x200;
	s17 =	rddreg [dreg:$0x9]  }
0x22: {  	[tilespmem:s10], [sflag:$0x5] =	stream.linear.gather [hbm4b:s17+s3], $0x80, $0x38;
	[tilespmem:$0x1C000] =	vst v63  }
0x23: {  	p0 =	por $0x1, $0x1;
	s13 =	sadd.s32 $0x0, s11;
	s24 =	rddreg [dreg:$0xa]  }
0x24: {  	[tilespmem:s18], [sflag:$0x6] =	stream.linear.gather [hbm4b:s24+s3], $0x80, $0x38;
	[tilespmem:$0x1C000] =	vst v63  }
0x25: {  	s15 =	simm.s32 $0x280;
	s14 =	simm.s32 @!p0 $0x3;
	s12 =	rddreg [dreg:$0xb]  }
0x26: {  	[tilespmem:s15], [sflag:$0x6] =	stream.linear.gather [hbm4b:s12+s3], $0x80, $0x38;
	[tilespmem:$0x1C000] =	vst v63  }
0x27: {  	s16 =	sand.u32 $0x40, s3;
	s12 =	sand.u32 $0xFFFFF80, s13;
	[bflag:$0x0] =	sbarrier.arrive $0xFFFF  }
0x28: {  	s12 =	sor.u32 s12, s16;
	_ =	swait.ge @!p0 [sflag:s14], $0x4000  }
0x29: {  	s13 =	sor.u32 $0x20, s12;
	[sflag:s14] =	ssyncset.done @!p0 $0x0  }
0x2a: {  	s17 =	sadd.s32 s1, s13;
	[sflag:s14] =	ssyncadd.s32 @!p0 $0xFFFFC000  }
0x2b: {  	[tilespmem:s20], [sflag:$0x7] =	stream.linear.gather [hbm4b:s17+s3], $0x80, $0x38;
	[tilespmem:$0x1C000] =	vst v63  }
0x2c: {  	s13 =	sadd.s32 s6, s13  }
0x2d: {  	[tilespmem:s21], [sflag:$0x7] =	stream.linear.gather [hbm4b:s13+s3], $0x80, $0x38;
	[tilespmem:$0x1C000] =	vst v63  }
0x2e: {  	_ =	swait.ge [sflag:s22], $0x80  }
0x2f: {  	[sflag:s22] =	ssyncset.done $0x0  }
0x30: {  	[sflag:s22] =	ssyncadd.s32 $0xFFFFFF80  }
0x31: {  	_ =	swait.ge [sflag:s22], $0x80  }
0x32: {  	[sflag:s22] =	ssyncset.done $0x0  }
0x33: {  	[sflag:s22] =	ssyncadd.s32 $0xFFFFFF80  }
0x34: {  	[tilespmem:s23], [sflag:$0x1] =	stream.indirect.gather [hbm4b:s5+s18], $0x80, s3, s18, $0xb8;
	[tilespmem:$0x1C000] =	vst v63  }
0x35: {  	_ =	swait.ge [sflag:s25], $0x4000  }
0x36: {  	[sflag:s25] =	ssyncset.done $0x0  }
0x37: {  	s13 =	simm.s32 @!p0 $0x4;
	[sflag:s25] =	ssyncadd.s32 $0xFFFFC000  }
0x38: {  	[spmem:s2] =	stream.indirect.scatter.add.f32 [tilespmem:s23], [sflag:$0x3], $0x80, s10, s18, $0xb8;
	[tilespmem:$0x1C000] =	vst v63  }
0x39: {  	_ =	swait.ge @!p0 [sflag:s13], $0x4000  }
0x3a: {  	s12 =	sor.u32 $0x30, s12;
	[sflag:s13] =	ssyncset.done @!p0 $0x0  }
0x3b: {  	s24 =	sadd.s32 s1, s12;
	[sflag:s13] =	ssyncadd.s32 @!p0 $0xFFFFC000  }
0x3c: {  	[tilespmem:s26], [sflag:$0x8] =	stream.linear.gather [hbm4b:s24+s3], $0x80, $0x38;
	[tilespmem:$0x1C000] =	vst v63  }
0x3d: {  	s12 =	sadd.s32 s6, s12  }
0x3e: {  	[tilespmem:s28], [sflag:$0x8] =	stream.linear.gather [hbm4b:s12+s3], $0x80, $0x38;
	[tilespmem:$0x1C000] =	vst v63  }
0x3f: {  	_ =	swait.ge [sflag:s29], $0x80  }
0x40: {  	[sflag:s29] =	ssyncset.done $0x0  }
0x41: {  	[sflag:s29] =	ssyncadd.s32 $0xFFFFFF80  }
0x42: {  	_ =	swait.ge [sflag:s29], $0x80  }
0x43: {  	[sflag:s29] =	ssyncset.done $0x0  }
0x44: {  	[sflag:s29] =	ssyncadd.s32 $0xFFFFFF80  }
0x45: {  	[tilespmem:s30], [sflag:$0x2] =	stream.indirect.gather [hbm4b:s5+s18], $0x80, s18, s18, $0xb8;
	[tilespmem:$0x1C000] =	vst v63  }
0x46: {  	_ =	swait.ge [sflag:s31], $0x4000  }
0x47: {  	[sflag:s31] =	ssyncset.done $0x0  }
0x48: {  	[sflag:s31] =	ssyncadd.s32 $0xFFFFC000  }
0x49: {  	[spmem:s2] =	stream.indirect.scatter.add.f32 [tilespmem:s30], [sflag:$0x4], $0x80, s15, s18, $0xb8;
	[tilespmem:$0x1C000] =	vst v63  }
0x4a: {  	p0 =	por $0x0, $0x0;
	_ =	swait.ge [sflag:s0], $0x4000  }
0x4b: {  	s14 =	simm.s32 @!p0 $0x0;
	s12 =	rddreg [dreg:$0x4]  }
0x4c: {  	s13 =	rddreg [dreg:$0x5];
	[sflag:s0] =	ssyncset.done $0x0;
	s12 =	sadd.s32 @!p0 $0x0, s12  }
0x4d: {  	[sflag:s0] =	ssyncadd.s32 $0xFFFFC000;
	s13 =	sadd.s32 @!p0 $0x0, s13;
	s24 =	sadd.s32 @!p0 $0x40, s12  }
0x4e: {  	[tilespmem:s14], [sflag:$0x5] =	stream.linear.gather @!p0 [hbm4b:s24+s14], $0x80, $0x38;
	[tilespmem:$0x1C000] =	vst v63  }
0x4f: {  	s8 =	simm.s32 @!p0 $0x200;
	s24 =	sadd.s32 @!p0 $0x40, s13  }
0x50: {  	[tilespmem:s8], [sflag:$0x5] =	stream.linear.gather @!p0 [hbm4b:s24+s14], $0x80, $0x38;
	[tilespmem:$0x1C000] =	vst v63  }
0x51: {  	_ =	swait.ge [sflag:s4], $0x80  }
0x52: {  	[sflag:s4] =	ssyncset.done $0x0  }
0x53: {  	[sflag:s4] =	ssyncadd.s32 $0xFFFFFF80  }
0x54: {  	_ =	swait.ge [sflag:s4], $0x80  }
0x55: {  	[sflag:s4] =	ssyncset.done $0x0  }
0x56: {  	[sflag:s4] =	ssyncadd.s32 $0xFFFFFF80  }
0x57: {  	[tilespmem:s23], [sflag:$0x1] =	stream.indirect.gather [hbm4b:s5+s18], $0x80, s20, s18, $0xb8;
	[tilespmem:$0x1C000] =	vst v63  }
0x58: {  	_ =	swait.ge [sflag:s25], $0x4000  }
0x59: {  	[sflag:s25] =	ssyncset.done $0x0  }
0x5a: {  	[sflag:s25] =	ssyncadd.s32 $0xFFFFC000  }
0x5b: {  	[spmem:s2] =	stream.indirect.scatter.add.f32 [tilespmem:s23], [sflag:$0x3], $0x80, s21, s18, $0xb8;
	[tilespmem:$0x1C000] =	vst v63  }
0x5c: {  	_ =	swait.ge [sflag:s7], $0x4000  }
0x5d: {  	[sflag:s7] =	ssyncset.done $0x0  }
0x5e: {  	s8 =	sadd.s32 @!p0 $0x50, s12;
	s12 =	simm.s32 @!p0 $0x80;
	[sflag:s7] =	ssyncadd.s32 $0xFFFFC000  }
0x5f: {  	[tilespmem:s12], [sflag:$0x6] =	stream.linear.gather @!p0 [hbm4b:s8+s14], $0x80, $0x38;
	[tilespmem:$0x1C000] =	vst v63  }
0x60: {  	s8 =	sadd.s32 @!p0 $0x50, s13;
	s12 =	simm.s32 @!p0 $0x280  }
0x61: {  	[tilespmem:s12], [sflag:$0x6] =	stream.linear.gather @!p0 [hbm4b:s8+s14], $0x80, $0x38;
	[tilespmem:$0x1C000] =	vst v63  }
0x62: {  	_ =	swait.ge [sflag:s9], $0x80  }
0x63: {  	[sflag:s9] =	ssyncset.done $0x0  }
0x64: {  	[sflag:s9] =	ssyncadd.s32 $0xFFFFFF80  }
0x65: {  	p1 =	por $0x0, $0x0;
	_ =	swait.ge [sflag:s9], $0x80  }
0x66: {  	s24 =	sadd.s32 $0x40, s11;
	s12 =	simm.s32 $0x40;
	[sflag:s9] =	ssyncset.done $0x0  }
0x67: {  	s14 =	simm.s32 $0x80;
	s13 =	sand.u32 $0x40, s12;
	[sflag:s9] =	ssyncadd.s32 $0xFFFFFF80  }
0x68: {  	[tilespmem:s30], [sflag:$0x2] =	stream.indirect.gather [hbm4b:s5+s18], $0x80, s26, s18, $0xb8;
	[tilespmem:$0x1C000] =	vst v63  }
.LBB2_2:
0x69: {  	_ =	swait.ge [sflag:s31], $0x4000  }
0x6a: {  	[sflag:s31] =	ssyncset.done $0x0  }
0x6b: {  	s8 =	simm.s32 @!p1 $0x3;
	s24 =	sand.u32 $0xFFFFF80, s24;
	[sflag:s31] =	ssyncadd.s32 $0xFFFFC000  }
0x6c: {  	[spmem:s2] =	stream.indirect.scatter.add.f32 [tilespmem:s30], [sflag:$0x4], $0x80, s28, s18, $0xb8;
	[tilespmem:$0x1C000] =	vst v63  }
0x6d: {  	s24 =	sor.u32 s24, s13;
	_ =	swait.ge @!p1 [sflag:s8], $0x4000  }
0x6e: {  	s15 =	sor.u32 $0x20, s24;
	[sflag:s8] =	ssyncset.done @!p1 $0x0  }
0x6f: {  	s17 =	sadd.s32 s1, s15;
	[sflag:s8] =	ssyncadd.s32 @!p1 $0xFFFFC000  }
0x70: {  	[tilespmem:s20], [sflag:$0x7] =	stream.linear.gather [hbm4b:s17+s3], $0x80, $0x38;
	[tilespmem:$0x1C000] =	vst v63  }
0x71: {  	s10 =	sadd.s32 s6, s15  }
0x72: {  	[tilespmem:s21], [sflag:$0x7] =	stream.linear.gather [hbm4b:s10+s3], $0x80, $0x38;
	[tilespmem:$0x1C000] =	vst v63  }
0x73: {  	_ =	swait.ge [sflag:s22], $0x80  }
0x74: {  	[sflag:s22] =	ssyncset.done $0x0  }
0x75: {  	[sflag:s22] =	ssyncadd.s32 $0xFFFFFF80  }
0x76: {  	_ =	swait.ge [sflag:s22], $0x80  }
0x77: {  	[sflag:s22] =	ssyncset.done $0x0  }
0x78: {  	[sflag:s22] =	ssyncadd.s32 $0xFFFFFF80  }
0x79: {  	[tilespmem:s23], [sflag:$0x1] =	stream.indirect.gather [hbm4b:s5+s18], $0x80, s3, s18, $0xb8;
	[tilespmem:$0x1C000] =	vst v63  }
0x7a: {  	_ =	swait.ge [sflag:s25], $0x4000  }
0x7b: {  	[sflag:s25] =	ssyncset.done $0x0  }
0x7c: {  	s8 =	simm.s32 @!p1 $0x4;
	[sflag:s25] =	ssyncadd.s32 $0xFFFFC000  }
0x7d: {  	[spmem:s2] =	stream.indirect.scatter.add.f32 [tilespmem:s23], [sflag:$0x3], $0x80, s19, s18, $0xb8;
	[tilespmem:$0x1C000] =	vst v63  }
0x7e: {  	_ =	swait.ge @!p1 [sflag:s8], $0x4000  }
0x7f: {  	s16 =	sor.u32 $0x30, s24;
	[sflag:s8] =	ssyncset.done @!p1 $0x0  }
0x80: {  	s15 =	sadd.s32 s1, s16;
	[sflag:s8] =	ssyncadd.s32 @!p1 $0xFFFFC000  }
0x81: {  	[tilespmem:s26], [sflag:$0x8] =	stream.linear.gather [hbm4b:s15+s3], $0x80, $0x38;
	[tilespmem:$0x1C000] =	vst v63  }
0x82: {  	s16 =	sadd.s32 s6, s16  }
0x83: {  	[tilespmem:s28], [sflag:$0x8] =	stream.linear.gather [hbm4b:s16+s3], $0x80, $0x38;
	[tilespmem:$0x1C000] =	vst v63  }
0x84: {  	_ =	swait.ge [sflag:s29], $0x80  }
0x85: {  	[sflag:s29] =	ssyncset.done $0x0  }
0x86: {  	[sflag:s29] =	ssyncadd.s32 $0xFFFFFF80  }
0x87: {  	_ =	swait.ge [sflag:s29], $0x80  }
0x88: {  	[sflag:s29] =	ssyncset.done $0x0  }
0x89: {  	[sflag:s29] =	ssyncadd.s32 $0xFFFFFF80  }
0x8a: {  	[tilespmem:s30], [sflag:$0x2] =	stream.indirect.gather [hbm4b:s5+s18], $0x80, s18, s18, $0xb8;
	[tilespmem:$0x1C000] =	vst v63  }
0x8b: {  	_ =	swait.ge [sflag:s31], $0x4000  }
0x8c: {  	[sflag:s31] =	ssyncset.done $0x0  }
0x8d: {  	s17 =	simm.s32 $0x280;
	[sflag:s31] =	ssyncadd.s32 $0xFFFFC000  }
0x8e: {  	[spmem:s2] =	stream.indirect.scatter.add.f32 [tilespmem:s30], [sflag:$0x4], $0x80, s17, s18, $0xb8;
	[tilespmem:$0x1C000] =	vst v63  }
0x8f: {  	p1 =	seq.s32 s12, $0x4C0;
	_ =	swait.ge [sflag:s0], $0x4000  }
0x90: {  	s16 =	simm.s32 @!p1 $0x0;
	s8 =	rddreg [dreg:$0x4]  }
0x91: {  	s15 =	rddreg [dreg:$0x5];
	[sflag:s0] =	ssyncset.done $0x0;
	s8 =	sadd.s32 @!p1 s12, s8  }
0x92: {  	[sflag:s0] =	ssyncadd.s32 $0xFFFFC000;
	s15 =	sadd.s32 @!p1 s12, s15;
	s10 =	sadd.s32 @!p1 $0x40, s8  }
0x93: {  	[tilespmem:s16], [sflag:$0x5] =	stream.linear.gather @!p1 [hbm4b:s10+s16], $0x80, $0x38;
	[tilespmem:$0x1C000] =	vst v63  }
0x94: {  	s17 =	simm.s32 @!p1 $0x200;
	s10 =	sadd.s32 @!p1 $0x40, s15  }
0x95: {  	[tilespmem:s17], [sflag:$0x5] =	stream.linear.gather @!p1 [hbm4b:s10+s16], $0x80, $0x38;
	[tilespmem:$0x1C000] =	vst v63  }
0x96: {  	_ =	swait.ge [sflag:s4], $0x80  }
0x97: {  	[sflag:s4] =	ssyncset.done $0x0  }
0x98: {  	[sflag:s4] =	ssyncadd.s32 $0xFFFFFF80  }
0x99: {  	_ =	swait.ge [sflag:s4], $0x80  }
0x9a: {  	[sflag:s4] =	ssyncset.done $0x0  }
0x9b: {  	[sflag:s4] =	ssyncadd.s32 $0xFFFFFF80  }
0x9c: {  	[tilespmem:s23], [sflag:$0x1] =	stream.indirect.gather [hbm4b:s5+s18], $0x80, s20, s18, $0xb8;
	[tilespmem:$0x1C000] =	vst v63  }
0x9d: {  	_ =	swait.ge [sflag:s25], $0x4000  }
0x9e: {  	[sflag:s25] =	ssyncset.done $0x0  }
0x9f: {  	[sflag:s25] =	ssyncadd.s32 $0xFFFFC000  }
0xa0: {  	[spmem:s2] =	stream.indirect.scatter.add.f32 [tilespmem:s23], [sflag:$0x3], $0x80, s21, s18, $0xb8;
	[tilespmem:$0x1C000] =	vst v63  }
0xa1: {  	_ =	swait.ge [sflag:s7], $0x4000  }
0xa2: {  	[sflag:s7] =	ssyncset.done $0x0  }
0xa3: {  	s8 =	sadd.s32 @!p1 $0x50, s8;
	s10 =	simm.s32 @!p1 $0x80;
	[sflag:s7] =	ssyncadd.s32 $0xFFFFC000  }
0xa4: {  	[tilespmem:s10], [sflag:$0x6] =	stream.linear.gather @!p1 [hbm4b:s8+s16], $0x80, $0x38;
	[tilespmem:$0x1C000] =	vst v63  }
0xa5: {  	s13 =	sand.u32 $0x40, s14;
	s8 =	sadd.s32 @!p1 $0x50, s15;
	s10 =	simm.s32 @!p1 $0x280  }
0xa6: {  	[tilespmem:s10], [sflag:$0x6] =	stream.linear.gather @!p1 [hbm4b:s8+s16], $0x80, $0x38;
	[tilespmem:$0x1C000] =	vst v63  }
0xa7: {  	s24 =	smov.u32 s14;
	s14 =	sadd.s32 $0x40, s14;
	_ =	swait.ge [sflag:s9], $0x80  }
0xa8: {  	p0 =	sne.s32 s14, $0x500;
	[sflag:s9] =	ssyncset.done $0x0  }
.Ltmp0:
0xa9: {  	[sflag:s9] =	ssyncadd.s32 $0xFFFFFF80;
	(pc) =	sbr.rel @p0 .LBB2_2-.Ltmp0, $4  }
0xaa: {  	_ =	swait.ge [sflag:s9], $0x80  }
0xab: {  	s12 =	smov.u32 s24;
	[sflag:s9] =	ssyncset.done $0x0  }
0xac: {  	s24 =	sadd.s32 s12, s11;
	p1 =	seq.s32 s12, $0x0;
	[sflag:s9] =	ssyncadd.s32 $0xFFFFFF80  }
0xad: {  	[tilespmem:s30], [sflag:$0x2] =	stream.indirect.gather [hbm4b:s5+s18], $0x80, s26, s18, $0xb8;
	[tilespmem:$0x1C000] =	vst v63  }
0xae: {  	_ =	swait.ge [sflag:s31], $0x4000  }
0xaf: {  	[sflag:s31] =	ssyncset.done $0x0  }
0xb0: {  	s8 =	simm.s32 @!p1 $0x3;
	s10 =	sand.u32 $0xFFFFF80, s24;
	[sflag:s31] =	ssyncadd.s32 $0xFFFFC000  }
0xb1: {  	[spmem:s2] =	stream.indirect.scatter.add.f32 [tilespmem:s30], [sflag:$0x4], $0x80, s28, s18, $0xb8;
	[tilespmem:$0x1C000] =	vst v63  }
0xb2: {  	s10 =	sor.u32 s10, s13;
	_ =	swait.ge @!p1 [sflag:s8], $0x4000  }
0xb3: {  	s13 =	sor.u32 $0x20, s10;
	[sflag:s8] =	ssyncset.done @!p1 $0x0  }
0xb4: {  	s17 =	sadd.s32 s1, s13;
	[sflag:s8] =	ssyncadd.s32 @!p1 $0xFFFFC000  }
0xb5: {  	[tilespmem:s20], [sflag:$0x7] =	stream.linear.gather [hbm4b:s17+s3], $0x80, $0x38;
	[tilespmem:$0x1C000] =	vst v63  }
0xb6: {  	s24 =	sadd.s32 s6, s13  }
0xb7: {  	[tilespmem:s21], [sflag:$0x7] =	stream.linear.gather [hbm4b:s24+s3], $0x80, $0x38;
	[tilespmem:$0x1C000] =	vst v63  }
0xb8: {  	_ =	swait.ge [sflag:s22], $0x80  }
0xb9: {  	[sflag:s22] =	ssyncset.done $0x0  }
0xba: {  	[sflag:s22] =	ssyncadd.s32 $0xFFFFFF80  }
0xbb: {  	_ =	swait.ge [sflag:s22], $0x80  }
0xbc: {  	[sflag:s22] =	ssyncset.done $0x0  }
0xbd: {  	[sflag:s22] =	ssyncadd.s32 $0xFFFFFF80  }
0xbe: {  	[tilespmem:s23], [sflag:$0x1] =	stream.indirect.gather [hbm4b:s5+s18], $0x80, s3, s18, $0xb8;
	[tilespmem:$0x1C000] =	vst v63  }
0xbf: {  	_ =	swait.ge [sflag:s25], $0x4000  }
0xc0: {  	[sflag:s25] =	ssyncset.done $0x0  }
0xc1: {  	s8 =	simm.s32 @!p1 $0x4;
	[sflag:s25] =	ssyncadd.s32 $0xFFFFC000  }
0xc2: {  	[spmem:s2] =	stream.indirect.scatter.add.f32 [tilespmem:s23], [sflag:$0x3], $0x80, s19, s18, $0xb8;
	[tilespmem:$0x1C000] =	vst v63  }
0xc3: {  	_ =	swait.ge @!p1 [sflag:s8], $0x4000  }
0xc4: {  	s10 =	sor.u32 $0x30, s10;
	[sflag:s8] =	ssyncset.done @!p1 $0x0  }
0xc5: {  	s13 =	sadd.s32 s1, s10;
	[sflag:s8] =	ssyncadd.s32 @!p1 $0xFFFFC000  }
0xc6: {  	[tilespmem:s26], [sflag:$0x8] =	stream.linear.gather [hbm4b:s13+s3], $0x80, $0x38;
	[tilespmem:$0x1C000] =	vst v63  }
0xc7: {  	s14 =	sadd.s32 s6, s10  }
0xc8: {  	[tilespmem:s28], [sflag:$0x8] =	stream.linear.gather [hbm4b:s14+s3], $0x80, $0x38;
	[tilespmem:$0x1C000] =	vst v63  }
0xc9: {  	_ =	swait.ge [sflag:s29], $0x80  }
0xca: {  	[sflag:s29] =	ssyncset.done $0x0  }
0xcb: {  	[sflag:s29] =	ssyncadd.s32 $0xFFFFFF80  }
0xcc: {  	_ =	swait.ge [sflag:s29], $0x80  }
0xcd: {  	[sflag:s29] =	ssyncset.done $0x0  }
0xce: {  	[sflag:s29] =	ssyncadd.s32 $0xFFFFFF80  }
0xcf: {  	[tilespmem:s30], [sflag:$0x2] =	stream.indirect.gather [hbm4b:s5+s18], $0x80, s18, s18, $0xb8;
	[tilespmem:$0x1C000] =	vst v63  }
0xd0: {  	_ =	swait.ge [sflag:s31], $0x4000  }
0xd1: {  	[sflag:s31] =	ssyncset.done $0x0  }
0xd2: {  	s15 =	simm.s32 $0x280;
	[sflag:s31] =	ssyncadd.s32 $0xFFFFC000  }
0xd3: {  	[spmem:s2] =	stream.indirect.scatter.add.f32 [tilespmem:s30], [sflag:$0x4], $0x80, s15, s18, $0xb8;
	[tilespmem:$0x1C000] =	vst v63  }
0xd4: {  	p0 =	seq.s32 s12, $0x4C0;
	_ =	swait.ge [sflag:s0], $0x4000  }
0xd5: {  	s13 =	simm.s32 @!p0 $0x0;
	s8 =	rddreg [dreg:$0x4]  }
0xd6: {  	s10 =	rddreg [dreg:$0x5];
	[sflag:s0] =	ssyncset.done $0x0;
	s8 =	sadd.s32 @!p0 s12, s8  }
0xd7: {  	[sflag:s0] =	ssyncadd.s32 $0xFFFFC000;
	s10 =	sadd.s32 @!p0 s12, s10;
	s14 =	sadd.s32 @!p0 $0x40, s8  }
0xd8: {  	[tilespmem:s13], [sflag:$0x5] =	stream.linear.gather @!p0 [hbm4b:s14+s13], $0x80, $0x38;
	[tilespmem:$0x1C000] =	vst v63  }
0xd9: {  	s12 =	sadd.s32 @!p0 $0x40, s10;
	s14 =	simm.s32 @!p0 $0x200  }
0xda: {  	[tilespmem:s14], [sflag:$0x5] =	stream.linear.gather @!p0 [hbm4b:s12+s13], $0x80, $0x38;
	[tilespmem:$0x1C000] =	vst v63  }
0xdb: {  	_ =	swait.ge [sflag:s4], $0x80  }
0xdc: {  	[sflag:s4] =	ssyncset.done $0x0  }
0xdd: {  	[sflag:s4] =	ssyncadd.s32 $0xFFFFFF80  }
0xde: {  	_ =	swait.ge [sflag:s4], $0x80  }
0xdf: {  	[sflag:s4] =	ssyncset.done $0x0  }
0xe0: {  	[sflag:s4] =	ssyncadd.s32 $0xFFFFFF80  }
0xe1: {  	[tilespmem:s23], [sflag:$0x1] =	stream.indirect.gather [hbm4b:s5+s18], $0x80, s20, s18, $0xb8;
	[tilespmem:$0x1C000] =	vst v63  }
0xe2: {  	_ =	swait.ge [sflag:s25], $0x4000  }
0xe3: {  	[sflag:s25] =	ssyncset.done $0x0  }
0xe4: {  	[sflag:s25] =	ssyncadd.s32 $0xFFFFC000  }
0xe5: {  	[spmem:s2] =	stream.indirect.scatter.add.f32 [tilespmem:s23], [sflag:$0x3], $0x80, s21, s18, $0xb8;
	[tilespmem:$0x1C000] =	vst v63  }
0xe6: {  	_ =	swait.ge [sflag:s7], $0x4000  }
0xe7: {  	[sflag:s7] =	ssyncset.done $0x0  }
0xe8: {  	s8 =	sadd.s32 @!p0 $0x50, s8;
	s12 =	simm.s32 @!p0 $0x80;
	[sflag:s7] =	ssyncadd.s32 $0xFFFFC000  }
0xe9: {  	[tilespmem:s12], [sflag:$0x6] =	stream.linear.gather @!p0 [hbm4b:s8+s13], $0x80, $0x38;
	[tilespmem:$0x1C000] =	vst v63  }
0xea: {  	s8 =	sadd.s32 @!p0 $0x50, s10;
	s10 =	simm.s32 @!p0 $0x280  }
0xeb: {  	[tilespmem:s10], [sflag:$0x6] =	stream.linear.gather @!p0 [hbm4b:s8+s13], $0x80, $0x38;
	[tilespmem:$0x1C000] =	vst v63  }
0xec: {  	_ =	swait.ge [sflag:s9], $0x80  }
0xed: {  	[sflag:s9] =	ssyncset.done $0x0  }
0xee: {  	[sflag:s9] =	ssyncadd.s32 $0xFFFFFF80  }
0xef: {  	_ =	swait.ge [sflag:s9], $0x80  }
0xf0: {  	[sflag:s9] =	ssyncset.done $0x0  }
0xf1: {  	[sflag:s9] =	ssyncadd.s32 $0xFFFFFF80  }
0xf2: {  	[tilespmem:s30], [sflag:$0x2] =	stream.indirect.gather [hbm4b:s5+s18], $0x80, s26, s18, $0xb8;
	[tilespmem:$0x1C000] =	vst v63  }
0xf3: {  	_ =	swait.ge [sflag:s31], $0x4000  }
0xf4: {  	[sflag:s31] =	ssyncset.done $0x0  }
0xf5: {  	[sflag:s31] =	ssyncadd.s32 $0xFFFFC000  }
0xf6: {  	[spmem:s2] =	stream.indirect.scatter.add.f32 [tilespmem:s30], [sflag:$0x4], $0x80, s28, s18, $0xb8;
	[tilespmem:$0x1C000] =	vst v63  }
0xf7: {  	_ =	swait.ge [sflag:s0], $0x4000  }
0xf8: {  	[sflag:s0] =	ssyncset.done $0x0  }
0xf9: {  	[sflag:s0] =	ssyncadd.s32 $0xFFFFC000  }
0xfa: {  	_ =	swait.ge [sflag:s7], $0x4000  }
0xfb: {  	[sflag:s7] =	ssyncset.done $0x0  }
0xfc: {  	[sflag:s7] =	ssyncadd.s32 $0xFFFFC000  }
0xfd: {  	[bflag:$0x0] =	sbarrier.arrive $0xFFFF  }
0xfe: {  	s15 =	rddreg [dreg:$0x7]  }
0xff: {  	s10 =	rddreg [dreg:$0xd]  }
0x100: {  	s12 =	simm.s32 $0x9;
	s16 =	rddreg [dreg:$0xe]  }
0x101: {  	[hbm:s16], [sflag:s15] =	dma.local [spmem:s10], $0x2780  }
0x102: {  	_ =	swait.ge [sflag:s12], $0x2780  }
0x103: {  	s17 =	rddreg [dreg:$0xf]  }
0x104: {  	s24 =	rddreg [dreg:$0xc];
	s13 =	sadd.s32 $0x1, s17  }
0x105: {  	p0 =	sne.s32 s13, s24  }
.Ltmp1:
0x106: {  	_ = 	snop;
	(pc) =	sbr.rel @p0 .LBB2_1-.Ltmp1, $3  }
0x107: {  	_ =	sdelay $0x1  }
0x108: {  	[sflag:s12] =	ssyncset.done $0x0  }
0x109: {  	[sflag:s12] =	ssyncadd.s32 $0xFFFFD880  }
0x10a: {  	_ =	sfence.sel $0x180000  }
0x10b: {  	[bflag:$0x0] =	sbarrier.arrive $0xFFFF  }
0x10c: {  	_ =	strace $0x9000004A  }
0x10d: {  	s0 =	stileid.u32;
	[bflag:$0x2] =	sbarrier.arrive $0xFFFF  }
0x10e: {  	p0 =	sne.s32 s0, $0x0;
	s0 =	rddreg [dreg:$0x3]  }
0x10f: {  	s0 =	sadd.s32 @!p0 $0x100000, s0  }
0x110: {  	[sflag:s0] =	ssyncadd.tile.s32 @!p0 $0x1;
	_ =	shalt  }
.Lfunc_end2:
_tile_overlayer_lowered:
.L_overlay_start_2:
0x111: {  	(tag) =	ssettag $0x2  }
0x112: {  	s0 =	rddreg [dreg:$0x0];
	s2 =	stileid.u32  }
0x113: {  	s1 =	rddreg [dreg:$0x1];
	p0 =	sne.s32 s2, $0x0  }
0x114: {  	s3 =	rddreg [dreg:$0x2];
	[bflag:$0x3] =	sbarrier.arrive $0xFFFF;
	s2 =	simm.s32 @!p0 $0x1C09  }
0x115: {  	[timem:s3], [sflag:s2] =	dma.local @!p0 [hbm:s0], s1  }
0x116: {  	s0 =	simm.s32 @!p0 $0x9  }
0x117: {  	_ =	swait.ge @!p0 [sflag:s0], s1  }
0x118: {  	s1 =	ssub.s32 @!p0 $0x0, s1;
	[sflag:s0] =	ssyncset.done @!p0 $0x0  }
0x119: {  	[sflag:s0] =	ssyncadd.s32 @!p0 s1  }
0x11a: {  	[bflag:$0x3] =	sbarrier.arrive $0xFFFF  }
0x11b: {  	_ =	shalt  }

// kernel: kernel.14.cloned.1.call-start
scs
__scs_entry_jumppad:
0x0: {  	(pc) =	sbr.rel $0x88, $3  }
0x1: {  	(tag) =	ssettag $0x0;
	lr =	simm.s32 $0x1  }
0x2: {  	[smem:$0x3F91] =	sst lr;
	_ =	strace $0xD0000000  }
0x3: {  	_ = 	snop  }
0x4: {  	_ = 	snop  }
0x5: {  	_ = 	snop  }
0x6: {  	_ = 	snop  }
0x7: {  	_ = 	snop  }
__scs_overlays_trampoline_lowered:
0x8: {  	[smem:$0x3FA0] =	sst s0  }
0x9: {  	[smem:$0x3FA1] =	sst s1  }
0xa: {  	[smem:$0x3FA2] =	sst s2  }
0xb: {  	[smem:$0x3FA3] =	sst s3  }
0xc: {  	[smem:$0x3FA4] =	sst s4  }
0xd: {  	[smem:$0x3FA5] =	sst s5  }
0xe: {  	[smem:$0x3FA6] =	sst s6  }
0xf: {  	[smem:$0x3FA7] =	sst s7  }
0x10: {  	[smem:$0x3FA8] =	sst s8  }
0x11: {  	[smem:$0x3FA9] =	sst s9;
	s0 =	simm.s32 @!p0 $0x0  }
0x12: {  	s1 =	sld [smem:$0x3F8F];
	s0 =	simm.s32 @p0 $0x1  }
0x13: {  	[smem:$0x3FAA] =	sst s0;
	s0 =	simm.s32 @!p1 $0x0  }
0x14: {  	s2 =	sld [smem:$0x3F8E];
	s0 =	simm.s32 @p1 $0x1  }
0x15: {  	[smem:$0x3FAB] =	sst s0;
	s0 =	simm.s32 @!p2 $0x0  }
0x16: {  	s3 =	sld [smem:$0x3FDB];
	s0 =	simm.s32 @p2 $0x1  }
0x17: {  	s4 =	simm.s32 $0x1BF5;
	[smem:$0x3FAD] =	sst s0  }
0x18: {  	s0 =	sld [smem:$0x3F90];
	_ =	swait.ge [sflag:s4], $0x0  }
0x19: {  	s7 =	sld [smem:$0x3F91]  }
0x1a: {  	s8 =	sadd.s32 $0xFFFFE003, lr  }
0x1b: {  	s9 =	sadd.s32 $0xFFFFFEF7, lr;
	s5 =	simm.s32 $0xFFFFFFFF;
	p2 =	slt.u32 s8, $0xFFFFF086  }
0x1c: {  	p1 =	slt.u32 s9, $0xF7A;
	s5 =	simm.s32 @!p2 $0x0  }
0x1d: {  	s5 =	simm.s32 @p1 $0x1;
	p0 =	seq.s32 s7, s2  }
0x1e: {  	s7 =	smul.u32 @!p0 $0xF7A, s2;
	p2 =	seq.s32 @!p0 s5, $0x0  }
0x1f: {  	s9 =	smul.u32 $0xF7A, s1;
	s8 =	simm.s32 @!p0 $0x1BF5;
	p2 =	por !p2, p0  }
0x20: {  	[sflag:s8] =	ssyncset.s32 @!p0 $0xFFFFF086;
	s6 =	sadd.s32 @!p0 s3, s7;
	s7 =	simm.s32 @!p0 $0x108  }
0x21: {  	s3 =	sadd.s32 s3, s9;
	s6 =	sadd.s32 @!p0 $0x88, s6;
	s7 =	simm.s32 @p2 $0x1082  }
0x22: {  	[simem:s7], [sflag:s8] =	dma.local @!p0 [hbm:s6], $0xF7A  }
0x23: {  	s9 =	sor.u32 $0xD0000000, s2;
	s6 =	simm.s32 $0x108;
	_ =	swait.ge @!p0 [sflag:s8], $0x0  }
0x24: {  	s3 =	sadd.s32 $0x88, s3;
	s6 =	simm.s32 @!p1 $0x1082;
	[sflag:s4] =	ssyncset.s32 $0xFFFFF086  }
0x25: {  	[simem:s6], [sflag:s4] =	dma.local [hbm:s3], $0xF7A  }
0x26: {  	[smem:$0x3F91] =	sst s1;
	(tag) =	ssettag s2;
	_ =	strace s9  }
0x27: {  	s1 =	sld [smem:$0x3FA1]  }
0x28: {  	s2 =	sld [smem:$0x3FA2]  }
0x29: {  	s4 =	sld [smem:$0x3FA4]  }
0x2a: {  	p0 =	seq.s32 s5, $0x0;
	s5 =	sld [smem:$0x3FA5]  }
0x2b: {  	s6 =	sld [smem:$0x3FA6]  }
0x2c: {  	s7 =	sld [smem:$0x3FA7]  }
0x2d: {  	s3 =	simm.s32 $0x108;
	s8 =	sld [smem:$0x3FA8]  }
0x2e: {  	s3 =	simm.s32 @!p0 $0x1082;
	s9 =	sld [smem:$0x3FA9]  }
0x2f: {  	lr =	sadd.s32 s0, s3;
	s0 =	sld [smem:$0x3FA0]  }
0x30: {  	s3 =	sld [smem:$0x3FA3]  }
0x31: {  	[smem:$0x3FAC] =	sst s10  }
0x32: {  	s10 =	sld [smem:$0x3FAA];
	_ =	sdelay $0x3  }
0x33: {  	p0 =	seq.s32 s10, $0x1;
	s10 =	sld [smem:$0x3FAC];
	_ =	sdelay $0x3  }
0x34: {  	[smem:$0x3FAC] =	sst s10  }
0x35: {  	s10 =	sld [smem:$0x3FAB];
	_ =	sdelay $0x3  }
0x36: {  	p1 =	seq.s32 s10, $0x1;
	s10 =	sld [smem:$0x3FAC];
	_ =	sdelay $0x3  }
0x37: {  	[smem:$0x3FAC] =	sst s10  }
0x38: {  	s10 =	sld [smem:$0x3FAD]  }
0x39: {  	_ = 	snop;
	(pc) =	sbr.ind lr, $3  }
0x3a: {  	_ = 	snop  }
0x3b: {  	_ = 	snop  }
0x3c: {  	p2 =	seq.s32 s10, $0x1;
	s10 =	sld [smem:$0x3FAC]  }
0x3d: {  	_ =	shalt  }
0x3e: {  	_ =	shalt  }
0x3f: {  	_ =	shalt  }
0x40: {  	_ =	shalt  }
0x41: {  	_ =	shalt  }
0x42: {  	_ =	shalt  }
0x43: {  	_ =	shalt  }
0x44: {  	_ =	shalt  }
0x45: {  	_ =	shalt  }
0x46: {  	_ =	shalt  }
0x47: {  	_ =	shalt  }
0x48: {  	_ =	shalt  }
0x49: {  	_ =	shalt  }
0x4a: {  	_ =	shalt  }
0x4b: {  	_ =	shalt  }
0x4c: {  	_ =	shalt  }
0x4d: {  	_ =	shalt  }
0x4e: {  	_ =	shalt  }
0x4f: {  	_ =	shalt  }
0x50: {  	_ =	shalt  }
0x51: {  	_ =	shalt  }
0x52: {  	_ =	shalt  }
0x53: {  	_ =	shalt  }
0x54: {  	_ =	shalt  }
0x55: {  	_ =	shalt  }
0x56: {  	_ =	shalt  }
0x57: {  	_ =	shalt  }
0x58: {  	_ =	shalt  }
0x59: {  	_ =	shalt  }
0x5a: {  	_ =	shalt  }
0x5b: {  	_ =	shalt  }
0x5c: {  	_ =	shalt  }
0x5d: {  	_ =	shalt  }
0x5e: {  	_ =	shalt  }
0x5f: {  	_ =	shalt  }
0x60: {  	_ =	shalt  }
0x61: {  	_ =	shalt  }
0x62: {  	_ =	shalt  }
0x63: {  	_ =	shalt  }
0x64: {  	_ =	shalt  }
0x65: {  	_ =	shalt  }
0x66: {  	_ =	shalt  }
0x67: {  	_ =	shalt  }
0x68: {  	_ =	shalt  }
0x69: {  	_ =	shalt  }
0x6a: {  	_ =	shalt  }
0x6b: {  	_ =	shalt  }
0x6c: {  	_ =	shalt  }
0x6d: {  	_ =	shalt  }
0x6e: {  	_ =	shalt  }
0x6f: {  	_ =	shalt  }
0x70: {  	_ =	shalt  }
0x71: {  	_ =	shalt  }
0x72: {  	_ =	shalt  }
0x73: {  	_ =	shalt  }
0x74: {  	_ =	shalt  }
0x75: {  	_ =	shalt  }
0x76: {  	_ =	shalt  }
0x77: {  	_ =	shalt  }
0x78: {  	_ =	shalt  }
0x79: {  	_ =	shalt  }
0x7a: {  	_ =	shalt  }
0x7b: {  	_ =	shalt  }
0x7c: {  	_ =	shalt  }
0x7d: {  	_ =	shalt  }
0x7e: {  	_ =	shalt  }
0x7f: {  	_ =	shalt  }
0x80: {  	_ =	shalt  }
0x81: {  	_ =	shalt  }
0x82: {  	_ =	shalt  }
0x83: {  	_ =	shalt  }
0x84: {  	_ =	shalt  }
0x85: {  	_ =	shalt  }
0x86: {  	_ =	shalt  }
0x87: {  	_ =	shalt  }
.Lfunc_end0:
.L_simem_size_0:
called_computation.2_lowered:
.L_overlay_start_0:
0x88: {  	s2 =	sld [smem:$0x3FD9]  }
0x89: {  	s3 =	sld [smem:$0x3FFE];
	_ =	sdelay $0x1  }
0x8a: {  	s1 =	srdreg.scid  }
0x8b: {  	s0 =	sand.u32 $0x1, s1  }
0x8c: {  	s17 =	sshll.u32 s0, $0xA;
	s2 =	sadd.s32 s3, s2  }
0x8d: {  	s2 =	sadd.s32 s2, s17  }
0x8e: {  	[smem:$0x3FB8] =	sst s2  }
0x8f: {  	_ = 	snop  }
0x90: {  	s2 =	sld [smem:$0x3FD0];
	(tm) =	ssettm $0x1  }
0x91: {  	s18 =	sld [smem:$0x3FFB];
	_ =	sdelay $0x3  }
0x92: {  	_ =	strace s18  }
0x93: {  	s3 =	sld [smem:$0x3FFC];
	_ =	sdelay $0x3  }
0x94: {  	_ =	strace s3  }
0x95: {  	s3 =	sld [smem:$0x3FFD];
	_ =	sdelay $0x3  }
0x96: {  	_ =	strace s3  }
0x97: {  	_ =	strace $0x8FFFFFFF  }
0x98: {  	s19 =	sld [smem:$0x3FDB];
	_ =	sdelay $0x1  }
0x99: {  	s4 =	simm.s32 $_scs_section_size  }
0x9a: {  	s5 =	simm.s32 $_size__tile_overlayer_lowered;
	s6 =	simm.s32 $_tile_overlayer_lowered  }
0x9b: {  	s22 =	simm.s32 $0x1BFF;
	s21 =	sshll.u32 s6, $0x1;
	s3 =	sadd.s32 s4, s19  }
0x9c: {  	s7 =	simm.s32 $0x0;
	s20 =	sshll.u32 s5, $0x1;
	s5 =	sadd.s32 s21, s3  }
0x9d: {  	[timem:s7], [sflag:s22] =	dma.local [hbm:s5], s20  }
0x9e: {  	_ =	swait.ge [sflag:s22], s20  }
0x9f: {  	s4 =	ssub.s32 $0x0, s20;
	[sflag:s22] =	ssyncset.done $0x0  }
0xa0: {  	[sflag:s22] =	ssyncadd.s32 s4;
	_ =	sdelay $0x1  }
0xa1: {  	s23 =	simm.s32 $0x1B8B  }
0xa2: {  	_ =	swait.ge [sflag:s23], $0x1  }
0xa3: {  	[sflag:s23] =	ssyncset.done $0x0  }
0xa4: {  	s25 =	simm.s32 $0x1B8E;
	s24 =	sld [smem:$0x3FFE];
	[sflag:s23] =	ssyncadd.s32 $0xFFFFFFFF  }
0xa5: {  	s26 =	simm.s32 $execute0_lowered;
	[smem:$0x3FD2] =	sst s25  }
0xa6: {  	s5 =	sshll.u32 s26, $0x1;
	_ =	strace $0x8000004C;
	[dreg:$0x1] =	wrdreg $0xFFFFFFFF  }
0xa7: {  	s28 =	simm.s32 $_size_execute0_lowered;
	s3 =	sadd.s32 s3, s5;
	[dreg:$0x0] =	wrdreg $0x0  }
0xa8: {  	s5 =	sshll.u32 s28, $0x1;
	[dreg:$0x2] =	wrdreg s3  }
0xa9: {  	[dreg:$0x3] =	wrdreg s5  }
0xaa: {  	[dreg:$0x4] =	wrdreg $0xC0  }
0xab: {  	_ =	task [dreg:s7], $0x5FFFF  }
0xac: {  	[dreg:$0x1] =	wrdreg $0xFFFFFFFF  }
0xad: {  	[dreg:$0x0] =	wrdreg $0x60  }
0xae: {  	[dreg:$0x2] =	wrdreg s24  }
0xaf: {  	[dreg:$0x3] =	wrdreg s2  }
0xb0: {  	[dreg:$0x4] =	wrdreg $0x84000  }
0xb1: {  	[dreg:$0x5] =	wrdreg $0x9  }
0xb2: {  	_ =	task.clear_ibuf [dreg:s7], $0x6FFFF;
	_ =	strace $0x9000004C  }
0xb3: {  	s29 =	simm.s32 $0x9;
	_ =	strace $0x8000004E  }
0xb4: {  	_ =	swait.ge [sflag:s29], $0x1  }
0xb5: {  	[sflag:s29] =	ssyncadd.s32 $0xFFFFFFFF  }
0xb6: {  	_ =	strace $0x9000004E  }
0xb7: {  	_ =	sfence  }
0xb8: {  	s30 =	sld [smem:$0x0];
	_ =	sdelay $0x2  }
0xb9: {  	s31 =	sshll.u32 s1, $0xD;
	s1 =	sshrl.u32 s1, $0x2  }
0xba: {  	s3 =	sand.u32 $0x4000, s31;
	s1 =	sadd.s32 s1, s30  }
0xbb: {  	s0 =	sor.u32 s3, s0;
	s1 =	sshll.u32 s1, $0x11  }
0xbc: {  	s0 =	sor.u32 s1, s0  }
0xbd: {  	s0 =	sadd.s32 $0x8F2B, s0  }
0xbe: {  	[sflag:s0] =	ssyncadd.remote.s32 $0x1  }
0xbf: {  	_ =	sfence.sel $0xFFFF  }
0xc0: {  	[dreg:$0x0] =	wrdreg $0xFFFFFFFF;
	(pc) =	sbr.abs _section_cstart, $3  }
0xc1: {  	[dreg:$0x1] =	wrdreg $0xFFFFFFFF  }
0xc2: {  	_ =	task.clear_ibuf [dreg:s7], $0x2FFFF;
	_ =	strace $0x9FFFFFFF  }
0xc3: {  	(tm) =	ssettm $0x7FFFFFFF  }
tec
execute0_lowered:
.L_overlay_start_1:
0x0: {  	(tag) =	ssettag $0x1  }
0x1: {  	s0 =	rddreg [dreg:$0x0]  }
0x2: {  	s1 =	rddreg [dreg:$0x1]  }
0x3: {  	s2 =	rddreg [dreg:$0x2]  }
0x4: {  	s3 =	simm.s32 $0x0;
	s4 =	srdreg.scid;
	s14 =	stileid.u32  }
0x5: {  	s28 =	simm.s32 $0x380;
	s29 =	simm.s32 $0x6;
	s30 =	simm.s32 $0x4400  }
0x6: {  	s31 =	simm.s32 $0x2;
	[smem:$0x7FF] =	sst s3;
	s5 =	sadd.s32 $0x5F400, s0  }
0x7: {  	s4 =	sand.u32 $0x1, s4;
	s6 =	sadd.s32 $0x4800, s0;
	s10 =	smul.u32 $0x4F000, s14  }
0x8: {  	s8 =	sshll.u32 s14, $0x1;
	s11 =	sadd.s32 $0xE800, s0;
	s16 =	smul.u32 $0xA00, s14  }
0x9: {  	s18 =	sshll.u32 s14, $0x6;
	s26 =	smul.u32 $0x2780, s14;
	_ =	strace $0x8000004D  }
0xa: {  	s7 =	smul.u32 $0x27800, s4;
	s9 =	ssub.s32 $0x2, s4;
	s8 =	sor.u32 s4, s8  }
0xb: {  	[dreg:$0x6] =	wrdreg s11;
	s4 =	smul.u32 $0x500, s4;
	s15 =	sshrl.u32 s9, $0x1  }
0xc: {  	s12 =	smul.u32 $0x500, s8;
	s17 =	sshrl.u32 s10, $0x2;
	s0 =	sadd.s32 s7, s0  }
0xd: {  	s7 =	ssub.s32 s9, s15;
	s13 =	sadd.s32 s17, s2;
	s15 =	sor.u32 $0x1C09, s18  }
0xe: {  	s11 =	sadd.s32 s4, s16;
	s18 =	simm.s32 $0x80;
	s4 =	simm.s32 $0x7  }
0xf: {  	s9 =	simm.s32 $0x8;
	s19 =	sadd.s32 s1, s12;
	s20 =	sadd.s32 s6, s12  }
0x10: {  	s21 =	sor.u32 $0x10, s12;
	s24 =	sadd.s32 s1, s11;
	[dreg:$0x7] =	wrdreg s15  }
0x11: {  	s0 =	sadd.s32 $0x86600, s0;
	s25 =	sadd.s32 s6, s11;
	[dreg:$0x8] =	wrdreg s19  }
0x12: {  	s7 =	smax.u32 s7, $0x1;
	s10 =	sshrl.u32 s13, $0x3;
	[dreg:$0x9] =	wrdreg s20  }
0x13: {  	s12 =	simm.s32 $0x9;
	s13 =	simm.s32 $0x0;
	[dreg:$0x4] =	wrdreg s24  }
0x14: {  	s22 =	sadd.s32 s1, s21;
	s23 =	sadd.s32 s6, s21;
	[dreg:$0xc] =	wrdreg s7  }
0x15: {  	[dreg:$0x5] =	wrdreg s25;
	s20 =	simm.s32 $0x100;
	s21 =	simm.s32 $0x300  }
0x16: {  	s0 =	sadd.s32 s26, s0;
	s25 =	simm.s32 $0x1;
	[dreg:$0xd] =	wrdreg s10  }
0x17: {  	s26 =	simm.s32 $0x180;
	s7 =	simm.s32 $0x4;
	[dreg:$0xa] =	wrdreg s22  }
0x18: {  	s19 =	simm.s32 $0x200;
	[dreg:$0xb] =	wrdreg s23;
	s22 =	simm.s32 $0x5  }
0x19: {  	s23 =	simm.s32 $0x400;
	[dreg:$0xe] =	wrdreg s0;
	s0 =	simm.s32 $0x3  }
.LBB2_1:
0x1a: {  	[dreg:$0xf] =	wrdreg s13  }
0x1b: {  	s8 =	rddreg [dreg:$0x6]  }
0x1c: {  	[spmem:s10], [sflag:s15] =	dma.local [hbm:s8], $0x2780  }
0x1d: {  	_ =	swait.ge [sflag:s12], $0x2780  }
0x1e: {  	[sflag:s12] =	ssyncset.done $0x0  }
0x1f: {  	s16 =	rddreg [dreg:$0x8];
	[sflag:s12] =	ssyncadd.s32 $0xFFFFD880  }
0x20: {  	[tilespmem:s3], [sflag:$0x5] =	stream.linear.gather [hbm4b:s16+s3], $0x80, $0x38;
	[tilespmem:$0x1C000] =	vst v63  }
0x21: {  	s10 =	simm.s32 $0x200;
	s17 =	rddreg [dreg:$0x9]  }
0x22: {  	[tilespmem:s10], [sflag:$0x5] =	stream.linear.gather [hbm4b:s17+s3], $0x80, $0x38;
	[tilespmem:$0x1C000] =	vst v63  }
0x23: {  	p0 =	por $0x1, $0x1;
	s13 =	sadd.s32 $0x0, s11;
	s24 =	rddreg [dreg:$0xa]  }
0x24: {  	[tilespmem:s18], [sflag:$0x6] =	stream.linear.gather [hbm4b:s24+s3], $0x80, $0x38;
	[tilespmem:$0x1C000] =	vst v63  }
0x25: {  	s15 =	simm.s32 $0x280;
	s14 =	simm.s32 @!p0 $0x3;
	s12 =	rddreg [dreg:$0xb]  }
0x26: {  	[tilespmem:s15], [sflag:$0x6] =	stream.linear.gather [hbm4b:s12+s3], $0x80, $0x38;
	[tilespmem:$0x1C000] =	vst v63  }
0x27: {  	s16 =	sand.u32 $0x40, s3;
	s12 =	sand.u32 $0xFFFFF80, s13;
	[bflag:$0x0] =	sbarrier.arrive $0xFFFF  }
0x28: {  	s12 =	sor.u32 s12, s16;
	_ =	swait.ge @!p0 [sflag:s14], $0x4000  }
0x29: {  	s13 =	sor.u32 $0x20, s12;
	[sflag:s14] =	ssyncset.done @!p0 $0x0  }
0x2a: {  	s17 =	sadd.s32 s1, s13;
	[sflag:s14] =	ssyncadd.s32 @!p0 $0xFFFFC000  }
0x2b: {  	[tilespmem:s20], [sflag:$0x7] =	stream.linear.gather [hbm4b:s17+s3], $0x80, $0x38;
	[tilespmem:$0x1C000] =	vst v63  }
0x2c: {  	s13 =	sadd.s32 s6, s13  }
0x2d: {  	[tilespmem:s21], [sflag:$0x7] =	stream.linear.gather [hbm4b:s13+s3], $0x80, $0x38;
	[tilespmem:$0x1C000] =	vst v63  }
0x2e: {  	_ =	swait.ge [sflag:s22], $0x80  }
0x2f: {  	[sflag:s22] =	ssyncset.done $0x0  }
0x30: {  	[sflag:s22] =	ssyncadd.s32 $0xFFFFFF80  }
0x31: {  	_ =	swait.ge [sflag:s22], $0x80  }
0x32: {  	[sflag:s22] =	ssyncset.done $0x0  }
0x33: {  	[sflag:s22] =	ssyncadd.s32 $0xFFFFFF80  }
0x34: {  	[tilespmem:s23], [sflag:$0x1] =	stream.indirect.gather [hbm4b:s5+s18], $0x80, s3, s18, $0xb8;
	[tilespmem:$0x1C000] =	vst v63  }
0x35: {  	_ =	swait.ge [sflag:s25], $0x4000  }
0x36: {  	[sflag:s25] =	ssyncset.done $0x0  }
0x37: {  	s13 =	simm.s32 @!p0 $0x4;
	[sflag:s25] =	ssyncadd.s32 $0xFFFFC000  }
0x38: {  	[spmem:s2] =	stream.indirect.scatter.add.f32 [tilespmem:s23], [sflag:$0x3], $0x80, s10, s18, $0xb8;
	[tilespmem:$0x1C000] =	vst v63  }
0x39: {  	_ =	swait.ge @!p0 [sflag:s13], $0x4000  }
0x3a: {  	s12 =	sor.u32 $0x30, s12;
	[sflag:s13] =	ssyncset.done @!p0 $0x0  }
0x3b: {  	s24 =	sadd.s32 s1, s12;
	[sflag:s13] =	ssyncadd.s32 @!p0 $0xFFFFC000  }
0x3c: {  	[tilespmem:s26], [sflag:$0x8] =	stream.linear.gather [hbm4b:s24+s3], $0x80, $0x38;
	[tilespmem:$0x1C000] =	vst v63  }
0x3d: {  	s12 =	sadd.s32 s6, s12  }
0x3e: {  	[tilespmem:s28], [sflag:$0x8] =	stream.linear.gather [hbm4b:s12+s3], $0x80, $0x38;
	[tilespmem:$0x1C000] =	vst v63  }
0x3f: {  	_ =	swait.ge [sflag:s29], $0x80  }
0x40: {  	[sflag:s29] =	ssyncset.done $0x0  }
0x41: {  	[sflag:s29] =	ssyncadd.s32 $0xFFFFFF80  }
0x42: {  	_ =	swait.ge [sflag:s29], $0x80  }
0x43: {  	[sflag:s29] =	ssyncset.done $0x0  }
0x44: {  	[sflag:s29] =	ssyncadd.s32 $0xFFFFFF80  }
0x45: {  	[tilespmem:s30], [sflag:$0x2] =	stream.indirect.gather [hbm4b:s5+s18], $0x80, s18, s18, $0xb8;
	[tilespmem:$0x1C000] =	vst v63  }
0x46: {  	_ =	swait.ge [sflag:s31], $0x4000  }
0x47: {  	[sflag:s31] =	ssyncset.done $0x0  }
0x48: {  	[sflag:s31] =	ssyncadd.s32 $0xFFFFC000  }
0x49: {  	[spmem:s2] =	stream.indirect.scatter.add.f32 [tilespmem:s30], [sflag:$0x4], $0x80, s15, s18, $0xb8;
	[tilespmem:$0x1C000] =	vst v63  }
0x4a: {  	p0 =	por $0x0, $0x0;
	_ =	swait.ge [sflag:s0], $0x4000  }
0x4b: {  	s14 =	simm.s32 @!p0 $0x0;
	s12 =	rddreg [dreg:$0x4]  }
0x4c: {  	s13 =	rddreg [dreg:$0x5];
	[sflag:s0] =	ssyncset.done $0x0;
	s12 =	sadd.s32 @!p0 $0x0, s12  }
0x4d: {  	[sflag:s0] =	ssyncadd.s32 $0xFFFFC000;
	s13 =	sadd.s32 @!p0 $0x0, s13;
	s24 =	sadd.s32 @!p0 $0x40, s12  }
0x4e: {  	[tilespmem:s14], [sflag:$0x5] =	stream.linear.gather @!p0 [hbm4b:s24+s14], $0x80, $0x38;
	[tilespmem:$0x1C000] =	vst v63  }
0x4f: {  	s8 =	simm.s32 @!p0 $0x200;
	s24 =	sadd.s32 @!p0 $0x40, s13  }
0x50: {  	[tilespmem:s8], [sflag:$0x5] =	stream.linear.gather @!p0 [hbm4b:s24+s14], $0x80, $0x38;
	[tilespmem:$0x1C000] =	vst v63  }
0x51: {  	_ =	swait.ge [sflag:s4], $0x80  }
0x52: {  	[sflag:s4] =	ssyncset.done $0x0  }
0x53: {  	[sflag:s4] =	ssyncadd.s32 $0xFFFFFF80  }
0x54: {  	_ =	swait.ge [sflag:s4], $0x80  }
0x55: {  	[sflag:s4] =	ssyncset.done $0x0  }
0x56: {  	[sflag:s4] =	ssyncadd.s32 $0xFFFFFF80  }
0x57: {  	[tilespmem:s23], [sflag:$0x1] =	stream.indirect.gather [hbm4b:s5+s18], $0x80, s20, s18, $0xb8;
	[tilespmem:$0x1C000] =	vst v63  }
0x58: {  	_ =	swait.ge [sflag:s25], $0x4000  }
0x59: {  	[sflag:s25] =	ssyncset.done $0x0  }
0x5a: {  	[sflag:s25] =	ssyncadd.s32 $0xFFFFC000  }
0x5b: {  	[spmem:s2] =	stream.indirect.scatter.add.f32 [tilespmem:s23], [sflag:$0x3], $0x80, s21, s18, $0xb8;
	[tilespmem:$0x1C000] =	vst v63  }
0x5c: {  	_ =	swait.ge [sflag:s7], $0x4000  }
0x5d: {  	[sflag:s7] =	ssyncset.done $0x0  }
0x5e: {  	s8 =	sadd.s32 @!p0 $0x50, s12;
	s12 =	simm.s32 @!p0 $0x80;
	[sflag:s7] =	ssyncadd.s32 $0xFFFFC000  }
0x5f: {  	[tilespmem:s12], [sflag:$0x6] =	stream.linear.gather @!p0 [hbm4b:s8+s14], $0x80, $0x38;
	[tilespmem:$0x1C000] =	vst v63  }
0x60: {  	s8 =	sadd.s32 @!p0 $0x50, s13;
	s12 =	simm.s32 @!p0 $0x280  }
0x61: {  	[tilespmem:s12], [sflag:$0x6] =	stream.linear.gather @!p0 [hbm4b:s8+s14], $0x80, $0x38;
	[tilespmem:$0x1C000] =	vst v63  }
0x62: {  	_ =	swait.ge [sflag:s9], $0x80  }
0x63: {  	[sflag:s9] =	ssyncset.done $0x0  }
0x64: {  	[sflag:s9] =	ssyncadd.s32 $0xFFFFFF80  }
0x65: {  	p1 =	por $0x0, $0x0;
	_ =	swait.ge [sflag:s9], $0x80  }
0x66: {  	s24 =	sadd.s32 $0x40, s11;
	s12 =	simm.s32 $0x40;
	[sflag:s9] =	ssyncset.done $0x0  }
0x67: {  	s14 =	simm.s32 $0x80;
	s13 =	sand.u32 $0x40, s12;
	[sflag:s9] =	ssyncadd.s32 $0xFFFFFF80  }
0x68: {  	[tilespmem:s30], [sflag:$0x2] =	stream.indirect.gather [hbm4b:s5+s18], $0x80, s26, s18, $0xb8;
	[tilespmem:$0x1C000] =	vst v63  }
.LBB2_2:
0x69: {  	_ =	swait.ge [sflag:s31], $0x4000  }
0x6a: {  	[sflag:s31] =	ssyncset.done $0x0  }
0x6b: {  	s8 =	simm.s32 @!p1 $0x3;
	s24 =	sand.u32 $0xFFFFF80, s24;
	[sflag:s31] =	ssyncadd.s32 $0xFFFFC000  }
0x6c: {  	[spmem:s2] =	stream.indirect.scatter.add.f32 [tilespmem:s30], [sflag:$0x4], $0x80, s28, s18, $0xb8;
	[tilespmem:$0x1C000] =	vst v63  }
0x6d: {  	s24 =	sor.u32 s24, s13;
	_ =	swait.ge @!p1 [sflag:s8], $0x4000  }
0x6e: {  	s15 =	sor.u32 $0x20, s24;
	[sflag:s8] =	ssyncset.done @!p1 $0x0  }
0x6f: {  	s17 =	sadd.s32 s1, s15;
	[sflag:s8] =	ssyncadd.s32 @!p1 $0xFFFFC000  }
0x70: {  	[tilespmem:s20], [sflag:$0x7] =	stream.linear.gather [hbm4b:s17+s3], $0x80, $0x38;
	[tilespmem:$0x1C000] =	vst v63  }
0x71: {  	s10 =	sadd.s32 s6, s15  }
0x72: {  	[tilespmem:s21], [sflag:$0x7] =	stream.linear.gather [hbm4b:s10+s3], $0x80, $0x38;
	[tilespmem:$0x1C000] =	vst v63  }
0x73: {  	_ =	swait.ge [sflag:s22], $0x80  }
0x74: {  	[sflag:s22] =	ssyncset.done $0x0  }
0x75: {  	[sflag:s22] =	ssyncadd.s32 $0xFFFFFF80  }
0x76: {  	_ =	swait.ge [sflag:s22], $0x80  }
0x77: {  	[sflag:s22] =	ssyncset.done $0x0  }
0x78: {  	[sflag:s22] =	ssyncadd.s32 $0xFFFFFF80  }
0x79: {  	[tilespmem:s23], [sflag:$0x1] =	stream.indirect.gather [hbm4b:s5+s18], $0x80, s3, s18, $0xb8;
	[tilespmem:$0x1C000] =	vst v63  }
0x7a: {  	_ =	swait.ge [sflag:s25], $0x4000  }
0x7b: {  	[sflag:s25] =	ssyncset.done $0x0  }
0x7c: {  	s8 =	simm.s32 @!p1 $0x4;
	[sflag:s25] =	ssyncadd.s32 $0xFFFFC000  }
0x7d: {  	[spmem:s2] =	stream.indirect.scatter.add.f32 [tilespmem:s23], [sflag:$0x3], $0x80, s19, s18, $0xb8;
	[tilespmem:$0x1C000] =	vst v63  }
0x7e: {  	_ =	swait.ge @!p1 [sflag:s8], $0x4000  }
0x7f: {  	s16 =	sor.u32 $0x30, s24;
	[sflag:s8] =	ssyncset.done @!p1 $0x0  }
0x80: {  	s15 =	sadd.s32 s1, s16;
	[sflag:s8] =	ssyncadd.s32 @!p1 $0xFFFFC000  }
0x81: {  	[tilespmem:s26], [sflag:$0x8] =	stream.linear.gather [hbm4b:s15+s3], $0x80, $0x38;
	[tilespmem:$0x1C000] =	vst v63  }
0x82: {  	s16 =	sadd.s32 s6, s16  }
0x83: {  	[tilespmem:s28], [sflag:$0x8] =	stream.linear.gather [hbm4b:s16+s3], $0x80, $0x38;
	[tilespmem:$0x1C000] =	vst v63  }
0x84: {  	_ =	swait.ge [sflag:s29], $0x80  }
0x85: {  	[sflag:s29] =	ssyncset.done $0x0  }
0x86: {  	[sflag:s29] =	ssyncadd.s32 $0xFFFFFF80  }
0x87: {  	_ =	swait.ge [sflag:s29], $0x80  }
0x88: {  	[sflag:s29] =	ssyncset.done $0x0  }
0x89: {  	[sflag:s29] =	ssyncadd.s32 $0xFFFFFF80  }
0x8a: {  	[tilespmem:s30], [sflag:$0x2] =	stream.indirect.gather [hbm4b:s5+s18], $0x80, s18, s18, $0xb8;
	[tilespmem:$0x1C000] =	vst v63  }
0x8b: {  	_ =	swait.ge [sflag:s31], $0x4000  }
0x8c: {  	[sflag:s31] =	ssyncset.done $0x0  }
0x8d: {  	s17 =	simm.s32 $0x280;
	[sflag:s31] =	ssyncadd.s32 $0xFFFFC000  }
0x8e: {  	[spmem:s2] =	stream.indirect.scatter.add.f32 [tilespmem:s30], [sflag:$0x4], $0x80, s17, s18, $0xb8;
	[tilespmem:$0x1C000] =	vst v63  }
0x8f: {  	p1 =	seq.s32 s12, $0x4C0;
	_ =	swait.ge [sflag:s0], $0x4000  }
0x90: {  	s16 =	simm.s32 @!p1 $0x0;
	s8 =	rddreg [dreg:$0x4]  }
0x91: {  	s15 =	rddreg [dreg:$0x5];
	[sflag:s0] =	ssyncset.done $0x0;
	s8 =	sadd.s32 @!p1 s12, s8  }
0x92: {  	[sflag:s0] =	ssyncadd.s32 $0xFFFFC000;
	s15 =	sadd.s32 @!p1 s12, s15;
	s10 =	sadd.s32 @!p1 $0x40, s8  }
0x93: {  	[tilespmem:s16], [sflag:$0x5] =	stream.linear.gather @!p1 [hbm4b:s10+s16], $0x80, $0x38;
	[tilespmem:$0x1C000] =	vst v63  }
0x94: {  	s17 =	simm.s32 @!p1 $0x200;
	s10 =	sadd.s32 @!p1 $0x40, s15  }
0x95: {  	[tilespmem:s17], [sflag:$0x5] =	stream.linear.gather @!p1 [hbm4b:s10+s16], $0x80, $0x38;
	[tilespmem:$0x1C000] =	vst v63  }
0x96: {  	_ =	swait.ge [sflag:s4], $0x80  }
0x97: {  	[sflag:s4] =	ssyncset.done $0x0  }
0x98: {  	[sflag:s4] =	ssyncadd.s32 $0xFFFFFF80  }
0x99: {  	_ =	swait.ge [sflag:s4], $0x80  }
0x9a: {  	[sflag:s4] =	ssyncset.done $0x0  }
0x9b: {  	[sflag:s4] =	ssyncadd.s32 $0xFFFFFF80  }
0x9c: {  	[tilespmem:s23], [sflag:$0x1] =	stream.indirect.gather [hbm4b:s5+s18], $0x80, s20, s18, $0xb8;
	[tilespmem:$0x1C000] =	vst v63  }
0x9d: {  	_ =	swait.ge [sflag:s25], $0x4000  }
0x9e: {  	[sflag:s25] =	ssyncset.done $0x0  }
0x9f: {  	[sflag:s25] =	ssyncadd.s32 $0xFFFFC000  }
0xa0: {  	[spmem:s2] =	stream.indirect.scatter.add.f32 [tilespmem:s23], [sflag:$0x3], $0x80, s21, s18, $0xb8;
	[tilespmem:$0x1C000] =	vst v63  }
0xa1: {  	_ =	swait.ge [sflag:s7], $0x4000  }
0xa2: {  	[sflag:s7] =	ssyncset.done $0x0  }
0xa3: {  	s8 =	sadd.s32 @!p1 $0x50, s8;
	s10 =	simm.s32 @!p1 $0x80;
	[sflag:s7] =	ssyncadd.s32 $0xFFFFC000  }
0xa4: {  	[tilespmem:s10], [sflag:$0x6] =	stream.linear.gather @!p1 [hbm4b:s8+s16], $0x80, $0x38;
	[tilespmem:$0x1C000] =	vst v63  }
0xa5: {  	s13 =	sand.u32 $0x40, s14;
	s8 =	sadd.s32 @!p1 $0x50, s15;
	s10 =	simm.s32 @!p1 $0x280  }
0xa6: {  	[tilespmem:s10], [sflag:$0x6] =	stream.linear.gather @!p1 [hbm4b:s8+s16], $0x80, $0x38;
	[tilespmem:$0x1C000] =	vst v63  }
0xa7: {  	s24 =	smov.u32 s14;
	s14 =	sadd.s32 $0x40, s14;
	_ =	swait.ge [sflag:s9], $0x80  }
0xa8: {  	p0 =	sne.s32 s14, $0x500;
	[sflag:s9] =	ssyncset.done $0x0  }
.Ltmp0:
0xa9: {  	[sflag:s9] =	ssyncadd.s32 $0xFFFFFF80;
	(pc) =	sbr.rel @p0 .LBB2_2-.Ltmp0, $4  }
0xaa: {  	_ =	swait.ge [sflag:s9], $0x80  }
0xab: {  	s12 =	smov.u32 s24;
	[sflag:s9] =	ssyncset.done $0x0  }
0xac: {  	s24 =	sadd.s32 s12, s11;
	p1 =	seq.s32 s12, $0x0;
	[sflag:s9] =	ssyncadd.s32 $0xFFFFFF80  }
0xad: {  	[tilespmem:s30], [sflag:$0x2] =	stream.indirect.gather [hbm4b:s5+s18], $0x80, s26, s18, $0xb8;
	[tilespmem:$0x1C000] =	vst v63  }
0xae: {  	_ =	swait.ge [sflag:s31], $0x4000  }
0xaf: {  	[sflag:s31] =	ssyncset.done $0x0  }
0xb0: {  	s8 =	simm.s32 @!p1 $0x3;
	s10 =	sand.u32 $0xFFFFF80, s24;
	[sflag:s31] =	ssyncadd.s32 $0xFFFFC000  }
0xb1: {  	[spmem:s2] =	stream.indirect.scatter.add.f32 [tilespmem:s30], [sflag:$0x4], $0x80, s28, s18, $0xb8;
	[tilespmem:$0x1C000] =	vst v63  }
0xb2: {  	s10 =	sor.u32 s10, s13;
	_ =	swait.ge @!p1 [sflag:s8], $0x4000  }
0xb3: {  	s13 =	sor.u32 $0x20, s10;
	[sflag:s8] =	ssyncset.done @!p1 $0x0  }
0xb4: {  	s17 =	sadd.s32 s1, s13;
	[sflag:s8] =	ssyncadd.s32 @!p1 $0xFFFFC000  }
0xb5: {  	[tilespmem:s20], [sflag:$0x7] =	stream.linear.gather [hbm4b:s17+s3], $0x80, $0x38;
	[tilespmem:$0x1C000] =	vst v63  }
0xb6: {  	s24 =	sadd.s32 s6, s13  }
0xb7: {  	[tilespmem:s21], [sflag:$0x7] =	stream.linear.gather [hbm4b:s24+s3], $0x80, $0x38;
	[tilespmem:$0x1C000] =	vst v63  }
0xb8: {  	_ =	swait.ge [sflag:s22], $0x80  }
0xb9: {  	[sflag:s22] =	ssyncset.done $0x0  }
0xba: {  	[sflag:s22] =	ssyncadd.s32 $0xFFFFFF80  }
0xbb: {  	_ =	swait.ge [sflag:s22], $0x80  }
0xbc: {  	[sflag:s22] =	ssyncset.done $0x0  }
0xbd: {  	[sflag:s22] =	ssyncadd.s32 $0xFFFFFF80  }
0xbe: {  	[tilespmem:s23], [sflag:$0x1] =	stream.indirect.gather [hbm4b:s5+s18], $0x80, s3, s18, $0xb8;
	[tilespmem:$0x1C000] =	vst v63  }
0xbf: {  	_ =	swait.ge [sflag:s25], $0x4000  }
0xc0: {  	[sflag:s25] =	ssyncset.done $0x0  }
0xc1: {  	s8 =	simm.s32 @!p1 $0x4;
	[sflag:s25] =	ssyncadd.s32 $0xFFFFC000  }
0xc2: {  	[spmem:s2] =	stream.indirect.scatter.add.f32 [tilespmem:s23], [sflag:$0x3], $0x80, s19, s18, $0xb8;
	[tilespmem:$0x1C000] =	vst v63  }
0xc3: {  	_ =	swait.ge @!p1 [sflag:s8], $0x4000  }
0xc4: {  	s10 =	sor.u32 $0x30, s10;
	[sflag:s8] =	ssyncset.done @!p1 $0x0  }
0xc5: {  	s13 =	sadd.s32 s1, s10;
	[sflag:s8] =	ssyncadd.s32 @!p1 $0xFFFFC000  }
0xc6: {  	[tilespmem:s26], [sflag:$0x8] =	stream.linear.gather [hbm4b:s13+s3], $0x80, $0x38;
	[tilespmem:$0x1C000] =	vst v63  }
0xc7: {  	s14 =	sadd.s32 s6, s10  }
0xc8: {  	[tilespmem:s28], [sflag:$0x8] =	stream.linear.gather [hbm4b:s14+s3], $0x80, $0x38;
	[tilespmem:$0x1C000] =	vst v63  }
0xc9: {  	_ =	swait.ge [sflag:s29], $0x80  }
0xca: {  	[sflag:s29] =	ssyncset.done $0x0  }
0xcb: {  	[sflag:s29] =	ssyncadd.s32 $0xFFFFFF80  }
0xcc: {  	_ =	swait.ge [sflag:s29], $0x80  }
0xcd: {  	[sflag:s29] =	ssyncset.done $0x0  }
0xce: {  	[sflag:s29] =	ssyncadd.s32 $0xFFFFFF80  }
0xcf: {  	[tilespmem:s30], [sflag:$0x2] =	stream.indirect.gather [hbm4b:s5+s18], $0x80, s18, s18, $0xb8;
	[tilespmem:$0x1C000] =	vst v63  }
0xd0: {  	_ =	swait.ge [sflag:s31], $0x4000  }
0xd1: {  	[sflag:s31] =	ssyncset.done $0x0  }
0xd2: {  	s15 =	simm.s32 $0x280;
	[sflag:s31] =	ssyncadd.s32 $0xFFFFC000  }
0xd3: {  	[spmem:s2] =	stream.indirect.scatter.add.f32 [tilespmem:s30], [sflag:$0x4], $0x80, s15, s18, $0xb8;
	[tilespmem:$0x1C000] =	vst v63  }
0xd4: {  	p0 =	seq.s32 s12, $0x4C0;
	_ =	swait.ge [sflag:s0], $0x4000  }
0xd5: {  	s13 =	simm.s32 @!p0 $0x0;
	s8 =	rddreg [dreg:$0x4]  }
0xd6: {  	s10 =	rddreg [dreg:$0x5];
	[sflag:s0] =	ssyncset.done $0x0;
	s8 =	sadd.s32 @!p0 s12, s8  }
0xd7: {  	[sflag:s0] =	ssyncadd.s32 $0xFFFFC000;
	s10 =	sadd.s32 @!p0 s12, s10;
	s14 =	sadd.s32 @!p0 $0x40, s8  }
0xd8: {  	[tilespmem:s13], [sflag:$0x5] =	stream.linear.gather @!p0 [hbm4b:s14+s13], $0x80, $0x38;
	[tilespmem:$0x1C000] =	vst v63  }
0xd9: {  	s12 =	sadd.s32 @!p0 $0x40, s10;
	s14 =	simm.s32 @!p0 $0x200  }
0xda: {  	[tilespmem:s14], [sflag:$0x5] =	stream.linear.gather @!p0 [hbm4b:s12+s13], $0x80, $0x38;
	[tilespmem:$0x1C000] =	vst v63  }
0xdb: {  	_ =	swait.ge [sflag:s4], $0x80  }
0xdc: {  	[sflag:s4] =	ssyncset.done $0x0  }
0xdd: {  	[sflag:s4] =	ssyncadd.s32 $0xFFFFFF80  }
0xde: {  	_ =	swait.ge [sflag:s4], $0x80  }
0xdf: {  	[sflag:s4] =	ssyncset.done $0x0  }
0xe0: {  	[sflag:s4] =	ssyncadd.s32 $0xFFFFFF80  }
0xe1: {  	[tilespmem:s23], [sflag:$0x1] =	stream.indirect.gather [hbm4b:s5+s18], $0x80, s20, s18, $0xb8;
	[tilespmem:$0x1C000] =	vst v63  }
0xe2: {  	_ =	swait.ge [sflag:s25], $0x4000  }
0xe3: {  	[sflag:s25] =	ssyncset.done $0x0  }
0xe4: {  	[sflag:s25] =	ssyncadd.s32 $0xFFFFC000  }
0xe5: {  	[spmem:s2] =	stream.indirect.scatter.add.f32 [tilespmem:s23], [sflag:$0x3], $0x80, s21, s18, $0xb8;
	[tilespmem:$0x1C000] =	vst v63  }
0xe6: {  	_ =	swait.ge [sflag:s7], $0x4000  }
0xe7: {  	[sflag:s7] =	ssyncset.done $0x0  }
0xe8: {  	s8 =	sadd.s32 @!p0 $0x50, s8;
	s12 =	simm.s32 @!p0 $0x80;
	[sflag:s7] =	ssyncadd.s32 $0xFFFFC000  }
0xe9: {  	[tilespmem:s12], [sflag:$0x6] =	stream.linear.gather @!p0 [hbm4b:s8+s13], $0x80, $0x38;
	[tilespmem:$0x1C000] =	vst v63  }
0xea: {  	s8 =	sadd.s32 @!p0 $0x50, s10;
	s10 =	simm.s32 @!p0 $0x280  }
0xeb: {  	[tilespmem:s10], [sflag:$0x6] =	stream.linear.gather @!p0 [hbm4b:s8+s13], $0x80, $0x38;
	[tilespmem:$0x1C000] =	vst v63  }
0xec: {  	_ =	swait.ge [sflag:s9], $0x80  }
0xed: {  	[sflag:s9] =	ssyncset.done $0x0  }
0xee: {  	[sflag:s9] =	ssyncadd.s32 $0xFFFFFF80  }
0xef: {  	_ =	swait.ge [sflag:s9], $0x80  }
0xf0: {  	[sflag:s9] =	ssyncset.done $0x0  }
0xf1: {  	[sflag:s9] =	ssyncadd.s32 $0xFFFFFF80  }
0xf2: {  	[tilespmem:s30], [sflag:$0x2] =	stream.indirect.gather [hbm4b:s5+s18], $0x80, s26, s18, $0xb8;
	[tilespmem:$0x1C000] =	vst v63  }
0xf3: {  	_ =	swait.ge [sflag:s31], $0x4000  }
0xf4: {  	[sflag:s31] =	ssyncset.done $0x0  }
0xf5: {  	[sflag:s31] =	ssyncadd.s32 $0xFFFFC000  }
0xf6: {  	[spmem:s2] =	stream.indirect.scatter.add.f32 [tilespmem:s30], [sflag:$0x4], $0x80, s28, s18, $0xb8;
	[tilespmem:$0x1C000] =	vst v63  }
0xf7: {  	_ =	swait.ge [sflag:s0], $0x4000  }
0xf8: {  	[sflag:s0] =	ssyncset.done $0x0  }
0xf9: {  	[sflag:s0] =	ssyncadd.s32 $0xFFFFC000  }
0xfa: {  	_ =	swait.ge [sflag:s7], $0x4000  }
0xfb: {  	[sflag:s7] =	ssyncset.done $0x0  }
0xfc: {  	[sflag:s7] =	ssyncadd.s32 $0xFFFFC000  }
0xfd: {  	[bflag:$0x0] =	sbarrier.arrive $0xFFFF  }
0xfe: {  	s15 =	rddreg [dreg:$0x7]  }
0xff: {  	s10 =	rddreg [dreg:$0xd]  }
0x100: {  	s12 =	simm.s32 $0x9;
	s16 =	rddreg [dreg:$0xe]  }
0x101: {  	[hbm:s16], [sflag:s15] =	dma.local [spmem:s10], $0x2780  }
0x102: {  	_ =	swait.ge [sflag:s12], $0x2780  }
0x103: {  	s17 =	rddreg [dreg:$0xf]  }
0x104: {  	s24 =	rddreg [dreg:$0xc];
	s13 =	sadd.s32 $0x1, s17  }
0x105: {  	p0 =	sne.s32 s13, s24  }
.Ltmp1:
0x106: {  	_ = 	snop;
	(pc) =	sbr.rel @p0 .LBB2_1-.Ltmp1, $3  }
0x107: {  	_ =	sdelay $0x1  }
0x108: {  	[sflag:s12] =	ssyncset.done $0x0  }
0x109: {  	[sflag:s12] =	ssyncadd.s32 $0xFFFFD880  }
0x10a: {  	_ =	sfence.sel $0x180000  }
0x10b: {  	[bflag:$0x0] =	sbarrier.arrive $0xFFFF  }
0x10c: {  	_ =	strace $0x9000004D  }
0x10d: {  	s0 =	stileid.u32;
	[bflag:$0x2] =	sbarrier.arrive $0xFFFF  }
0x10e: {  	p0 =	sne.s32 s0, $0x0;
	s0 =	rddreg [dreg:$0x3]  }
0x10f: {  	s0 =	sadd.s32 @!p0 $0x100000, s0  }
0x110: {  	[sflag:s0] =	ssyncadd.tile.s32 @!p0 $0x1;
	_ =	shalt  }
.Lfunc_end2:
_tile_overlayer_lowered:
.L_overlay_start_2:
0x111: {  	(tag) =	ssettag $0x2  }
0x112: {  	s0 =	rddreg [dreg:$0x0];
	s2 =	stileid.u32  }
0x113: {  	s1 =	rddreg [dreg:$0x1];
	p0 =	sne.s32 s2, $0x0  }
0x114: {  	s3 =	rddreg [dreg:$0x2];
	[bflag:$0x3] =	sbarrier.arrive $0xFFFF;
	s2 =	simm.s32 @!p0 $0x1C09  }
0x115: {  	[timem:s3], [sflag:s2] =	dma.local @!p0 [hbm:s0], s1  }
0x116: {  	s0 =	simm.s32 @!p0 $0x9  }
0x117: {  	_ =	swait.ge @!p0 [sflag:s0], s1  }
0x118: {  	s1 =	ssub.s32 @!p0 $0x0, s1;
	[sflag:s0] =	ssyncset.done @!p0 $0x0  }
0x119: {  	[sflag:s0] =	ssyncadd.s32 @!p0 s1  }
0x11a: {  	[bflag:$0x3] =	sbarrier.arrive $0xFFFF  }
0x11b: {  	_ =	shalt  }

// kernel: kernel.8.cloned.1.call-start
scs
__scs_entry_jumppad:
0x0: {  	(pc) =	sbr.rel $0x88, $3  }
0x1: {  	(tag) =	ssettag $0x0;
	lr =	simm.s32 $0x1  }
0x2: {  	[smem:$0x3F91] =	sst lr;
	_ =	strace $0xD0000000  }
0x3: {  	_ = 	snop  }
0x4: {  	_ = 	snop  }
0x5: {  	_ = 	snop  }
0x6: {  	_ = 	snop  }
0x7: {  	_ = 	snop  }
__scs_overlays_trampoline_lowered:
0x8: {  	[smem:$0x3FA0] =	sst s0  }
0x9: {  	[smem:$0x3FA1] =	sst s1  }
0xa: {  	[smem:$0x3FA2] =	sst s2  }
0xb: {  	[smem:$0x3FA3] =	sst s3  }
0xc: {  	[smem:$0x3FA4] =	sst s4  }
0xd: {  	[smem:$0x3FA5] =	sst s5  }
0xe: {  	[smem:$0x3FA6] =	sst s6  }
0xf: {  	[smem:$0x3FA7] =	sst s7  }
0x10: {  	[smem:$0x3FA8] =	sst s8  }
0x11: {  	[smem:$0x3FA9] =	sst s9;
	s0 =	simm.s32 @!p0 $0x0  }
0x12: {  	s1 =	sld [smem:$0x3F8F];
	s0 =	simm.s32 @p0 $0x1  }
0x13: {  	[smem:$0x3FAA] =	sst s0;
	s0 =	simm.s32 @!p1 $0x0  }
0x14: {  	s2 =	sld [smem:$0x3F8E];
	s0 =	simm.s32 @p1 $0x1  }
0x15: {  	[smem:$0x3FAB] =	sst s0;
	s0 =	simm.s32 @!p2 $0x0  }
0x16: {  	s3 =	sld [smem:$0x3FDB];
	s0 =	simm.s32 @p2 $0x1  }
0x17: {  	s4 =	simm.s32 $0x1BF5;
	[smem:$0x3FAD] =	sst s0  }
0x18: {  	s0 =	sld [smem:$0x3F90];
	_ =	swait.ge [sflag:s4], $0x0  }
0x19: {  	s7 =	sld [smem:$0x3F91]  }
0x1a: {  	s8 =	sadd.s32 $0xFFFFE003, lr  }
0x1b: {  	s9 =	sadd.s32 $0xFFFFFEF7, lr;
	s5 =	simm.s32 $0xFFFFFFFF;
	p2 =	slt.u32 s8, $0xFFFFF086  }
0x1c: {  	p1 =	slt.u32 s9, $0xF7A;
	s5 =	simm.s32 @!p2 $0x0  }
0x1d: {  	s5 =	simm.s32 @p1 $0x1;
	p0 =	seq.s32 s7, s2  }
0x1e: {  	s7 =	smul.u32 @!p0 $0xF7A, s2;
	p2 =	seq.s32 @!p0 s5, $0x0  }
0x1f: {  	s9 =	smul.u32 $0xF7A, s1;
	s8 =	simm.s32 @!p0 $0x1BF5;
	p2 =	por !p2, p0  }
0x20: {  	[sflag:s8] =	ssyncset.s32 @!p0 $0xFFFFF086;
	s6 =	sadd.s32 @!p0 s3, s7;
	s7 =	simm.s32 @!p0 $0x108  }
0x21: {  	s3 =	sadd.s32 s3, s9;
	s6 =	sadd.s32 @!p0 $0x88, s6;
	s7 =	simm.s32 @p2 $0x1082  }
0x22: {  	[simem:s7], [sflag:s8] =	dma.local @!p0 [hbm:s6], $0xF7A  }
0x23: {  	s9 =	sor.u32 $0xD0000000, s2;
	s6 =	simm.s32 $0x108;
	_ =	swait.ge @!p0 [sflag:s8], $0x0  }
0x24: {  	s3 =	sadd.s32 $0x88, s3;
	s6 =	simm.s32 @!p1 $0x1082;
	[sflag:s4] =	ssyncset.s32 $0xFFFFF086  }
0x25: {  	[simem:s6], [sflag:s4] =	dma.local [hbm:s3], $0xF7A  }
0x26: {  	[smem:$0x3F91] =	sst s1;
	(tag) =	ssettag s2;
	_ =	strace s9  }
0x27: {  	s1 =	sld [smem:$0x3FA1]  }
0x28: {  	s2 =	sld [smem:$0x3FA2]  }
0x29: {  	s4 =	sld [smem:$0x3FA4]  }
0x2a: {  	p0 =	seq.s32 s5, $0x0;
	s5 =	sld [smem:$0x3FA5]  }
0x2b: {  	s6 =	sld [smem:$0x3FA6]  }
0x2c: {  	s7 =	sld [smem:$0x3FA7]  }
0x2d: {  	s3 =	simm.s32 $0x108;
	s8 =	sld [smem:$0x3FA8]  }
0x2e: {  	s3 =	simm.s32 @!p0 $0x1082;
	s9 =	sld [smem:$0x3FA9]  }
0x2f: {  	lr =	sadd.s32 s0, s3;
	s0 =	sld [smem:$0x3FA0]  }
0x30: {  	s3 =	sld [smem:$0x3FA3]  }
0x31: {  	[smem:$0x3FAC] =	sst s10  }
0x32: {  	s10 =	sld [smem:$0x3FAA];
	_ =	sdelay $0x3  }
0x33: {  	p0 =	seq.s32 s10, $0x1;
	s10 =	sld [smem:$0x3FAC];
	_ =	sdelay $0x3  }
0x34: {  	[smem:$0x3FAC] =	sst s10  }
0x35: {  	s10 =	sld [smem:$0x3FAB];
	_ =	sdelay $0x3  }
0x36: {  	p1 =	seq.s32 s10, $0x1;
	s10 =	sld [smem:$0x3FAC];
	_ =	sdelay $0x3  }
0x37: {  	[smem:$0x3FAC] =	sst s10  }
0x38: {  	s10 =	sld [smem:$0x3FAD]  }
0x39: {  	_ = 	snop;
	(pc) =	sbr.ind lr, $3  }
0x3a: {  	_ = 	snop  }
0x3b: {  	_ = 	snop  }
0x3c: {  	p2 =	seq.s32 s10, $0x1;
	s10 =	sld [smem:$0x3FAC]  }
0x3d: {  	_ =	shalt  }
0x3e: {  	_ =	shalt  }
0x3f: {  	_ =	shalt  }
0x40: {  	_ =	shalt  }
0x41: {  	_ =	shalt  }
0x42: {  	_ =	shalt  }
0x43: {  	_ =	shalt  }
0x44: {  	_ =	shalt  }
0x45: {  	_ =	shalt  }
0x46: {  	_ =	shalt  }
0x47: {  	_ =	shalt  }
0x48: {  	_ =	shalt  }
0x49: {  	_ =	shalt  }
0x4a: {  	_ =	shalt  }
0x4b: {  	_ =	shalt  }
0x4c: {  	_ =	shalt  }
0x4d: {  	_ =	shalt  }
0x4e: {  	_ =	shalt  }
0x4f: {  	_ =	shalt  }
0x50: {  	_ =	shalt  }
0x51: {  	_ =	shalt  }
0x52: {  	_ =	shalt  }
0x53: {  	_ =	shalt  }
0x54: {  	_ =	shalt  }
0x55: {  	_ =	shalt  }
0x56: {  	_ =	shalt  }
0x57: {  	_ =	shalt  }
0x58: {  	_ =	shalt  }
0x59: {  	_ =	shalt  }
0x5a: {  	_ =	shalt  }
0x5b: {  	_ =	shalt  }
0x5c: {  	_ =	shalt  }
0x5d: {  	_ =	shalt  }
0x5e: {  	_ =	shalt  }
0x5f: {  	_ =	shalt  }
0x60: {  	_ =	shalt  }
0x61: {  	_ =	shalt  }
0x62: {  	_ =	shalt  }
0x63: {  	_ =	shalt  }
0x64: {  	_ =	shalt  }
0x65: {  	_ =	shalt  }
0x66: {  	_ =	shalt  }
0x67: {  	_ =	shalt  }
0x68: {  	_ =	shalt  }
0x69: {  	_ =	shalt  }
0x6a: {  	_ =	shalt  }
0x6b: {  	_ =	shalt  }
0x6c: {  	_ =	shalt  }
0x6d: {  	_ =	shalt  }
0x6e: {  	_ =	shalt  }
0x6f: {  	_ =	shalt  }
0x70: {  	_ =	shalt  }
0x71: {  	_ =	shalt  }
0x72: {  	_ =	shalt  }
0x73: {  	_ =	shalt  }
0x74: {  	_ =	shalt  }
0x75: {  	_ =	shalt  }
0x76: {  	_ =	shalt  }
0x77: {  	_ =	shalt  }
0x78: {  	_ =	shalt  }
0x79: {  	_ =	shalt  }
0x7a: {  	_ =	shalt  }
0x7b: {  	_ =	shalt  }
0x7c: {  	_ =	shalt  }
0x7d: {  	_ =	shalt  }
0x7e: {  	_ =	shalt  }
0x7f: {  	_ =	shalt  }
0x80: {  	_ =	shalt  }
0x81: {  	_ =	shalt  }
0x82: {  	_ =	shalt  }
0x83: {  	_ =	shalt  }
0x84: {  	_ =	shalt  }
0x85: {  	_ =	shalt  }
0x86: {  	_ =	shalt  }
0x87: {  	_ =	shalt  }
.Lfunc_end0:
.L_simem_size_0:
called_computation_lowered:
.L_overlay_start_0:
0x88: {  	s2 =	sld [smem:$0x3FD9]  }
0x89: {  	s3 =	sld [smem:$0x3FFE];
	_ =	sdelay $0x1  }
0x8a: {  	s1 =	srdreg.scid  }
0x8b: {  	s0 =	sand.u32 $0x1, s1  }
0x8c: {  	s16 =	sshll.u32 s0, $0xA;
	s2 =	sadd.s32 s3, s2  }
0x8d: {  	s2 =	sadd.s32 s2, s16  }
0x8e: {  	[smem:$0x3FB8] =	sst s2  }
0x8f: {  	_ = 	snop  }
0x90: {  	(tm) =	ssettm $0x1  }
0x91: {  	s17 =	sld [smem:$0x3FFB];
	_ =	sdelay $0x3  }
0x92: {  	_ =	strace s17  }
0x93: {  	s2 =	sld [smem:$0x3FFC];
	_ =	sdelay $0x3  }
0x94: {  	_ =	strace s2  }
0x95: {  	s2 =	sld [smem:$0x3FFD];
	_ =	sdelay $0x3  }
0x96: {  	_ =	strace s2  }
0x97: {  	_ =	strace $0x8FFFFFFF  }
0x98: {  	s18 =	sld [smem:$0x3FDB];
	_ =	sdelay $0x1  }
0x99: {  	s19 =	simm.s32 $_scs_section_size  }
0x9a: {  	s4 =	simm.s32 $_size__tile_overlayer_lowered;
	s5 =	simm.s32 $_tile_overlayer_lowered  }
0x9b: {  	s22 =	simm.s32 $0x1BFF;
	s21 =	sshll.u32 s5, $0x1;
	s2 =	sadd.s32 s19, s18  }
0x9c: {  	s6 =	simm.s32 $0x0;
	s20 =	sshll.u32 s4, $0x1;
	s4 =	sadd.s32 s21, s2  }
0x9d: {  	[timem:s6], [sflag:s22] =	dma.local [hbm:s4], s20  }
0x9e: {  	_ =	swait.ge [sflag:s22], s20  }
0x9f: {  	s3 =	ssub.s32 $0x0, s20;
	[sflag:s22] =	ssyncset.done $0x0  }
0xa0: {  	[sflag:s22] =	ssyncadd.s32 s3;
	_ =	sdelay $0x1  }
0xa1: {  	s23 =	simm.s32 $0x1B8B  }
0xa2: {  	_ =	swait.ge [sflag:s23], $0x1  }
0xa3: {  	[sflag:s23] =	ssyncset.done $0x0  }
0xa4: {  	s25 =	simm.s32 $0x1B8E;
	s24 =	sld [smem:$0x3FFE];
	[sflag:s23] =	ssyncadd.s32 $0xFFFFFFFF  }
0xa5: {  	s26 =	simm.s32 $execute0_lowered;
	[smem:$0x3FD2] =	sst s25  }
0xa6: {  	s4 =	sshll.u32 s26, $0x1;
	_ =	strace $0x80000046;
	[dreg:$0x1] =	wrdreg $0xFFFFFFFF  }
0xa7: {  	s28 =	simm.s32 $_size_execute0_lowered;
	s2 =	sadd.s32 s2, s4;
	[dreg:$0x0] =	wrdreg $0x0  }
0xa8: {  	s4 =	sshll.u32 s28, $0x1;
	[dreg:$0x2] =	wrdreg s2  }
0xa9: {  	[dreg:$0x3] =	wrdreg s4  }
0xaa: {  	[dreg:$0x4] =	wrdreg $0xC0  }
0xab: {  	_ =	task [dreg:s6], $0x5FFFF  }
0xac: {  	[dreg:$0x1] =	wrdreg $0xFFFFFFFF  }
0xad: {  	[dreg:$0x0] =	wrdreg $0x60  }
0xae: {  	[dreg:$0x2] =	wrdreg s24  }
0xaf: {  	[dreg:$0x3] =	wrdreg $0x68000  }
0xb0: {  	[dreg:$0x4] =	wrdreg $0x9  }
0xb1: {  	_ =	task.clear_ibuf [dreg:s6], $0x5FFFF;
	_ =	strace $0x90000046  }
0xb2: {  	s29 =	simm.s32 $0x9;
	_ =	strace $0x80000048  }
0xb3: {  	_ =	swait.ge [sflag:s29], $0x1  }
0xb4: {  	[sflag:s29] =	ssyncadd.s32 $0xFFFFFFFF  }
0xb5: {  	_ =	strace $0x90000048  }
0xb6: {  	_ =	sfence  }
0xb7: {  	s30 =	sld [smem:$0x0];
	_ =	sdelay $0x2  }
0xb8: {  	s31 =	sshll.u32 s1, $0xD;
	s1 =	sshrl.u32 s1, $0x2  }
0xb9: {  	s3 =	sand.u32 $0x4000, s31;
	s1 =	sadd.s32 s1, s30  }
0xba: {  	s0 =	sor.u32 s3, s0;
	s1 =	sshll.u32 s1, $0x11  }
0xbb: {  	s0 =	sor.u32 s1, s0  }
0xbc: {  	s0 =	sadd.s32 $0x8F2B, s0  }
0xbd: {  	[sflag:s0] =	ssyncadd.remote.s32 $0x1  }
0xbe: {  	_ =	sfence.sel $0xFFFF  }
0xbf: {  	[dreg:$0x0] =	wrdreg $0xFFFFFFFF;
	(pc) =	sbr.abs _section_cstart, $3  }
0xc0: {  	[dreg:$0x1] =	wrdreg $0xFFFFFFFF  }
0xc1: {  	_ =	task.clear_ibuf [dreg:s6], $0x2FFFF;
	_ =	strace $0x9FFFFFFF  }
0xc2: {  	(tm) =	ssettm $0x7FFFFFFF  }
0xc3: {  	_ =	shalt  }
tec
execute0_lowered:
.L_overlay_start_1:
0x0: {  	(tag) =	ssettag $0x1  }
0x1: {  	s1 =	srdreg.scid  }
0x2: {  	s0 =	stileid.u32;
	s6 =	rddreg [dreg:$0x0]  }
0x3: {  	s2 =	rddreg [dreg:$0x1];
	s3 =	simm.s32 $0x0;
	s12 =	simm.s32 $0x80  }
0x4: {  	s13 =	simm.s32 $0x1;
	s7 =	sand.u32 $0x1, s1;
	s1 =	rddreg [dreg:$0x2]  }
0x5: {  	s29 =	sshll.u32 s0, $0x1;
	[smem:$0x7FF] =	sst s3;
	s10 =	smul.u32 $0x4F000, s0  }
0x6: {  	s5 =	sadd.s32 $0xE800, s6;
	s31 =	sshll.u32 s0, $0x6;
	s15 =	smul.u32 $0x2780, s0  }
0x7: {  	s4 =	sor.u32 s7, s29;
	s8 =	smul.u32 $0x27800, s7;
	s7 =	ssub.s32 $0x2, s7  }
0x8: {  	_ =	strace $0x80000047;
	s4 =	smul.u32 $0x500, s4;
	s30 =	sshrl.u32 s7, $0x1  }
0x9: {  	s10 =	sshrl.u32 s10, $0x2;
	s8 =	sadd.s32 s8, s6;
	s11 =	ssub.s32 s7, s30  }
0xa: {  	s10 =	sadd.s32 s10, s2;
	s9 =	sadd.s32 s4, s6;
	s4 =	sadd.s32 $0x11000, s6  }
0xb: {  	s6 =	sor.u32 $0x1C02, s31;
	s14 =	sadd.s32 $0x11800, s8;
	s8 =	smax.u32 s11, $0x1  }
0xc: {  	s11 =	simm.s32 $0x2800;
	s7 =	sadd.s32 $0x4800, s9;
	s9 =	sshrl.u32 s10, $0x3  }
0xd: {  	s10 =	simm.s32 $0x2;
	s14 =	sadd.s32 s15, s14;
	s15 =	simm.s32 $0x0  }
.LBB2_1:
0xe: {  	[spmem:s9], [sflag:s6] =	dma.local [hbm:s5], $0x2780  }
0xf: {  	_ =	swait.ge [sflag:s10], $0x2780  }
0x10: {  	[sflag:s10] =	ssyncset.done $0x0  }
0x11: {  	[sflag:s10] =	ssyncadd.s32 $0xFFFFD880  }
0x12: {  	[tilespmem:s11], [sflag:$0x2] =	stream.linear.gather [hbm4b:s4+s3], $0x4000, $0x38;
	[tilespmem:$0x1A400] =	vst v63  }
0x13: {  	_ =	swait.ge [sflag:s10], $0x4000  }
0x14: {  	[sflag:s10] =	ssyncset.done $0x0  }
0x15: {  	[sflag:s10] =	ssyncadd.s32 $0xFFFFC000  }
0x16: {  	[tilespmem:s3], [sflag:$0x2] =	stream.linear.gather [hbm4b:s7+s3], $0x2800, $0x38;
	[tilespmem:$0x1A400] =	vst v63  }
0x17: {  	_ =	swait.ge [sflag:s10], $0x2800  }
0x18: {  	[sflag:s10] =	ssyncset.done $0x0  }
0x19: {  	[sflag:s10] =	ssyncadd.s32 $0xFFFFD800  }
0x1a: {  	s16 =	simm.s32 $0x0;
	[bflag:$0x0] =	sbarrier.arrive $0xFFFF  }
.LBB2_2:
0x1b: {  	p0 =	sne.s32 s16, $0x9E00  }
.Ltmp0:
0x1c: {  	_ = 	snop;
	(pc) =	sbr.rel @p0 .LBB2_2-.Ltmp0, $3  }
0x1d: {  	_ =	sdelay $0x1  }
0x1e: {  	s17 =	sshra.s32 s16, $0x2;
	s16 =	sadd.s32 $0x200, s16  }
0x1f: {  	[spmem:s2] =	stream.indirect.scatter.add.f32 [tilespmem:s11], [sflag:$0x1], $0x80, s17, s12, $0xb8;
	[tilespmem:$0x1A400] =	vst v63  }
0x20: {  	_ =	swait.ge [sflag:s13], $0x4000  }
0x21: {  	s16 =	simm.s32 $0x4F;
	[sflag:s13] =	ssyncset.done $0x0  }
.LBB2_4:
0x22: {  	p0 =	sne.s32 s16, $0x1;
	s16 =	sadd.s32 $0xFFFFFFFF, s16;
	[sflag:s13] =	ssyncadd.s32 $0xFFFFC000  }
.Ltmp1:
0x23: {  	(pc) =	sbr.rel @p0 .LBB2_4-.Ltmp1, $3  }
0x24: {  	_ =	sdelay $0x1  }
0x25: {  	_ =	swait.ge [sflag:s13], $0x4000  }
0x26: {  	[sflag:s13] =	ssyncset.done $0x0  }
0x27: {  	s15 =	sadd.s32 $0x1, s15  }
0x28: {  	[sflag:s13] =	ssyncadd.s32 $0xFFFFC000;
	p0 =	sne.s32 s15, s8  }
.Ltmp2:
0x29: {  	[bflag:$0x0] =	sbarrier.arrive $0xFFFF;
	(pc) =	sbr.rel @p0 .LBB2_1-.Ltmp2, $4  }
0x2a: {  	[hbm:s14], [sflag:s6] =	dma.local [spmem:s9], $0x2780  }
0x2b: {  	_ =	swait.ge [sflag:s10], $0x2780  }
0x2c: {  	[sflag:s10] =	ssyncset.done $0x0  }
0x2d: {  	[sflag:s10] =	ssyncadd.s32 $0xFFFFD880  }
0x2e: {  	_ =	sfence.sel $0x180000  }
0x2f: {  	[bflag:$0x0] =	sbarrier.arrive $0xFFFF  }
0x30: {  	p0 =	sne.s32 s0, $0x0;
	_ =	strace $0x90000047  }
0x31: {  	s0 =	sadd.s32 @!p0 $0x100000, s1;
	[bflag:$0x2] =	sbarrier.arrive $0xFFFF  }
0x32: {  	[sflag:s0] =	ssyncadd.tile.s32 @!p0 $0x1;
	_ =	shalt  }
.Lfunc_end2:
_tile_overlayer_lowered:
.L_overlay_start_2:
0x33: {  	(tag) =	ssettag $0x2  }
0x34: {  	s0 =	rddreg [dreg:$0x0];
	s2 =	stileid.u32  }
0x35: {  	s1 =	rddreg [dreg:$0x1];
	p0 =	sne.s32 s2, $0x0  }
0x36: {  	s3 =	rddreg [dreg:$0x2];
	[bflag:$0x3] =	sbarrier.arrive $0xFFFF;
	s2 =	simm.s32 @!p0 $0x1C02  }
0x37: {  	[timem:s3], [sflag:s2] =	dma.local @!p0 [hbm:s0], s1  }
0x38: {  	s0 =	simm.s32 @!p0 $0x2  }
0x39: {  	_ =	swait.ge @!p0 [sflag:s0], s1  }
0x3a: {  	s1 =	ssub.s32 @!p0 $0x0, s1;
	[sflag:s0] =	ssyncset.done @!p0 $0x0  }
0x3b: {  	[sflag:s0] =	ssyncadd.s32 @!p0 s1  }
0x3c: {  	[bflag:$0x3] =	sbarrier.arrive $0xFFFF  }
0x3d: {  	_ =	shalt  }

</sc_bundles>
